<compile_context>
chip_gen: v7x
topology: tpu7x:2x2x1
jax: 0.10.2.dev20260603
libtpu: 0.0.44.dev20260713+nightly
codegen_flags: <defaults>
</compile_context>

<pallas_src>
import functools

import jax
import jax.numpy as jnp
from jax import lax
from jax.experimental import pallas as pl
from jax.experimental.pallas import tpu as pltpu
from jax.experimental.pallas import tpu_sc as plsc

NC = 2
NS = 16
LANES = 16
CHUNK = 128


def _fill_vmem_zeros(ref, rows, cols):
    per_row = cols // LANES

    def body(i, carry):
        r = i // per_row
        j = i % per_row
        ref[r, pl.ds(j * LANES, LANES)] = jnp.zeros((LANES,), jnp.float32)
        return carry

    lax.fori_loop(0, rows * per_row, body, None)


@functools.lru_cache(maxsize=None)
def _make_sc_kernels(n_pad, e_pad, d, q0, q1):
    rows_per_sub = n_pad // NS
    edges_per_worker = e_pad // (NC * NS)
    n_chunks = edges_per_worker // CHUNK
    mesh = plsc.VectorSubcoreMesh(core_axis_name="c", subcore_axis_name="s")

    @functools.partial(
        pl.kernel,
        out_type=jax.ShapeDtypeStruct((NC, n_pad), jnp.float32),
        mesh=mesh,
        scratch_types=[
            pltpu.VMEM((n_chunks, CHUNK), jnp.int32),
            pltpu.VMEM((CHUNK,), jnp.float32),
            pltpu.VMEM((rows_per_sub,), jnp.float32),
            pltpu.VMEM_SHARED((n_pad,), jnp.float32),
            pltpu.SemaphoreType.DMA,
        ],
    )
    def deg_kernel(dst_hbm, out_hbm, idx_v, ones_v, zbuf_v, acc_s, sem):
        c = lax.axis_index("c")
        s = lax.axis_index("s")
        wid = c * NS + s

        def fill_ones(i, carry):
            ones_v[pl.ds(i * LANES, LANES)] = jnp.ones((LANES,), jnp.float32)
            return carry

        lax.fori_loop(0, CHUNK // LANES, fill_ones, None)

        def fill_zeros(i, carry):
            zbuf_v[pl.ds(i * LANES, LANES)] = jnp.zeros((LANES,), jnp.float32)
            return carry

        lax.fori_loop(0, rows_per_sub // LANES, fill_zeros, None)
        pltpu.sync_copy(zbuf_v, acc_s.at[pl.ds(s * rows_per_sub, rows_per_sub)])
        pltpu.sync_copy(dst_hbm.at[wid], idx_v)
        plsc.subcore_barrier()

        kgrp = 8

        def body(g, carry):
            descs = [
                pltpu.async_copy(
                    ones_v, acc_s.at[idx_v.at[g * kgrp + b]], sem, add=True)
                for b in range(kgrp)
            ]
            for dsc in descs:
                dsc.wait()
            return carry

        lax.fori_loop(0, n_chunks // kgrp, body, None)
        plsc.subcore_barrier()
        pltpu.sync_copy(
            acc_s.at[pl.ds(s * rows_per_sub, rows_per_sub)],
            out_hbm.at[c, pl.ds(s * rows_per_sub, rows_per_sub)],
        )

    pchunk = 128
    wchunks = 8
    nbuf = 2

    @functools.partial(
        pl.kernel,
        out_type=jax.ShapeDtypeStruct((NC, n_pad, d), jnp.float32),
        mesh=mesh,
        scratch_types=[
            pltpu.VMEM((2, wchunks, pchunk), jnp.int32),
            pltpu.VMEM((2, wchunks, pchunk), jnp.int32),
            pltpu.VMEM((nbuf, pchunk, d), jnp.float32),
            pltpu.VMEM_SHARED((n_pad, d), jnp.float32),
            pltpu.SemaphoreType.DMA,
            pltpu.SemaphoreType.DMA,
        ],
    )
    def prop_kernel(hs_hbm, src_hbm, dst_hbm, out_hbm,
                    si_v, di_v, rows_v, acc_s, sem_g, sem_s):
        c = lax.axis_index("c")
        s = lax.axis_index("s")
        qw = jnp.where(c == 0, q0, q1)
        wbase = c * (NS * q0) + s * qw
        nchunk_w = qw * wchunks

        _fill_vmem_zeros(rows_v.at[0], pchunk, d)

        def zero_acc(k, carry):
            pltpu.sync_copy(
                rows_v.at[0],
                acc_s.at[pl.ds(s * rows_per_sub + k * pchunk, pchunk)])
            return carry

        lax.fori_loop(0, rows_per_sub // pchunk, zero_acc, None)
        pltpu.sync_copy(src_hbm.at[wbase], si_v.at[0])
        pltpu.sync_copy(dst_hbm.at[wbase], di_v.at[0])
        plsc.subcore_barrier()

        def fire_gather(ti, buf):
            pltpu.async_copy(
                hs_hbm.at[si_v.at[lax.rem(ti // wchunks, 2),
                                  lax.rem(ti, wchunks)]],
                rows_v.at[buf], sem_g)

        def wait_gather(buf):
            pltpu.make_async_copy(
                hs_hbm.at[si_v.at[0, 0]], rows_v.at[buf], sem_g).wait()

        def fire_scatter(ti, buf):
            pltpu.async_copy(
                rows_v.at[buf],
                acc_s.at[di_v.at[lax.rem(ti // wchunks, 2),
                                 lax.rem(ti, wchunks)]],
                sem_s, add=True)

        def wait_scatter(buf):
            pltpu.make_async_copy(
                rows_v.at[buf], acc_s.at[di_v.at[0, 0]], sem_s).wait()

        for b in range(nbuf):
            fire_gather(b, b)

        def body(ti, carry):
            nxt = ti + nbuf - 1

            @pl.when(jnp.logical_and(lax.rem(nxt, wchunks) == 0,
                                     nxt < nchunk_w))
            def _():
                w1 = nxt // wchunks
                p1 = lax.rem(w1, 2)
                pltpu.sync_copy(src_hbm.at[wbase + w1], si_v.at[p1])
                pltpu.sync_copy(dst_hbm.at[wbase + w1], di_v.at[p1])

            b = lax.rem(ti, nbuf)
            wait_gather(b)
            fire_scatter(ti, b)

            @pl.when(ti >= 1)
            def _():
                bp = lax.rem(ti - 1, nbuf)
                wait_scatter(bp)

                @pl.when(ti - 1 + nbuf < nchunk_w)
                def _():
                    fire_gather(ti - 1 + nbuf, bp)

            return carry

        lax.fori_loop(0, nchunk_w, body, None)
        wait_scatter(lax.rem(nchunk_w - 1, nbuf))
        plsc.subcore_barrier()
        pltpu.sync_copy(
            acc_s.at[pl.ds(s * rows_per_sub, rows_per_sub)],
            out_hbm.at[c, pl.ds(s * rows_per_sub, rows_per_sub)],
        )

    return deg_kernel, prop_kernel


def _mm1_body(x_ref, w_ref, d0_ref, d1_ref, hs_ref, dinv_ref):
    dinv = lax.rsqrt(d0_ref[...] + d1_ref[...] + 1.0)
    h = jnp.dot(x_ref[...], w_ref[...], preferred_element_type=jnp.float32)
    hs_ref[...] = h * dinv
    dinv_ref[...] = dinv


def _mm2_body(p_ref, hs1_ref, dinv_ref, b0_ref, w1_ref, hs2_ref):
    dinv = dinv_ref[...]
    rep = jnp.maximum(
        dinv * (p_ref[0] + p_ref[1] + hs1_ref[...]) + b0_ref[...], 0.0)
    hs2_ref[...] = jnp.dot(
        rep, w1_ref[...], preferred_element_type=jnp.float32) * dinv


def _heads_body(q_ref, hs2_ref, dinv_ref, b1_ref, t_ref,
                w00_ref, b00_ref, w10_ref, b10_ref,
                w01_ref, b01_ref, w11_ref, b11_ref,
                wpp_ref, bpp_ref, p_out, y_out):
    dinv = dinv_ref[...]
    rep = jnp.maximum(
        dinv * (q_ref[0] + q_ref[1] + hs2_ref[...]) + b1_ref[...], 0.0)
    y00 = jnp.maximum(
        jnp.dot(rep, w00_ref[...], preferred_element_type=jnp.float32)
        + b00_ref[...], 0.0)
    y10 = jnp.maximum(
        jnp.dot(rep, w10_ref[...], preferred_element_type=jnp.float32)
        + b10_ref[...], 0.0)
    y0 = jnp.dot(y00, w01_ref[...], preferred_element_type=jnp.float32) \
        + b01_ref[0, 0]
    y1 = jnp.dot(y10, w11_ref[...], preferred_element_type=jnp.float32) \
        + b11_ref[0, 0]
    y_out[...] = jnp.where(t_ref[...] > 0, y1, y0)
    p_out[...] = jax.nn.sigmoid(
        jnp.dot(rep, wpp_ref[...], preferred_element_type=jnp.float32)
        + bpp_ref[0, 0])


def kernel(x, t, z, edge_index, W_gc0, b_gc0, W_gc1, b_gc1,
           W_t00_0, b_t00_0, W_t00_1, b_t00_1,
           W_t10_0, b_t10_0, W_t10_1, b_t10_1,
           W_t01, b_t01, W_t11, b_t11, W_pp, b_pp):
    n, d = x.shape
    e = edge_index.shape[1]

    rows_unit = NS * CHUNK
    n_pad = ((n + 1 + rows_unit - 1) // rows_unit) * rows_unit
    edges_unit = 2 * NC * NS * CHUNK
    e_pad = ((e + edges_unit - 1) // edges_unit) * edges_unit

    n_workers = NC * NS
    edges_per_worker = e_pad // n_workers
    n_chunks = edges_per_worker // CHUNK
    pchunk = 128
    wchunks = 8
    w_sum = e_pad // (pchunk * wchunks * NS)
    q0 = max(1, int(round(w_sum * 0.9)))
    q1 = w_sum - q0

    src_flat = jnp.concatenate(
        [edge_index[0], jnp.zeros((e_pad - e,), jnp.int32)])
    dst_flat = jnp.concatenate(
        [edge_index[1], jnp.full((e_pad - e,), n, jnp.int32)])
    n_windows = e_pad // (pchunk * wchunks)
    src_prop = src_flat.reshape(n_windows, wchunks, pchunk)
    dst_prop = dst_flat.reshape(n_windows, wchunks, pchunk)
    dst_deg = dst_flat.reshape(n_workers, n_chunks, CHUNK)
    t_col = t.reshape(n, 1)

    deg_kernel, prop_kernel = _make_sc_kernels(n_pad, e_pad, d, q0, q1)

    deg = deg_kernel(dst_deg)
    d0 = deg[0, :n].reshape(n, 1)
    d1 = deg[1, :n].reshape(n, 1)

    blk = 1000
    grid = (n // blk,)
    row_spec = pl.BlockSpec((blk, d), lambda i: (i, 0))
    col_spec = pl.BlockSpec((blk, 1), lambda i: (i, 0))
    mat_spec = pl.BlockSpec((d, d), lambda i: (0, 0))
    bias_spec = pl.BlockSpec((1, d), lambda i: (0, 0))
    scal_spec = pl.BlockSpec((1, 1), lambda i: (0, 0))
    part_spec = pl.BlockSpec((2, blk, d), lambda i: (0, i, 0))
    vec_shape = jax.ShapeDtypeStruct((n, d), jnp.float32)
    col_shape = jax.ShapeDtypeStruct((n, 1), jnp.float32)

    hs1, dinv = pl.pallas_call(
        _mm1_body,
        grid=grid,
        in_specs=[row_spec, mat_spec, col_spec, col_spec],
        out_specs=[row_spec, col_spec],
        out_shape=[vec_shape, col_shape],
    )(x, W_gc0, d0, d1)

    p_parts = prop_kernel(hs1, src_prop, dst_prop)

    hs2 = pl.pallas_call(
        _mm2_body,
        grid=grid,
        in_specs=[part_spec, row_spec, col_spec, bias_spec, mat_spec],
        out_specs=row_spec,
        out_shape=vec_shape,
    )(p_parts, hs1, dinv, b_gc0.reshape(1, d), W_gc1)

    q_parts = prop_kernel(hs2, src_prop, dst_prop)

    one_spec = pl.BlockSpec((d, 1), lambda i: (0, 0))
    p1, y = pl.pallas_call(
        _heads_body,
        grid=grid,
        in_specs=[part_spec, row_spec, col_spec, bias_spec, col_spec,
                  mat_spec, bias_spec, mat_spec, bias_spec,
                  one_spec, scal_spec, one_spec, scal_spec,
                  one_spec, scal_spec],
        out_specs=[col_spec, col_spec],
        out_shape=[col_shape, col_shape],
    )(q_parts, hs2, dinv, b_gc1.reshape(1, d), t_col,
      W_t00_1, b_t00_1.reshape(1, d), W_t10_1, b_t10_1.reshape(1, d),
      W_t01, b_t01.reshape(1, 1), W_t11, b_t11.reshape(1, 1),
      W_pp, b_pp.reshape(1, 1))

    return (p1, y)

# --- scband reference (transcript-rebuilt; emitter-appended) ---
"""Pipeline reference for scband-gcn-deconf-17411797418342 (READ-ONLY COPY).

The authoritative reference and input builder live on the scoring server;
editing this copy changes nothing except your own understanding.
"""

import jax, jax.numpy as jnp
import numpy as np

N = 10000
E = 320000
D = 128
H = 128


def _lin_params(key, fan_in, fan_out):
    k1, k2 = jax.random.split(key)
    W = jax.random.normal(k1, (fan_in, fan_out), dtype=jnp.float32) * 0.05
    b = jax.random.normal(k2, (fan_out,), dtype=jnp.float32) * 0.05
    return W, b


def setup_inputs(seed: int = 0) -> dict:
    key = jax.random.key(seed)
    ks = jax.random.split(key, 16)
    inp = {}
    inp["x"] = jax.random.normal(ks[0], (N, D), dtype=jnp.float32)
    inp["t"] = jax.random.randint(ks[1], (N,), 0, 2, dtype=jnp.int32)
    inp["z"] = jax.random.normal(ks[2], (N,), dtype=jnp.float32)
    inp["edge_index"] = jax.random.randint(ks[3], (2, E), 0, N, dtype=jnp.int32)
    inp["W_gc0"], inp["b_gc0"] = _lin_params(ks[4], D, H)
    inp["W_gc1"], inp["b_gc1"] = _lin_params(ks[5], H, H)
    inp["W_t00_0"], inp["b_t00_0"] = _lin_params(ks[6], H, H)
    inp["W_t00_1"], inp["b_t00_1"] = _lin_params(ks[7], H, H)
    inp["W_t10_0"], inp["b_t10_0"] = _lin_params(ks[8], H, H)
    inp["W_t10_1"], inp["b_t10_1"] = _lin_params(ks[9], H, H)
    inp["W_t01"], inp["b_t01"] = _lin_params(ks[10], H, 1)
    inp["W_t11"], inp["b_t11"] = _lin_params(ks[11], H, 1)
    inp["W_pp"], inp["b_pp"] = _lin_params(ks[12], H, 1)
    return inp


def gcn_conv(x, edge_index, W, b):
    n = x.shape[0]
    loop = jnp.arange(n, dtype=edge_index.dtype)
    src = jnp.concatenate([edge_index[0], loop])
    dst = jnp.concatenate([edge_index[1], loop])
    h = x @ W
    deg = jax.ops.segment_sum(jnp.ones_like(dst, dtype=h.dtype), dst, num_segments=n)
    dinv = jnp.where(deg > 0, 1.0 / jnp.sqrt(deg), 0.0)
    norm = dinv[src] * dinv[dst]
    msg = h[src] * norm[:, None]
    out = jax.ops.segment_sum(msg, dst, num_segments=n)
    return out + b


def reference(x, t, z, edge_index, W_gc0, b_gc0, W_gc1, b_gc1,
              W_t00_0, b_t00_0, W_t00_1, b_t00_1,
              W_t10_0, b_t10_0, W_t10_1, b_t10_1,
              W_t01, b_t01, W_t11, b_t11, W_pp, b_pp):
    rep = jax.nn.relu(gcn_conv(x, edge_index, W_gc0, b_gc0))
    rep = jax.nn.relu(gcn_conv(rep, edge_index, W_gc1, b_gc1))
    # n_out loop: only the last iteration's y00/y10 are used (faithful to original)
    y00 = jax.nn.relu(rep @ W_t00_0 + b_t00_0)
    y10 = jax.nn.relu(rep @ W_t10_0 + b_t10_0)
    y00 = jax.nn.relu(rep @ W_t00_1 + b_t00_1)
    y10 = jax.nn.relu(rep @ W_t10_1 + b_t10_1)
    y0 = (y00 @ W_t01 + b_t01).reshape(-1)
    y1 = (y10 @ W_t11 + b_t11).reshape(-1)
    y = jnp.where(t > 0, y1, y0)
    p1 = jax.nn.sigmoid(rep @ W_pp + b_pp).reshape(-1)
    return (p1[:, None], y[:, None])

if __name__ == "__main__":
    import jax
    _d = setup_inputs()
    print(jax.jit(kernel)(*tuple(_d.values())))

</pallas_src>

<mosaic_0001>
#map = affine_map<(d0, d1) -> (0, 0)>
#map1 = affine_map<(d0, d1) -> (0, 0, 0)>
module attributes {stable_mosaic.version = 14 : i64} {
  func.func @prop_kernel(%arg0: i32, %arg1: i32, %arg2: memref<10000x128xf32, #tpu.memory_space<hbm>>, %arg3: memref<320x8x128xi32, #tpu.memory_space<hbm>>, %arg4: memref<320x8x128xi32, #tpu.memory_space<hbm>>, %arg5: memref<2x10240x128xf32, #tpu.memory_space<hbm>>, %arg6: memref<2x8x128xi32, #tpu.memory_space<vmem>>, %arg7: memref<2x8x128xi32, #tpu.memory_space<vmem>>, %arg8: memref<2x128x128xf32, #tpu.memory_space<vmem>>, %arg9: memref<10240x128xf32, #tpu.memory_space<vmem_shared>>, %arg10: memref<!tpu.dma_semaphore, #tpu.memory_space<semaphore_mem>>, %arg11: memref<!tpu.dma_semaphore, #tpu.memory_space<semaphore_mem>>) attributes {dimension_semantics = [#tpu.dimension_semantics<core_parallel>, #tpu.dimension_semantics<subcore_parallel>], iteration_bounds = array<i64: 2, 16>, scalar_prefetch = 0 : i64, scratch_operands = 6 : i64, tpu.core_type = #tpu.core_type<sc_vector_subcore>, window_params = [{transform_indices = #map}, {transform_indices = #map1}, {transform_indices = #map1}, {transform_indices = #map1}]} {
    %eq3A = arith.constant 0 : i32
    %eq3A_0 = arith.cmpi eq, %arg0, %eq3A : i32
    %jit3A = arith.constant 18 : i32
    %jit3A_1 = arith.constant 2 : i32
    %select_n3A = arith.select %eq3A_0, %jit3A, %jit3A_1 : i32
    %mul3A = arith.constant 288 : i32
    %mul3A_2 = arith.muli %arg0, %mul3A : i32
    %mul3A_3 = arith.muli %arg1, %select_n3A : i32
    %add3A = arith.addi %mul3A_2, %mul3A_3 : i32
    %mul3A_4 = arith.constant 8 : i32
    %mul3A_5 = arith.muli %select_n3A, %mul3A_4 : i32
    %scan3A = arith.constant 0 : i32
    %scan3A_6 = arith.constant 0 : i32
    %scan3A_7 = arith.constant 1024 : i32
    %scan3A_8 = arith.addi %scan3A_6, %scan3A_7 : i32
    %scan3A_9 = arith.constant 1 : i32
    scf.for %scan3A_76 = %scan3A_6 to %scan3A_8 step %scan3A_9  : i32 {
      %jit3A_77 = arith.constant 8 : i32
      %div3A = arith.divsi %scan3A_76, %jit3A_77 : i32
      %sign3A = arith.constant 0 : i32
      %sign3A_78 = arith.cmpi sgt, %scan3A_76, %sign3A : i32
      %sign3A_79 = arith.extui %sign3A_78 : i1 to i32
      %sign3A_80 = arith.constant 0 : i32
      %sign3A_81 = arith.cmpi slt, %scan3A_76, %sign3A_80 : i32
      %sign3A_82 = arith.extui %sign3A_81 : i1 to i32
      %sign3A_83 = arith.subi %sign3A_79, %sign3A_82 : i32
      %sign3A_84 = arith.constant 0 : i32
      %sign3A_85 = arith.cmpi sgt, %jit3A_77, %sign3A_84 : i32
      %sign3A_86 = arith.extui %sign3A_85 : i1 to i32
      %sign3A_87 = arith.constant 0 : i32
      %sign3A_88 = arith.cmpi slt, %jit3A_77, %sign3A_87 : i32
      %sign3A_89 = arith.extui %sign3A_88 : i1 to i32
      %sign3A_90 = arith.subi %sign3A_86, %sign3A_89 : i32
      %ne3A = arith.cmpi ne, %sign3A_83, %sign3A_90 : i32
      %rem3A_91 = arith.remsi %scan3A_76, %jit3A_77 : i32
      %ne3A_92 = arith.constant 0 : i32
      %ne3A_93 = arith.cmpi ne, %rem3A_91, %ne3A_92 : i32
      %and3A = arith.andi %ne3A, %ne3A_93 : i1
      %sub3A_94 = arith.constant 1 : i32
      %sub3A_95 = arith.subi %div3A, %sub3A_94 : i32
      %select_n3A_96 = arith.select %and3A, %sub3A_95, %div3A : i32
      %jit3A_97 = arith.constant 8 : i32
      %eq3A_98 = arith.constant 0 : i32
      %eq3A_99 = arith.cmpi eq, %jit3A_97, %eq3A_98 : i32
      %jit3A_100 = arith.constant 1 : i32
      %select_n3A_101 = arith.select %eq3A_99, %jit3A_100, %jit3A_97 : i32
      %rem3A_102 = arith.remsi %scan3A_76, %select_n3A_101 : i32
      %ne3A_103 = arith.constant 0 : i32
      %ne3A_104 = arith.cmpi ne, %rem3A_102, %ne3A_103 : i32
      %lt3A = arith.constant 0 : i32
      %lt3A_105 = arith.cmpi slt, %rem3A_102, %lt3A : i32
      %lt3A_106 = arith.constant 0 : i32
      %lt3A_107 = arith.cmpi slt, %select_n3A_101, %lt3A_106 : i32
      %ne3A_108 = arith.xori %lt3A_105, %lt3A_107 : i1
      %and3A_109 = arith.andi %ne3A_108, %ne3A_104 : i1
      %add3A_110 = arith.addi %rem3A_102, %select_n3A_101 : i32
      %select_n3A_111 = arith.select %and3A_109, %add3A_110, %rem3A_102 : i32
      %broadcast_in_dim3A = arith.constant 0.000000e+00 : f32
      %broadcast_in_dim3A_112 = vector.broadcast %broadcast_in_dim3A : f32 to vector<16xf32>
      %mul3A_113 = arith.constant 16 : i32
      %mul3A_114 = arith.muli %select_n3A_111, %mul3A_113 : i32
      %swap3A = arith.constant 0 : i32
      %swap3A_115 = arith.constant 0 : i32
      %swap3A_116 = tpu.memref_slice %arg8[%scan3A, %swap3A, %swap3A_115] : memref<2x128x128xf32, #tpu.memory_space<vmem>> -> memref<1x128x128xf32, #tpu.memory_space<vmem>>
      %swap3A_117 = tpu.memref_squeeze %swap3A_116 : memref<1x128x128xf32, #tpu.memory_space<vmem>> -> memref<128x128xf32, #tpu.memory_space<vmem>>
      %swap3A_118 = arith.index_cast %select_n3A_96 : i32 to index
      %swap3A_119 = arith.index_cast %mul3A_114 : i32 to index
      %swap3A_120 = tpu.vector_load %swap3A_117[%swap3A_118, %swap3A_119] {strides = array<i32>} : memref<128x128xf32, #tpu.memory_space<vmem>>, vector<1x16xf32>,
      %swap3A_121 = vector.shape_cast %swap3A_120 : vector<1x16xf32> to vector<16xf32>
      %swap3A_122 = vector.shape_cast %broadcast_in_dim3A_112 : vector<16xf32> to vector<1x16xf32>
      tpu.vector_store %swap3A_117[%swap3A_118, %swap3A_119], %swap3A_122 {strides = array<i32>} : memref<128x128xf32, #tpu.memory_space<vmem>>, vector<1x16xf32>,
    }
    %scan3A_10 = arith.constant 1024 : i32
    %scan3A_11 = arith.constant 0 : i32
    %scan3A_12 = arith.constant 5 : i32
    %scan3A_13 = arith.addi %scan3A_11, %scan3A_12 : i32
    %scan3A_14 = arith.constant 1 : i32
    scf.for %scan3A_76 = %scan3A_11 to %scan3A_13 step %scan3A_14  : i32 {
      %mul3A_77 = arith.constant 640 : i32
      %mul3A_78 = arith.muli %arg1, %mul3A_77 : i32
      %mul3A_79 = arith.constant 128 : i32
      %mul3A_80 = arith.muli %scan3A_76, %mul3A_79 : i32
      %add3A_81 = arith.addi %mul3A_78, %mul3A_80 : i32
      %run_scoped3A_82 = arith.constant 0 : i32
      "tpu.region"() ({
        %run_scoped3A_83 = tpu.sem_alloc : memref<!tpu.dma_semaphore, #tpu.memory_space<semaphore_mem>>
        %dma_start3A_84 = arith.constant 0 : i32
        %dma_start3A_85 = arith.constant 0 : i32
        %dma_start3A_86 = tpu.memref_slice %arg8[%run_scoped3A_82, %dma_start3A_84, %dma_start3A_85] : memref<2x128x128xf32, #tpu.memory_space<vmem>> -> memref<1x128x128xf32, #tpu.memory_space<vmem>>
        %dma_start3A_87 = tpu.memref_squeeze %dma_start3A_86 : memref<1x128x128xf32, #tpu.memory_space<vmem>> -> memref<128x128xf32, #tpu.memory_space<vmem>>
        %dma_start3A_88 = arith.constant 0 : i32
        %dma_start3A_89 = tpu.memref_slice %arg9[%add3A_81, %dma_start3A_88] : memref<10240x128xf32, #tpu.memory_space<vmem_shared>> -> memref<128x128xf32, #tpu.memory_space<vmem_shared>>
        %dma_start3A_90 = arith.constant 0 : i32
        %dma_start3A_91 = tpu.memref_slice %arg9[%add3A_81, %dma_start3A_90] : memref<10240x128xf32, #tpu.memory_space<vmem_shared>> -> memref<128x128xf32, #tpu.memory_space<vmem_shared>>
        %dma_start3A_92 = arith.constant 0 : i32
        %dma_start3A_93 = arith.constant 0 : i32
        %dma_start3A_94 = tpu.memref_slice %arg8[%run_scoped3A_82, %dma_start3A_92, %dma_start3A_93] : memref<2x128x128xf32, #tpu.memory_space<vmem>> -> memref<1x128x128xf32, #tpu.memory_space<vmem>>
        %dma_start3A_95 = tpu.memref_squeeze %dma_start3A_94 : memref<1x128x128xf32, #tpu.memory_space<vmem>> -> memref<128x128xf32, #tpu.memory_space<vmem>>
        tpu.enqueue_dma source(%dma_start3A_95 : memref<128x128xf32, #tpu.memory_space<vmem>>) target(%dma_start3A_91 : memref<128x128xf32, #tpu.memory_space<vmem_shared>>) target_semaphore(%run_scoped3A_83 : memref<!tpu.dma_semaphore, #tpu.memory_space<semaphore_mem>>)
        %dma_wait3A_96 = arith.constant 0 : i32
        %dma_wait3A_97 = arith.constant 0 : i32
        %dma_wait3A_98 = tpu.memref_slice %arg8[%run_scoped3A_82, %dma_wait3A_96, %dma_wait3A_97] : memref<2x128x128xf32, #tpu.memory_space<vmem>> -> memref<1x128x128xf32, #tpu.memory_space<vmem>>
        %dma_wait3A_99 = tpu.memref_squeeze %dma_wait3A_98 : memref<1x128x128xf32, #tpu.memory_space<vmem>> -> memref<128x128xf32, #tpu.memory_space<vmem>>
        %dma_wait3A_100 = arith.constant 0 : i32
        %dma_wait3A_101 = tpu.memref_slice %arg9[%add3A_81, %dma_wait3A_100] : memref<10240x128xf32, #tpu.memory_space<vmem_shared>> -> memref<128x128xf32, #tpu.memory_space<vmem_shared>>
        %dma_wait3A_102 = arith.constant 0 : i32
        %dma_wait3A_103 = tpu.memref_slice %arg9[%add3A_81, %dma_wait3A_102] : memref<10240x128xf32, #tpu.memory_space<vmem_shared>> -> memref<128x128xf32, #tpu.memory_space<vmem_shared>>
        %dma_wait3A_104 = arith.constant 0 : i32
        %dma_wait3A_105 = arith.constant 0 : i32
        %dma_wait3A_106 = tpu.memref_slice %arg8[%run_scoped3A_82, %dma_wait3A_104, %dma_wait3A_105] : memref<2x128x128xf32, #tpu.memory_space<vmem>> -> memref<1x128x128xf32, #tpu.memory_space<vmem>>
        %dma_wait3A_107 = tpu.memref_squeeze %dma_wait3A_106 : memref<1x128x128xf32, #tpu.memory_space<vmem>> -> memref<128x128xf32, #tpu.memory_space<vmem>>
        tpu.wait_dma2 semaphore(%run_scoped3A_83 : memref<!tpu.dma_semaphore, #tpu.memory_space<semaphore_mem>>) src(%dma_wait3A_107 : memref<128x128xf32, #tpu.memory_space<vmem>>) dst(%dma_wait3A_103 : memref<128x128xf32, #tpu.memory_space<vmem_shared>>)
        tpu.yield
      }) : () -> ()
    }
    %scan3A_15 = arith.constant 5 : i32
    %run_scoped3A = arith.constant 0 : i32
    "tpu.region"() ({
      %run_scoped3A_76 = tpu.sem_alloc : memref<!tpu.dma_semaphore, #tpu.memory_space<semaphore_mem>>
      %dma_start3A_77 = arith.constant 0 : i32
      %dma_start3A_78 = arith.constant 0 : i32
      %dma_start3A_79 = tpu.memref_slice %arg6[%run_scoped3A, %dma_start3A_77, %dma_start3A_78] : memref<2x8x128xi32, #tpu.memory_space<vmem>> -> memref<1x8x128xi32, #tpu.memory_space<vmem>>
      %dma_start3A_80 = tpu.memref_squeeze %dma_start3A_79 : memref<1x8x128xi32, #tpu.memory_space<vmem>> -> memref<8x128xi32, #tpu.memory_space<vmem>>
      %dma_start3A_81 = arith.constant 0 : i32
      %dma_start3A_82 = arith.constant 0 : i32
      %dma_start3A_83 = tpu.memref_slice %arg3[%add3A, %dma_start3A_81, %dma_start3A_82] : memref<320x8x128xi32, #tpu.memory_space<hbm>> -> memref<1x8x128xi32, #tpu.memory_space<hbm>>
      %dma_start3A_84 = tpu.memref_squeeze %dma_start3A_83 : memref<1x8x128xi32, #tpu.memory_space<hbm>> -> memref<8x128xi32, #tpu.memory_space<hbm>>
      %dma_start3A_85 = arith.constant 0 : i32
      %dma_start3A_86 = arith.constant 0 : i32
      %dma_start3A_87 = tpu.memref_slice %arg6[%run_scoped3A, %dma_start3A_85, %dma_start3A_86] : memref<2x8x128xi32, #tpu.memory_space<vmem>> -> memref<1x8x128xi32, #tpu.memory_space<vmem>>
      %dma_start3A_88 = tpu.memref_squeeze %dma_start3A_87 : memref<1x8x128xi32, #tpu.memory_space<vmem>> -> memref<8x128xi32, #tpu.memory_space<vmem>>
      %dma_start3A_89 = arith.constant 0 : i32
      %dma_start3A_90 = arith.constant 0 : i32
      %dma_start3A_91 = tpu.memref_slice %arg3[%add3A, %dma_start3A_89, %dma_start3A_90] : memref<320x8x128xi32, #tpu.memory_space<hbm>> -> memref<1x8x128xi32, #tpu.memory_space<hbm>>
      %dma_start3A_92 = tpu.memref_squeeze %dma_start3A_91 : memref<1x8x128xi32, #tpu.memory_space<hbm>> -> memref<8x128xi32, #tpu.memory_space<hbm>>
      tpu.enqueue_dma source(%dma_start3A_92 : memref<8x128xi32, #tpu.memory_space<hbm>>) target(%dma_start3A_88 : memref<8x128xi32, #tpu.memory_space<vmem>>) target_semaphore(%run_scoped3A_76 : memref<!tpu.dma_semaphore, #tpu.memory_space<semaphore_mem>>)
      %dma_wait3A_93 = arith.constant 0 : i32
      %dma_wait3A_94 = arith.constant 0 : i32
      %dma_wait3A_95 = tpu.memref_slice %arg6[%run_scoped3A, %dma_wait3A_93, %dma_wait3A_94] : memref<2x8x128xi32, #tpu.memory_space<vmem>> -> memref<1x8x128xi32, #tpu.memory_space<vmem>>
      %dma_wait3A_96 = tpu.memref_squeeze %dma_wait3A_95 : memref<1x8x128xi32, #tpu.memory_space<vmem>> -> memref<8x128xi32, #tpu.memory_space<vmem>>
      %dma_wait3A_97 = arith.constant 0 : i32
      %dma_wait3A_98 = arith.constant 0 : i32
      %dma_wait3A_99 = tpu.memref_slice %arg3[%add3A, %dma_wait3A_97, %dma_wait3A_98] : memref<320x8x128xi32, #tpu.memory_space<hbm>> -> memref<1x8x128xi32, #tpu.memory_space<hbm>>
      %dma_wait3A_100 = tpu.memref_squeeze %dma_wait3A_99 : memref<1x8x128xi32, #tpu.memory_space<hbm>> -> memref<8x128xi32, #tpu.memory_space<hbm>>
      %dma_wait3A_101 = arith.constant 0 : i32
      %dma_wait3A_102 = arith.constant 0 : i32
      %dma_wait3A_103 = tpu.memref_slice %arg6[%run_scoped3A, %dma_wait3A_101, %dma_wait3A_102] : memref<2x8x128xi32, #tpu.memory_space<vmem>> -> memref<1x8x128xi32, #tpu.memory_space<vmem>>
      %dma_wait3A_104 = tpu.memref_squeeze %dma_wait3A_103 : memref<1x8x128xi32, #tpu.memory_space<vmem>> -> memref<8x128xi32, #tpu.memory_space<vmem>>
      %dma_wait3A_105 = arith.constant 0 : i32
      %dma_wait3A_106 = arith.constant 0 : i32
      %dma_wait3A_107 = tpu.memref_slice %arg3[%add3A, %dma_wait3A_105, %dma_wait3A_106] : memref<320x8x128xi32, #tpu.memory_space<hbm>> -> memref<1x8x128xi32, #tpu.memory_space<hbm>>
      %dma_wait3A_108 = tpu.memref_squeeze %dma_wait3A_107 : memref<1x8x128xi32, #tpu.memory_space<hbm>> -> memref<8x128xi32, #tpu.memory_space<hbm>>
      tpu.wait_dma2 semaphore(%run_scoped3A_76 : memref<!tpu.dma_semaphore, #tpu.memory_space<semaphore_mem>>) src(%dma_wait3A_108 : memref<8x128xi32, #tpu.memory_space<hbm>>) dst(%dma_wait3A_104 : memref<8x128xi32, #tpu.memory_space<vmem>>)
      tpu.yield
    }) : () -> ()
    %run_scoped3A_16 = arith.constant 0 : i32
    "tpu.region"() ({
      %run_scoped3A_76 = tpu.sem_alloc : memref<!tpu.dma_semaphore, #tpu.memory_space<semaphore_mem>>
      %dma_start3A_77 = arith.constant 0 : i32
      %dma_start3A_78 = arith.constant 0 : i32
      %dma_start3A_79 = tpu.memref_slice %arg7[%run_scoped3A_16, %dma_start3A_77, %dma_start3A_78] : memref<2x8x128xi32, #tpu.memory_space<vmem>> -> memref<1x8x128xi32, #tpu.memory_space<vmem>>
      %dma_start3A_80 = tpu.memref_squeeze %dma_start3A_79 : memref<1x8x128xi32, #tpu.memory_space<vmem>> -> memref<8x128xi32, #tpu.memory_space<vmem>>
      %dma_start3A_81 = arith.constant 0 : i32
      %dma_start3A_82 = arith.constant 0 : i32
      %dma_start3A_83 = tpu.memref_slice %arg4[%add3A, %dma_start3A_81, %dma_start3A_82] : memref<320x8x128xi32, #tpu.memory_space<hbm>> -> memref<1x8x128xi32, #tpu.memory_space<hbm>>
      %dma_start3A_84 = tpu.memref_squeeze %dma_start3A_83 : memref<1x8x128xi32, #tpu.memory_space<hbm>> -> memref<8x128xi32, #tpu.memory_space<hbm>>
      %dma_start3A_85 = arith.constant 0 : i32
      %dma_start3A_86 = arith.constant 0 : i32
      %dma_start3A_87 = tpu.memref_slice %arg7[%run_scoped3A_16, %dma_start3A_85, %dma_start3A_86] : memref<2x8x128xi32, #tpu.memory_space<vmem>> -> memref<1x8x128xi32, #tpu.memory_space<vmem>>
      %dma_start3A_88 = tpu.memref_squeeze %dma_start3A_87 : memref<1x8x128xi32, #tpu.memory_space<vmem>> -> memref<8x128xi32, #tpu.memory_space<vmem>>
      %dma_start3A_89 = arith.constant 0 : i32
      %dma_start3A_90 = arith.constant 0 : i32
      %dma_start3A_91 = tpu.memref_slice %arg4[%add3A, %dma_start3A_89, %dma_start3A_90] : memref<320x8x128xi32, #tpu.memory_space<hbm>> -> memref<1x8x128xi32, #tpu.memory_space<hbm>>
      %dma_start3A_92 = tpu.memref_squeeze %dma_start3A_91 : memref<1x8x128xi32, #tpu.memory_space<hbm>> -> memref<8x128xi32, #tpu.memory_space<hbm>>
      tpu.enqueue_dma source(%dma_start3A_92 : memref<8x128xi32, #tpu.memory_space<hbm>>) target(%dma_start3A_88 : memref<8x128xi32, #tpu.memory_space<vmem>>) target_semaphore(%run_scoped3A_76 : memref<!tpu.dma_semaphore, #tpu.memory_space<semaphore_mem>>)
      %dma_wait3A_93 = arith.constant 0 : i32
      %dma_wait3A_94 = arith.constant 0 : i32
      %dma_wait3A_95 = tpu.memref_slice %arg7[%run_scoped3A_16, %dma_wait3A_93, %dma_wait3A_94] : memref<2x8x128xi32, #tpu.memory_space<vmem>> -> memref<1x8x128xi32, #tpu.memory_space<vmem>>
      %dma_wait3A_96 = tpu.memref_squeeze %dma_wait3A_95 : memref<1x8x128xi32, #tpu.memory_space<vmem>> -> memref<8x128xi32, #tpu.memory_space<vmem>>
      %dma_wait3A_97 = arith.constant 0 : i32
      %dma_wait3A_98 = arith.constant 0 : i32
      %dma_wait3A_99 = tpu.memref_slice %arg4[%add3A, %dma_wait3A_97, %dma_wait3A_98] : memref<320x8x128xi32, #tpu.memory_space<hbm>> -> memref<1x8x128xi32, #tpu.memory_space<hbm>>
      %dma_wait3A_100 = tpu.memref_squeeze %dma_wait3A_99 : memref<1x8x128xi32, #tpu.memory_space<hbm>> -> memref<8x128xi32, #tpu.memory_space<hbm>>
      %dma_wait3A_101 = arith.constant 0 : i32
      %dma_wait3A_102 = arith.constant 0 : i32
      %dma_wait3A_103 = tpu.memref_slice %arg7[%run_scoped3A_16, %dma_wait3A_101, %dma_wait3A_102] : memref<2x8x128xi32, #tpu.memory_space<vmem>> -> memref<1x8x128xi32, #tpu.memory_space<vmem>>
      %dma_wait3A_104 = tpu.memref_squeeze %dma_wait3A_103 : memref<1x8x128xi32, #tpu.memory_space<vmem>> -> memref<8x128xi32, #tpu.memory_space<vmem>>
      %dma_wait3A_105 = arith.constant 0 : i32
      %dma_wait3A_106 = arith.constant 0 : i32
      %dma_wait3A_107 = tpu.memref_slice %arg4[%add3A, %dma_wait3A_105, %dma_wait3A_106] : memref<320x8x128xi32, #tpu.memory_space<hbm>> -> memref<1x8x128xi32, #tpu.memory_space<hbm>>
      %dma_wait3A_108 = tpu.memref_squeeze %dma_wait3A_107 : memref<1x8x128xi32, #tpu.memory_space<hbm>> -> memref<8x128xi32, #tpu.memory_space<hbm>>
      tpu.wait_dma2 semaphore(%run_scoped3A_76 : memref<!tpu.dma_semaphore, #tpu.memory_space<semaphore_mem>>) src(%dma_wait3A_108 : memref<8x128xi32, #tpu.memory_space<hbm>>) dst(%dma_wait3A_104 : memref<8x128xi32, #tpu.memory_space<vmem>>)
      tpu.yield
    }) : () -> ()
    %barrier3A = arith.constant 0 : index
    tpu.barrier barrier_id(%barrier3A)
    %rem3A = arith.constant 0 : i32
    %rem3A_17 = arith.constant 2 : i32
    %rem3A_18 = arith.remsi %rem3A, %rem3A_17 : i32
    %rem3A_19 = arith.constant 0 : i32
    %rem3A_20 = arith.constant 8 : i32
    %rem3A_21 = arith.remsi %rem3A_19, %rem3A_20 : i32
    %dma_start3A = arith.constant 0 : i32
    %dma_start3A_22 = arith.constant 0 : i32
    %dma_start3A_23 = arith.constant 0 : i32
    %dma_start3A_24 = tpu.memref_slice %arg8[%dma_start3A, %dma_start3A_22, %dma_start3A_23] : memref<2x128x128xf32, #tpu.memory_space<vmem>> -> memref<1x128x128xf32, #tpu.memory_space<vmem>>
    %dma_start3A_25 = tpu.memref_squeeze %dma_start3A_24 : memref<1x128x128xf32, #tpu.memory_space<vmem>> -> memref<128x128xf32, #tpu.memory_space<vmem>>
    %dma_start3A_26 = arith.constant 0 : i32
    %dma_start3A_27 = tpu.memref_slice %arg6[%rem3A_18, %rem3A_21, %dma_start3A_26] : memref<2x8x128xi32, #tpu.memory_space<vmem>> -> memref<1x1x128xi32, #tpu.memory_space<vmem>>
    %dma_start3A_28 = tpu.memref_squeeze %dma_start3A_27 : memref<1x1x128xi32, #tpu.memory_space<vmem>> -> memref<128xi32, #tpu.memory_space<vmem>>
    %dma_start3A_29 = arith.constant 0 : i32
    %dma_start3A_30 = arith.constant 0 : i32
    %dma_start3A_31 = tpu.memref_slice %arg2[%dma_start3A_29, %dma_start3A_30] : memref<10000x128xf32, #tpu.memory_space<hbm>> -> memref<10000x128xf32, #tpu.memory_space<hbm>>
    tpu.enqueue_indirect_dma source(%dma_start3A_31 : memref<10000x128xf32, #tpu.memory_space<hbm>>) target(%dma_start3A_25 : memref<128x128xf32, #tpu.memory_space<vmem>>) offsets(%dma_start3A_28 : memref<128xi32, #tpu.memory_space<vmem>>) semaphore(%arg10 : memref<!tpu.dma_semaphore, #tpu.memory_space<semaphore_mem>>)
    %rem3A_32 = arith.constant 0 : i32
    %rem3A_33 = arith.constant 2 : i32
    %rem3A_34 = arith.remsi %rem3A_32, %rem3A_33 : i32
    %rem3A_35 = arith.constant 1 : i32
    %rem3A_36 = arith.constant 8 : i32
    %rem3A_37 = arith.remsi %rem3A_35, %rem3A_36 : i32
    %dma_start3A_38 = arith.constant 1 : i32
    %dma_start3A_39 = arith.constant 0 : i32
    %dma_start3A_40 = arith.constant 0 : i32
    %dma_start3A_41 = tpu.memref_slice %arg8[%dma_start3A_38, %dma_start3A_39, %dma_start3A_40] : memref<2x128x128xf32, #tpu.memory_space<vmem>> -> memref<1x128x128xf32, #tpu.memory_space<vmem>>
    %dma_start3A_42 = tpu.memref_squeeze %dma_start3A_41 : memref<1x128x128xf32, #tpu.memory_space<vmem>> -> memref<128x128xf32, #tpu.memory_space<vmem>>
    %dma_start3A_43 = arith.constant 0 : i32
    %dma_start3A_44 = tpu.memref_slice %arg6[%rem3A_34, %rem3A_37, %dma_start3A_43] : memref<2x8x128xi32, #tpu.memory_space<vmem>> -> memref<1x1x128xi32, #tpu.memory_space<vmem>>
    %dma_start3A_45 = tpu.memref_squeeze %dma_start3A_44 : memref<1x1x128xi32, #tpu.memory_space<vmem>> -> memref<128xi32, #tpu.memory_space<vmem>>
    %dma_start3A_46 = arith.constant 0 : i32
    %dma_start3A_47 = arith.constant 0 : i32
    %dma_start3A_48 = tpu.memref_slice %arg2[%dma_start3A_46, %dma_start3A_47] : memref<10000x128xf32, #tpu.memory_space<hbm>> -> memref<10000x128xf32, #tpu.memory_space<hbm>>
    tpu.enqueue_indirect_dma source(%dma_start3A_48 : memref<10000x128xf32, #tpu.memory_space<hbm>>) target(%dma_start3A_42 : memref<128x128xf32, #tpu.memory_space<vmem>>) offsets(%dma_start3A_45 : memref<128xi32, #tpu.memory_space<vmem>>) semaphore(%arg10 : memref<!tpu.dma_semaphore, #tpu.memory_space<semaphore_mem>>)
    %while3A = arith.constant 0 : i32
    %while3A_49 = arith.subi %mul3A_5, %while3A : i32
    %while3A_50 = arith.addi %while3A, %while3A_49 : i32
    %while3A_51 = arith.constant 1 : i32
    %while3A_52 = arith.divsi %while3A_49, %while3A_51 : i32
    %while3A_53 = arith.muli %while3A_52, %while3A_51 : i32
    %while3A_54 = arith.addi %while3A, %while3A_53 : i32
    %while3A_55 = arith.constant 1 : i32
    scf.for %while3A_76 = %while3A to %while3A_54 step %while3A_55  : i32 {
      %add3A_77 = arith.constant 2 : i32
      %add3A_78 = arith.addi %while3A_76, %add3A_77 : i32
      %sub3A_79 = arith.constant 1 : i32
      %sub3A_80 = arith.subi %add3A_78, %sub3A_79 : i32
      %rem3A_81 = arith.constant 8 : i32
      %rem3A_82 = arith.remsi %sub3A_80, %rem3A_81 : i32
      %eq3A_83 = arith.constant 0 : i32
      %eq3A_84 = arith.cmpi eq, %rem3A_82, %eq3A_83 : i32
      %lt3A = arith.cmpi slt, %sub3A_80, %mul3A_5 : i32
      %and3A = arith.andi %eq3A_84, %lt3A : i1
      %convert_element_type3A = arith.extui %and3A : i1 to i32
      %cond3A = arith.constant 0 : i32
      %cond3A_85 = arith.cmpi ne, %convert_element_type3A, %cond3A : i32
      scf.if %cond3A_85 {
        %jit3A_139 = arith.constant 8 : i32
        %div3A_140 = arith.divsi %sub3A_80, %jit3A_139 : i32
        %sign3A_141 = arith.constant 0 : i32
        %sign3A_142 = arith.cmpi sgt, %sub3A_80, %sign3A_141 : i32
        %sign3A_143 = arith.extui %sign3A_142 : i1 to i32
        %sign3A_144 = arith.constant 0 : i32
        %sign3A_145 = arith.cmpi slt, %sub3A_80, %sign3A_144 : i32
        %sign3A_146 = arith.extui %sign3A_145 : i1 to i32
        %sign3A_147 = arith.subi %sign3A_143, %sign3A_146 : i32
        %sign3A_148 = arith.constant 0 : i32
        %sign3A_149 = arith.cmpi sgt, %jit3A_139, %sign3A_148 : i32
        %sign3A_150 = arith.extui %sign3A_149 : i1 to i32
        %sign3A_151 = arith.constant 0 : i32
        %sign3A_152 = arith.cmpi slt, %jit3A_139, %sign3A_151 : i32
        %sign3A_153 = arith.extui %sign3A_152 : i1 to i32
        %sign3A_154 = arith.subi %sign3A_150, %sign3A_153 : i32
        %ne3A_155 = arith.cmpi ne, %sign3A_147, %sign3A_154 : i32
        %rem3A_156 = arith.remsi %sub3A_80, %jit3A_139 : i32
        %ne3A_157 = arith.constant 0 : i32
        %ne3A_158 = arith.cmpi ne, %rem3A_156, %ne3A_157 : i32
        %and3A_159 = arith.andi %ne3A_155, %ne3A_158 : i1
        %sub3A_160 = arith.constant 1 : i32
        %sub3A_161 = arith.subi %div3A_140, %sub3A_160 : i32
        %select_n3A_162 = arith.select %and3A_159, %sub3A_161, %div3A_140 : i32
        %rem3A_163 = arith.constant 2 : i32
        %rem3A_164 = arith.remsi %select_n3A_162, %rem3A_163 : i32
        %add3A_165 = arith.addi %add3A, %select_n3A_162 : i32
        "tpu.region"() ({
          %run_scoped3A_167 = tpu.sem_alloc : memref<!tpu.dma_semaphore, #tpu.memory_space<semaphore_mem>>
          %dma_start3A_168 = arith.constant 0 : i32
          %dma_start3A_169 = arith.constant 0 : i32
          %dma_start3A_170 = tpu.memref_slice %arg6[%rem3A_164, %dma_start3A_168, %dma_start3A_169] : memref<2x8x128xi32, #tpu.memory_space<vmem>> -> memref<1x8x128xi32, #tpu.memory_space<vmem>>
          %dma_start3A_171 = tpu.memref_squeeze %dma_start3A_170 : memref<1x8x128xi32, #tpu.memory_space<vmem>> -> memref<8x128xi32, #tpu.memory_space<vmem>>
          %dma_start3A_172 = arith.constant 0 : i32
          %dma_start3A_173 = arith.constant 0 : i32
          %dma_start3A_174 = tpu.memref_slice %arg3[%add3A_165, %dma_start3A_172, %dma_start3A_173] : memref<320x8x128xi32, #tpu.memory_space<hbm>> -> memref<1x8x128xi32, #tpu.memory_space<hbm>>
          %dma_start3A_175 = tpu.memref_squeeze %dma_start3A_174 : memref<1x8x128xi32, #tpu.memory_space<hbm>> -> memref<8x128xi32, #tpu.memory_space<hbm>>
          %dma_start3A_176 = arith.constant 0 : i32
          %dma_start3A_177 = arith.constant 0 : i32
          %dma_start3A_178 = tpu.memref_slice %arg6[%rem3A_164, %dma_start3A_176, %dma_start3A_177] : memref<2x8x128xi32, #tpu.memory_space<vmem>> -> memref<1x8x128xi32, #tpu.memory_space<vmem>>
          %dma_start3A_179 = tpu.memref_squeeze %dma_start3A_178 : memref<1x8x128xi32, #tpu.memory_space<vmem>> -> memref<8x128xi32, #tpu.memory_space<vmem>>
          %dma_start3A_180 = arith.constant 0 : i32
          %dma_start3A_181 = arith.constant 0 : i32
          %dma_start3A_182 = tpu.memref_slice %arg3[%add3A_165, %dma_start3A_180, %dma_start3A_181] : memref<320x8x128xi32, #tpu.memory_space<hbm>> -> memref<1x8x128xi32, #tpu.memory_space<hbm>>
          %dma_start3A_183 = tpu.memref_squeeze %dma_start3A_182 : memref<1x8x128xi32, #tpu.memory_space<hbm>> -> memref<8x128xi32, #tpu.memory_space<hbm>>
          tpu.enqueue_dma source(%dma_start3A_183 : memref<8x128xi32, #tpu.memory_space<hbm>>) target(%dma_start3A_179 : memref<8x128xi32, #tpu.memory_space<vmem>>) target_semaphore(%run_scoped3A_167 : memref<!tpu.dma_semaphore, #tpu.memory_space<semaphore_mem>>)
          %dma_wait3A_184 = arith.constant 0 : i32
          %dma_wait3A_185 = arith.constant 0 : i32
          %dma_wait3A_186 = tpu.memref_slice %arg6[%rem3A_164, %dma_wait3A_184, %dma_wait3A_185] : memref<2x8x128xi32, #tpu.memory_space<vmem>> -> memref<1x8x128xi32, #tpu.memory_space<vmem>>
          %dma_wait3A_187 = tpu.memref_squeeze %dma_wait3A_186 : memref<1x8x128xi32, #tpu.memory_space<vmem>> -> memref<8x128xi32, #tpu.memory_space<vmem>>
          %dma_wait3A_188 = arith.constant 0 : i32
          %dma_wait3A_189 = arith.constant 0 : i32
          %dma_wait3A_190 = tpu.memref_slice %arg3[%add3A_165, %dma_wait3A_188, %dma_wait3A_189] : memref<320x8x128xi32, #tpu.memory_space<hbm>> -> memref<1x8x128xi32, #tpu.memory_space<hbm>>
          %dma_wait3A_191 = tpu.memref_squeeze %dma_wait3A_190 : memref<1x8x128xi32, #tpu.memory_space<hbm>> -> memref<8x128xi32, #tpu.memory_space<hbm>>
          %dma_wait3A_192 = arith.constant 0 : i32
          %dma_wait3A_193 = arith.constant 0 : i32
          %dma_wait3A_194 = tpu.memref_slice %arg6[%rem3A_164, %dma_wait3A_192, %dma_wait3A_193] : memref<2x8x128xi32, #tpu.memory_space<vmem>> -> memref<1x8x128xi32, #tpu.memory_space<vmem>>
          %dma_wait3A_195 = tpu.memref_squeeze %dma_wait3A_194 : memref<1x8x128xi32, #tpu.memory_space<vmem>> -> memref<8x128xi32, #tpu.memory_space<vmem>>
          %dma_wait3A_196 = arith.constant 0 : i32
          %dma_wait3A_197 = arith.constant 0 : i32
          %dma_wait3A_198 = tpu.memref_slice %arg3[%add3A_165, %dma_wait3A_196, %dma_wait3A_197] : memref<320x8x128xi32, #tpu.memory_space<hbm>> -> memref<1x8x128xi32, #tpu.memory_space<hbm>>
          %dma_wait3A_199 = tpu.memref_squeeze %dma_wait3A_198 : memref<1x8x128xi32, #tpu.memory_space<hbm>> -> memref<8x128xi32, #tpu.memory_space<hbm>>
          tpu.wait_dma2 semaphore(%run_scoped3A_167 : memref<!tpu.dma_semaphore, #tpu.memory_space<semaphore_mem>>) src(%dma_wait3A_199 : memref<8x128xi32, #tpu.memory_space<hbm>>) dst(%dma_wait3A_195 : memref<8x128xi32, #tpu.memory_space<vmem>>)
          tpu.yield
        }) : () -> ()
        %add3A_166 = arith.addi %add3A, %select_n3A_162 : i32
        "tpu.region"() ({
          %run_scoped3A_167 = tpu.sem_alloc : memref<!tpu.dma_semaphore, #tpu.memory_space<semaphore_mem>>
          %dma_start3A_168 = arith.constant 0 : i32
          %dma_start3A_169 = arith.constant 0 : i32
          %dma_start3A_170 = tpu.memref_slice %arg7[%rem3A_164, %dma_start3A_168, %dma_start3A_169] : memref<2x8x128xi32, #tpu.memory_space<vmem>> -> memref<1x8x128xi32, #tpu.memory_space<vmem>>
          %dma_start3A_171 = tpu.memref_squeeze %dma_start3A_170 : memref<1x8x128xi32, #tpu.memory_space<vmem>> -> memref<8x128xi32, #tpu.memory_space<vmem>>
          %dma_start3A_172 = arith.constant 0 : i32
          %dma_start3A_173 = arith.constant 0 : i32
          %dma_start3A_174 = tpu.memref_slice %arg4[%add3A_166, %dma_start3A_172, %dma_start3A_173] : memref<320x8x128xi32, #tpu.memory_space<hbm>> -> memref<1x8x128xi32, #tpu.memory_space<hbm>>
          %dma_start3A_175 = tpu.memref_squeeze %dma_start3A_174 : memref<1x8x128xi32, #tpu.memory_space<hbm>> -> memref<8x128xi32, #tpu.memory_space<hbm>>
          %dma_start3A_176 = arith.constant 0 : i32
          %dma_start3A_177 = arith.constant 0 : i32
          %dma_start3A_178 = tpu.memref_slice %arg7[%rem3A_164, %dma_start3A_176, %dma_start3A_177] : memref<2x8x128xi32, #tpu.memory_space<vmem>> -> memref<1x8x128xi32, #tpu.memory_space<vmem>>
          %dma_start3A_179 = tpu.memref_squeeze %dma_start3A_178 : memref<1x8x128xi32, #tpu.memory_space<vmem>> -> memref<8x128xi32, #tpu.memory_space<vmem>>
          %dma_start3A_180 = arith.constant 0 : i32
          %dma_start3A_181 = arith.constant 0 : i32
          %dma_start3A_182 = tpu.memref_slice %arg4[%add3A_166, %dma_start3A_180, %dma_start3A_181] : memref<320x8x128xi32, #tpu.memory_space<hbm>> -> memref<1x8x128xi32, #tpu.memory_space<hbm>>
          %dma_start3A_183 = tpu.memref_squeeze %dma_start3A_182 : memref<1x8x128xi32, #tpu.memory_space<hbm>> -> memref<8x128xi32, #tpu.memory_space<hbm>>
          tpu.enqueue_dma source(%dma_start3A_183 : memref<8x128xi32, #tpu.memory_space<hbm>>) target(%dma_start3A_179 : memref<8x128xi32, #tpu.memory_space<vmem>>) target_semaphore(%run_scoped3A_167 : memref<!tpu.dma_semaphore, #tpu.memory_space<semaphore_mem>>)
          %dma_wait3A_184 = arith.constant 0 : i32
          %dma_wait3A_185 = arith.constant 0 : i32
          %dma_wait3A_186 = tpu.memref_slice %arg7[%rem3A_164, %dma_wait3A_184, %dma_wait3A_185] : memref<2x8x128xi32, #tpu.memory_space<vmem>> -> memref<1x8x128xi32, #tpu.memory_space<vmem>>
          %dma_wait3A_187 = tpu.memref_squeeze %dma_wait3A_186 : memref<1x8x128xi32, #tpu.memory_space<vmem>> -> memref<8x128xi32, #tpu.memory_space<vmem>>
          %dma_wait3A_188 = arith.constant 0 : i32
          %dma_wait3A_189 = arith.constant 0 : i32
          %dma_wait3A_190 = tpu.memref_slice %arg4[%add3A_166, %dma_wait3A_188, %dma_wait3A_189] : memref<320x8x128xi32, #tpu.memory_space<hbm>> -> memref<1x8x128xi32, #tpu.memory_space<hbm>>
          %dma_wait3A_191 = tpu.memref_squeeze %dma_wait3A_190 : memref<1x8x128xi32, #tpu.memory_space<hbm>> -> memref<8x128xi32, #tpu.memory_space<hbm>>
          %dma_wait3A_192 = arith.constant 0 : i32
          %dma_wait3A_193 = arith.constant 0 : i32
          %dma_wait3A_194 = tpu.memref_slice %arg7[%rem3A_164, %dma_wait3A_192, %dma_wait3A_193] : memref<2x8x128xi32, #tpu.memory_space<vmem>> -> memref<1x8x128xi32, #tpu.memory_space<vmem>>
          %dma_wait3A_195 = tpu.memref_squeeze %dma_wait3A_194 : memref<1x8x128xi32, #tpu.memory_space<vmem>> -> memref<8x128xi32, #tpu.memory_space<vmem>>
          %dma_wait3A_196 = arith.constant 0 : i32
          %dma_wait3A_197 = arith.constant 0 : i32
          %dma_wait3A_198 = tpu.memref_slice %arg4[%add3A_166, %dma_wait3A_196, %dma_wait3A_197] : memref<320x8x128xi32, #tpu.memory_space<hbm>> -> memref<1x8x128xi32, #tpu.memory_space<hbm>>
          %dma_wait3A_199 = tpu.memref_squeeze %dma_wait3A_198 : memref<1x8x128xi32, #tpu.memory_space<hbm>> -> memref<8x128xi32, #tpu.memory_space<hbm>>
          tpu.wait_dma2 semaphore(%run_scoped3A_167 : memref<!tpu.dma_semaphore, #tpu.memory_space<semaphore_mem>>) src(%dma_wait3A_199 : memref<8x128xi32, #tpu.memory_space<hbm>>) dst(%dma_wait3A_195 : memref<8x128xi32, #tpu.memory_space<vmem>>)
          tpu.yield
        }) : () -> ()
      } else {
      }
      %rem3A_86 = arith.constant 2 : i32
      %rem3A_87 = arith.remsi %while3A_76, %rem3A_86 : i32
      %dma_wait3A_88 = arith.constant 0 : i32
      %dma_wait3A_89 = arith.constant 0 : i32
      %dma_wait3A_90 = arith.constant 0 : i32
      %dma_wait3A_91 = arith.constant 0 : i32
      %dma_wait3A_92 = tpu.memref_slice %arg8[%rem3A_87, %dma_wait3A_90, %dma_wait3A_91] : memref<2x128x128xf32, #tpu.memory_space<vmem>> -> memref<1x128x128xf32, #tpu.memory_space<vmem>>
      %dma_wait3A_93 = tpu.memref_squeeze %dma_wait3A_92 : memref<1x128x128xf32, #tpu.memory_space<vmem>> -> memref<128x128xf32, #tpu.memory_space<vmem>>
      %dma_wait3A_94 = arith.constant 0 : i32
      %dma_wait3A_95 = tpu.memref_slice %arg6[%dma_wait3A_88, %dma_wait3A_89, %dma_wait3A_94] : memref<2x8x128xi32, #tpu.memory_space<vmem>> -> memref<1x1x128xi32, #tpu.memory_space<vmem>>
      %dma_wait3A_96 = tpu.memref_squeeze %dma_wait3A_95 : memref<1x1x128xi32, #tpu.memory_space<vmem>> -> memref<128xi32, #tpu.memory_space<vmem>>
      %dma_wait3A_97 = arith.constant 0 : i32
      %dma_wait3A_98 = arith.constant 0 : i32
      %dma_wait3A_99 = tpu.memref_slice %arg2[%dma_wait3A_97, %dma_wait3A_98] : memref<10000x128xf32, #tpu.memory_space<hbm>> -> memref<10000x128xf32, #tpu.memory_space<hbm>>
      tpu.wait_indirect_dma semaphore(%arg10 : memref<!tpu.dma_semaphore, #tpu.memory_space<semaphore_mem>>) src(%dma_wait3A_99 : memref<10000x128xf32, #tpu.memory_space<hbm>>) dst(%dma_wait3A_93 : memref<128x128xf32, #tpu.memory_space<vmem>>)
      %jit3A_100 = arith.constant 8 : i32
      %div3A = arith.divsi %while3A_76, %jit3A_100 : i32
      %sign3A = arith.constant 0 : i32
      %sign3A_101 = arith.cmpi sgt, %while3A_76, %sign3A : i32
      %sign3A_102 = arith.extui %sign3A_101 : i1 to i32
      %sign3A_103 = arith.constant 0 : i32
      %sign3A_104 = arith.cmpi slt, %while3A_76, %sign3A_103 : i32
      %sign3A_105 = arith.extui %sign3A_104 : i1 to i32
      %sign3A_106 = arith.subi %sign3A_102, %sign3A_105 : i32
      %sign3A_107 = arith.constant 0 : i32
      %sign3A_108 = arith.cmpi sgt, %jit3A_100, %sign3A_107 : i32
      %sign3A_109 = arith.extui %sign3A_108 : i1 to i32
      %sign3A_110 = arith.constant 0 : i32
      %sign3A_111 = arith.cmpi slt, %jit3A_100, %sign3A_110 : i32
      %sign3A_112 = arith.extui %sign3A_111 : i1 to i32
      %sign3A_113 = arith.subi %sign3A_109, %sign3A_112 : i32
      %ne3A = arith.cmpi ne, %sign3A_106, %sign3A_113 : i32
      %rem3A_114 = arith.remsi %while3A_76, %jit3A_100 : i32
      %ne3A_115 = arith.constant 0 : i32
      %ne3A_116 = arith.cmpi ne, %rem3A_114, %ne3A_115 : i32
      %and3A_117 = arith.andi %ne3A, %ne3A_116 : i1
      %sub3A_118 = arith.constant 1 : i32
      %sub3A_119 = arith.subi %div3A, %sub3A_118 : i32
      %select_n3A_120 = arith.select %and3A_117, %sub3A_119, %div3A : i32
      %rem3A_121 = arith.constant 2 : i32
      %rem3A_122 = arith.remsi %select_n3A_120, %rem3A_121 : i32
      %rem3A_123 = arith.constant 8 : i32
      %rem3A_124 = arith.remsi %while3A_76, %rem3A_123 : i32
      %dma_start3A_125 = arith.constant 0 : i32
      %dma_start3A_126 = arith.constant 0 : i32
      %dma_start3A_127 = tpu.memref_slice %arg8[%rem3A_87, %dma_start3A_125, %dma_start3A_126] : memref<2x128x128xf32, #tpu.memory_space<vmem>> -> memref<1x128x128xf32, #tpu.memory_space<vmem>>
      %dma_start3A_128 = tpu.memref_squeeze %dma_start3A_127 : memref<1x128x128xf32, #tpu.memory_space<vmem>> -> memref<128x128xf32, #tpu.memory_space<vmem>>
      %dma_start3A_129 = arith.constant 0 : i32
      %dma_start3A_130 = tpu.memref_slice %arg7[%rem3A_122, %rem3A_124, %dma_start3A_129] : memref<2x8x128xi32, #tpu.memory_space<vmem>> -> memref<1x1x128xi32, #tpu.memory_space<vmem>>
      %dma_start3A_131 = tpu.memref_squeeze %dma_start3A_130 : memref<1x1x128xi32, #tpu.memory_space<vmem>> -> memref<128xi32, #tpu.memory_space<vmem>>
      %dma_start3A_132 = arith.constant 0 : i32
      %dma_start3A_133 = arith.constant 0 : i32
      %dma_start3A_134 = tpu.memref_slice %arg9[%dma_start3A_132, %dma_start3A_133] : memref<10240x128xf32, #tpu.memory_space<vmem_shared>> -> memref<10240x128xf32, #tpu.memory_space<vmem_shared>>
      tpu.enqueue_indirect_dma source(%dma_start3A_128 : memref<128x128xf32, #tpu.memory_space<vmem>>) target(%dma_start3A_134 : memref<10240x128xf32, #tpu.memory_space<vmem_shared>>) offsets(%dma_start3A_131 : memref<128xi32, #tpu.memory_space<vmem>>) semaphore(%arg11 : memref<!tpu.dma_semaphore, #tpu.memory_space<semaphore_mem>>) {add = true}
      %ge3A = arith.constant 1 : i32
      %ge3A_135 = arith.cmpi sge, %while3A_76, %ge3A : i32
      %convert_element_type3A_136 = arith.extui %ge3A_135 : i1 to i32
      %cond3A_137 = arith.constant 0 : i32
      %cond3A_138 = arith.cmpi ne, %convert_element_type3A_136, %cond3A_137 : i32
      scf.if %cond3A_138 {
        %sub3A_139 = arith.constant 1 : i32
        %sub3A_140 = arith.subi %while3A_76, %sub3A_139 : i32
        %rem3A_141 = arith.constant 2 : i32
        %rem3A_142 = arith.remsi %sub3A_140, %rem3A_141 : i32
        %dma_wait3A_143 = arith.constant 0 : i32
        %dma_wait3A_144 = arith.constant 0 : i32
        %dma_wait3A_145 = arith.constant 0 : i32
        %dma_wait3A_146 = arith.constant 0 : i32
        %dma_wait3A_147 = tpu.memref_slice %arg8[%rem3A_142, %dma_wait3A_145, %dma_wait3A_146] : memref<2x128x128xf32, #tpu.memory_space<vmem>> -> memref<1x128x128xf32, #tpu.memory_space<vmem>>
        %dma_wait3A_148 = tpu.memref_squeeze %dma_wait3A_147 : memref<1x128x128xf32, #tpu.memory_space<vmem>> -> memref<128x128xf32, #tpu.memory_space<vmem>>
        %dma_wait3A_149 = arith.constant 0 : i32
        %dma_wait3A_150 = tpu.memref_slice %arg7[%dma_wait3A_143, %dma_wait3A_144, %dma_wait3A_149] : memref<2x8x128xi32, #tpu.memory_space<vmem>> -> memref<1x1x128xi32, #tpu.memory_space<vmem>>
        %dma_wait3A_151 = tpu.memref_squeeze %dma_wait3A_150 : memref<1x1x128xi32, #tpu.memory_space<vmem>> -> memref<128xi32, #tpu.memory_space<vmem>>
        %dma_wait3A_152 = arith.constant 0 : i32
        %dma_wait3A_153 = arith.constant 0 : i32
        %dma_wait3A_154 = tpu.memref_slice %arg9[%dma_wait3A_152, %dma_wait3A_153] : memref<10240x128xf32, #tpu.memory_space<vmem_shared>> -> memref<10240x128xf32, #tpu.memory_space<vmem_shared>>
        tpu.wait_indirect_dma semaphore(%arg11 : memref<!tpu.dma_semaphore, #tpu.memory_space<semaphore_mem>>) src(%dma_wait3A_148 : memref<128x128xf32, #tpu.memory_space<vmem>>) dst(%dma_wait3A_154 : memref<10240x128xf32, #tpu.memory_space<vmem_shared>>)
        %sub3A_155 = arith.constant 1 : i32
        %sub3A_156 = arith.subi %while3A_76, %sub3A_155 : i32
        %add3A_157 = arith.constant 2 : i32
        %add3A_158 = arith.addi %sub3A_156, %add3A_157 : i32
        %lt3A_159 = arith.cmpi slt, %add3A_158, %mul3A_5 : i32
        %convert_element_type3A_160 = arith.extui %lt3A_159 : i1 to i32
        %cond3A_161 = arith.constant 0 : i32
        %cond3A_162 = arith.cmpi ne, %convert_element_type3A_160, %cond3A_161 : i32
        scf.if %cond3A_162 {
          %sub3A_163 = arith.constant 1 : i32
          %sub3A_164 = arith.subi %while3A_76, %sub3A_163 : i32
          %add3A_165 = arith.constant 2 : i32
          %add3A_166 = arith.addi %sub3A_164, %add3A_165 : i32
          %jit3A_167 = arith.constant 8 : i32
          %div3A_168 = arith.divsi %add3A_166, %jit3A_167 : i32
          %sign3A_169 = arith.constant 0 : i32
          %sign3A_170 = arith.cmpi sgt, %add3A_166, %sign3A_169 : i32
          %sign3A_171 = arith.extui %sign3A_170 : i1 to i32
          %sign3A_172 = arith.constant 0 : i32
          %sign3A_173 = arith.cmpi slt, %add3A_166, %sign3A_172 : i32
          %sign3A_174 = arith.extui %sign3A_173 : i1 to i32
          %sign3A_175 = arith.subi %sign3A_171, %sign3A_174 : i32
          %sign3A_176 = arith.constant 0 : i32
          %sign3A_177 = arith.cmpi sgt, %jit3A_167, %sign3A_176 : i32
          %sign3A_178 = arith.extui %sign3A_177 : i1 to i32
          %sign3A_179 = arith.constant 0 : i32
          %sign3A_180 = arith.cmpi slt, %jit3A_167, %sign3A_179 : i32
          %sign3A_181 = arith.extui %sign3A_180 : i1 to i32
          %sign3A_182 = arith.subi %sign3A_178, %sign3A_181 : i32
          %ne3A_183 = arith.cmpi ne, %sign3A_175, %sign3A_182 : i32
          %rem3A_184 = arith.remsi %add3A_166, %jit3A_167 : i32
          %ne3A_185 = arith.constant 0 : i32
          %ne3A_186 = arith.cmpi ne, %rem3A_184, %ne3A_185 : i32
          %and3A_187 = arith.andi %ne3A_183, %ne3A_186 : i1
          %sub3A_188 = arith.constant 1 : i32
          %sub3A_189 = arith.subi %div3A_168, %sub3A_188 : i32
          %select_n3A_190 = arith.select %and3A_187, %sub3A_189, %div3A_168 : i32
          %rem3A_191 = arith.constant 2 : i32
          %rem3A_192 = arith.remsi %select_n3A_190, %rem3A_191 : i32
          %rem3A_193 = arith.constant 8 : i32
          %rem3A_194 = arith.remsi %add3A_166, %rem3A_193 : i32
          %dma_start3A_195 = arith.constant 0 : i32
          %dma_start3A_196 = arith.constant 0 : i32
          %dma_start3A_197 = tpu.memref_slice %arg8[%rem3A_142, %dma_start3A_195, %dma_start3A_196] : memref<2x128x128xf32, #tpu.memory_space<vmem>> -> memref<1x128x128xf32, #tpu.memory_space<vmem>>
          %dma_start3A_198 = tpu.memref_squeeze %dma_start3A_197 : memref<1x128x128xf32, #tpu.memory_space<vmem>> -> memref<128x128xf32, #tpu.memory_space<vmem>>
          %dma_start3A_199 = arith.constant 0 : i32
          %dma_start3A_200 = tpu.memref_slice %arg6[%rem3A_192, %rem3A_194, %dma_start3A_199] : memref<2x8x128xi32, #tpu.memory_space<vmem>> -> memref<1x1x128xi32, #tpu.memory_space<vmem>>
          %dma_start3A_201 = tpu.memref_squeeze %dma_start3A_200 : memref<1x1x128xi32, #tpu.memory_space<vmem>> -> memref<128xi32, #tpu.memory_space<vmem>>
          %dma_start3A_202 = arith.constant 0 : i32
          %dma_start3A_203 = arith.constant 0 : i32
          %dma_start3A_204 = tpu.memref_slice %arg2[%dma_start3A_202, %dma_start3A_203] : memref<10000x128xf32, #tpu.memory_space<hbm>> -> memref<10000x128xf32, #tpu.memory_space<hbm>>
          tpu.enqueue_indirect_dma source(%dma_start3A_204 : memref<10000x128xf32, #tpu.memory_space<hbm>>) target(%dma_start3A_198 : memref<128x128xf32, #tpu.memory_space<vmem>>) offsets(%dma_start3A_201 : memref<128xi32, #tpu.memory_space<vmem>>) semaphore(%arg10 : memref<!tpu.dma_semaphore, #tpu.memory_space<semaphore_mem>>)
        } else {
        }
      } else {
      }
    }
    %while3A_56 = arith.constant 1 : i32
    scf.for %while3A_76 = %while3A_54 to %while3A_50 step %while3A_56  : i32 {
      %add3A_77 = arith.constant 2 : i32
      %add3A_78 = arith.addi %while3A_76, %add3A_77 : i32
      %sub3A_79 = arith.constant 1 : i32
      %sub3A_80 = arith.subi %add3A_78, %sub3A_79 : i32
      %rem3A_81 = arith.constant 8 : i32
      %rem3A_82 = arith.remsi %sub3A_80, %rem3A_81 : i32
      %eq3A_83 = arith.constant 0 : i32
      %eq3A_84 = arith.cmpi eq, %rem3A_82, %eq3A_83 : i32
      %lt3A = arith.cmpi slt, %sub3A_80, %mul3A_5 : i32
      %and3A = arith.andi %eq3A_84, %lt3A : i1
      %convert_element_type3A = arith.extui %and3A : i1 to i32
      %cond3A = arith.constant 0 : i32
      %cond3A_85 = arith.cmpi ne, %convert_element_type3A, %cond3A : i32
      scf.if %cond3A_85 {
        %jit3A_139 = arith.constant 8 : i32
        %div3A_140 = arith.divsi %sub3A_80, %jit3A_139 : i32
        %sign3A_141 = arith.constant 0 : i32
        %sign3A_142 = arith.cmpi sgt, %sub3A_80, %sign3A_141 : i32
        %sign3A_143 = arith.extui %sign3A_142 : i1 to i32
        %sign3A_144 = arith.constant 0 : i32
        %sign3A_145 = arith.cmpi slt, %sub3A_80, %sign3A_144 : i32
        %sign3A_146 = arith.extui %sign3A_145 : i1 to i32
        %sign3A_147 = arith.subi %sign3A_143, %sign3A_146 : i32
        %sign3A_148 = arith.constant 0 : i32
        %sign3A_149 = arith.cmpi sgt, %jit3A_139, %sign3A_148 : i32
        %sign3A_150 = arith.extui %sign3A_149 : i1 to i32
        %sign3A_151 = arith.constant 0 : i32
        %sign3A_152 = arith.cmpi slt, %jit3A_139, %sign3A_151 : i32
        %sign3A_153 = arith.extui %sign3A_152 : i1 to i32
        %sign3A_154 = arith.subi %sign3A_150, %sign3A_153 : i32
        %ne3A_155 = arith.cmpi ne, %sign3A_147, %sign3A_154 : i32
        %rem3A_156 = arith.remsi %sub3A_80, %jit3A_139 : i32
        %ne3A_157 = arith.constant 0 : i32
        %ne3A_158 = arith.cmpi ne, %rem3A_156, %ne3A_157 : i32
        %and3A_159 = arith.andi %ne3A_155, %ne3A_158 : i1
        %sub3A_160 = arith.constant 1 : i32
        %sub3A_161 = arith.subi %div3A_140, %sub3A_160 : i32
        %select_n3A_162 = arith.select %and3A_159, %sub3A_161, %div3A_140 : i32
        %rem3A_163 = arith.constant 2 : i32
        %rem3A_164 = arith.remsi %select_n3A_162, %rem3A_163 : i32
        %add3A_165 = arith.addi %add3A, %select_n3A_162 : i32
        "tpu.region"() ({
          %run_scoped3A_167 = tpu.sem_alloc : memref<!tpu.dma_semaphore, #tpu.memory_space<semaphore_mem>>
          %dma_start3A_168 = arith.constant 0 : i32
          %dma_start3A_169 = arith.constant 0 : i32
          %dma_start3A_170 = tpu.memref_slice %arg6[%rem3A_164, %dma_start3A_168, %dma_start3A_169] : memref<2x8x128xi32, #tpu.memory_space<vmem>> -> memref<1x8x128xi32, #tpu.memory_space<vmem>>
          %dma_start3A_171 = tpu.memref_squeeze %dma_start3A_170 : memref<1x8x128xi32, #tpu.memory_space<vmem>> -> memref<8x128xi32, #tpu.memory_space<vmem>>
          %dma_start3A_172 = arith.constant 0 : i32
          %dma_start3A_173 = arith.constant 0 : i32
          %dma_start3A_174 = tpu.memref_slice %arg3[%add3A_165, %dma_start3A_172, %dma_start3A_173] : memref<320x8x128xi32, #tpu.memory_space<hbm>> -> memref<1x8x128xi32, #tpu.memory_space<hbm>>
          %dma_start3A_175 = tpu.memref_squeeze %dma_start3A_174 : memref<1x8x128xi32, #tpu.memory_space<hbm>> -> memref<8x128xi32, #tpu.memory_space<hbm>>
          %dma_start3A_176 = arith.constant 0 : i32
          %dma_start3A_177 = arith.constant 0 : i32
          %dma_start3A_178 = tpu.memref_slice %arg6[%rem3A_164, %dma_start3A_176, %dma_start3A_177] : memref<2x8x128xi32, #tpu.memory_space<vmem>> -> memref<1x8x128xi32, #tpu.memory_space<vmem>>
          %dma_start3A_179 = tpu.memref_squeeze %dma_start3A_178 : memref<1x8x128xi32, #tpu.memory_space<vmem>> -> memref<8x128xi32, #tpu.memory_space<vmem>>
          %dma_start3A_180 = arith.constant 0 : i32
          %dma_start3A_181 = arith.constant 0 : i32
          %dma_start3A_182 = tpu.memref_slice %arg3[%add3A_165, %dma_start3A_180, %dma_start3A_181] : memref<320x8x128xi32, #tpu.memory_space<hbm>> -> memref<1x8x128xi32, #tpu.memory_space<hbm>>
          %dma_start3A_183 = tpu.memref_squeeze %dma_start3A_182 : memref<1x8x128xi32, #tpu.memory_space<hbm>> -> memref<8x128xi32, #tpu.memory_space<hbm>>
          tpu.enqueue_dma source(%dma_start3A_183 : memref<8x128xi32, #tpu.memory_space<hbm>>) target(%dma_start3A_179 : memref<8x128xi32, #tpu.memory_space<vmem>>) target_semaphore(%run_scoped3A_167 : memref<!tpu.dma_semaphore, #tpu.memory_space<semaphore_mem>>)
          %dma_wait3A_184 = arith.constant 0 : i32
          %dma_wait3A_185 = arith.constant 0 : i32
          %dma_wait3A_186 = tpu.memref_slice %arg6[%rem3A_164, %dma_wait3A_184, %dma_wait3A_185] : memref<2x8x128xi32, #tpu.memory_space<vmem>> -> memref<1x8x128xi32, #tpu.memory_space<vmem>>
          %dma_wait3A_187 = tpu.memref_squeeze %dma_wait3A_186 : memref<1x8x128xi32, #tpu.memory_space<vmem>> -> memref<8x128xi32, #tpu.memory_space<vmem>>
          %dma_wait3A_188 = arith.constant 0 : i32
          %dma_wait3A_189 = arith.constant 0 : i32
          %dma_wait3A_190 = tpu.memref_slice %arg3[%add3A_165, %dma_wait3A_188, %dma_wait3A_189] : memref<320x8x128xi32, #tpu.memory_space<hbm>> -> memref<1x8x128xi32, #tpu.memory_space<hbm>>
          %dma_wait3A_191 = tpu.memref_squeeze %dma_wait3A_190 : memref<1x8x128xi32, #tpu.memory_space<hbm>> -> memref<8x128xi32, #tpu.memory_space<hbm>>
          %dma_wait3A_192 = arith.constant 0 : i32
          %dma_wait3A_193 = arith.constant 0 : i32
          %dma_wait3A_194 = tpu.memref_slice %arg6[%rem3A_164, %dma_wait3A_192, %dma_wait3A_193] : memref<2x8x128xi32, #tpu.memory_space<vmem>> -> memref<1x8x128xi32, #tpu.memory_space<vmem>>
          %dma_wait3A_195 = tpu.memref_squeeze %dma_wait3A_194 : memref<1x8x128xi32, #tpu.memory_space<vmem>> -> memref<8x128xi32, #tpu.memory_space<vmem>>
          %dma_wait3A_196 = arith.constant 0 : i32
          %dma_wait3A_197 = arith.constant 0 : i32
          %dma_wait3A_198 = tpu.memref_slice %arg3[%add3A_165, %dma_wait3A_196, %dma_wait3A_197] : memref<320x8x128xi32, #tpu.memory_space<hbm>> -> memref<1x8x128xi32, #tpu.memory_space<hbm>>
          %dma_wait3A_199 = tpu.memref_squeeze %dma_wait3A_198 : memref<1x8x128xi32, #tpu.memory_space<hbm>> -> memref<8x128xi32, #tpu.memory_space<hbm>>
          tpu.wait_dma2 semaphore(%run_scoped3A_167 : memref<!tpu.dma_semaphore, #tpu.memory_space<semaphore_mem>>) src(%dma_wait3A_199 : memref<8x128xi32, #tpu.memory_space<hbm>>) dst(%dma_wait3A_195 : memref<8x128xi32, #tpu.memory_space<vmem>>)
          tpu.yield
        }) : () -> ()
        %add3A_166 = arith.addi %add3A, %select_n3A_162 : i32
        "tpu.region"() ({
          %run_scoped3A_167 = tpu.sem_alloc : memref<!tpu.dma_semaphore, #tpu.memory_space<semaphore_mem>>
          %dma_start3A_168 = arith.constant 0 : i32
          %dma_start3A_169 = arith.constant 0 : i32
          %dma_start3A_170 = tpu.memref_slice %arg7[%rem3A_164, %dma_start3A_168, %dma_start3A_169] : memref<2x8x128xi32, #tpu.memory_space<vmem>> -> memref<1x8x128xi32, #tpu.memory_space<vmem>>
          %dma_start3A_171 = tpu.memref_squeeze %dma_start3A_170 : memref<1x8x128xi32, #tpu.memory_space<vmem>> -> memref<8x128xi32, #tpu.memory_space<vmem>>
          %dma_start3A_172 = arith.constant 0 : i32
          %dma_start3A_173 = arith.constant 0 : i32
          %dma_start3A_174 = tpu.memref_slice %arg4[%add3A_166, %dma_start3A_172, %dma_start3A_173] : memref<320x8x128xi32, #tpu.memory_space<hbm>> -> memref<1x8x128xi32, #tpu.memory_space<hbm>>
          %dma_start3A_175 = tpu.memref_squeeze %dma_start3A_174 : memref<1x8x128xi32, #tpu.memory_space<hbm>> -> memref<8x128xi32, #tpu.memory_space<hbm>>
          %dma_start3A_176 = arith.constant 0 : i32
          %dma_start3A_177 = arith.constant 0 : i32
          %dma_start3A_178 = tpu.memref_slice %arg7[%rem3A_164, %dma_start3A_176, %dma_start3A_177] : memref<2x8x128xi32, #tpu.memory_space<vmem>> -> memref<1x8x128xi32, #tpu.memory_space<vmem>>
          %dma_start3A_179 = tpu.memref_squeeze %dma_start3A_178 : memref<1x8x128xi32, #tpu.memory_space<vmem>> -> memref<8x128xi32, #tpu.memory_space<vmem>>
          %dma_start3A_180 = arith.constant 0 : i32
          %dma_start3A_181 = arith.constant 0 : i32
          %dma_start3A_182 = tpu.memref_slice %arg4[%add3A_166, %dma_start3A_180, %dma_start3A_181] : memref<320x8x128xi32, #tpu.memory_space<hbm>> -> memref<1x8x128xi32, #tpu.memory_space<hbm>>
          %dma_start3A_183 = tpu.memref_squeeze %dma_start3A_182 : memref<1x8x128xi32, #tpu.memory_space<hbm>> -> memref<8x128xi32, #tpu.memory_space<hbm>>
          tpu.enqueue_dma source(%dma_start3A_183 : memref<8x128xi32, #tpu.memory_space<hbm>>) target(%dma_start3A_179 : memref<8x128xi32, #tpu.memory_space<vmem>>) target_semaphore(%run_scoped3A_167 : memref<!tpu.dma_semaphore, #tpu.memory_space<semaphore_mem>>)
          %dma_wait3A_184 = arith.constant 0 : i32
          %dma_wait3A_185 = arith.constant 0 : i32
          %dma_wait3A_186 = tpu.memref_slice %arg7[%rem3A_164, %dma_wait3A_184, %dma_wait3A_185] : memref<2x8x128xi32, #tpu.memory_space<vmem>> -> memref<1x8x128xi32, #tpu.memory_space<vmem>>
          %dma_wait3A_187 = tpu.memref_squeeze %dma_wait3A_186 : memref<1x8x128xi32, #tpu.memory_space<vmem>> -> memref<8x128xi32, #tpu.memory_space<vmem>>
          %dma_wait3A_188 = arith.constant 0 : i32
          %dma_wait3A_189 = arith.constant 0 : i32
          %dma_wait3A_190 = tpu.memref_slice %arg4[%add3A_166, %dma_wait3A_188, %dma_wait3A_189] : memref<320x8x128xi32, #tpu.memory_space<hbm>> -> memref<1x8x128xi32, #tpu.memory_space<hbm>>
          %dma_wait3A_191 = tpu.memref_squeeze %dma_wait3A_190 : memref<1x8x128xi32, #tpu.memory_space<hbm>> -> memref<8x128xi32, #tpu.memory_space<hbm>>
          %dma_wait3A_192 = arith.constant 0 : i32
          %dma_wait3A_193 = arith.constant 0 : i32
          %dma_wait3A_194 = tpu.memref_slice %arg7[%rem3A_164, %dma_wait3A_192, %dma_wait3A_193] : memref<2x8x128xi32, #tpu.memory_space<vmem>> -> memref<1x8x128xi32, #tpu.memory_space<vmem>>
          %dma_wait3A_195 = tpu.memref_squeeze %dma_wait3A_194 : memref<1x8x128xi32, #tpu.memory_space<vmem>> -> memref<8x128xi32, #tpu.memory_space<vmem>>
          %dma_wait3A_196 = arith.constant 0 : i32
          %dma_wait3A_197 = arith.constant 0 : i32
          %dma_wait3A_198 = tpu.memref_slice %arg4[%add3A_166, %dma_wait3A_196, %dma_wait3A_197] : memref<320x8x128xi32, #tpu.memory_space<hbm>> -> memref<1x8x128xi32, #tpu.memory_space<hbm>>
          %dma_wait3A_199 = tpu.memref_squeeze %dma_wait3A_198 : memref<1x8x128xi32, #tpu.memory_space<hbm>> -> memref<8x128xi32, #tpu.memory_space<hbm>>
          tpu.wait_dma2 semaphore(%run_scoped3A_167 : memref<!tpu.dma_semaphore, #tpu.memory_space<semaphore_mem>>) src(%dma_wait3A_199 : memref<8x128xi32, #tpu.memory_space<hbm>>) dst(%dma_wait3A_195 : memref<8x128xi32, #tpu.memory_space<vmem>>)
          tpu.yield
        }) : () -> ()
      } else {
      }
      %rem3A_86 = arith.constant 2 : i32
      %rem3A_87 = arith.remsi %while3A_76, %rem3A_86 : i32
      %dma_wait3A_88 = arith.constant 0 : i32
      %dma_wait3A_89 = arith.constant 0 : i32
      %dma_wait3A_90 = arith.constant 0 : i32
      %dma_wait3A_91 = arith.constant 0 : i32
      %dma_wait3A_92 = tpu.memref_slice %arg8[%rem3A_87, %dma_wait3A_90, %dma_wait3A_91] : memref<2x128x128xf32, #tpu.memory_space<vmem>> -> memref<1x128x128xf32, #tpu.memory_space<vmem>>
      %dma_wait3A_93 = tpu.memref_squeeze %dma_wait3A_92 : memref<1x128x128xf32, #tpu.memory_space<vmem>> -> memref<128x128xf32, #tpu.memory_space<vmem>>
      %dma_wait3A_94 = arith.constant 0 : i32
      %dma_wait3A_95 = tpu.memref_slice %arg6[%dma_wait3A_88, %dma_wait3A_89, %dma_wait3A_94] : memref<2x8x128xi32, #tpu.memory_space<vmem>> -> memref<1x1x128xi32, #tpu.memory_space<vmem>>
      %dma_wait3A_96 = tpu.memref_squeeze %dma_wait3A_95 : memref<1x1x128xi32, #tpu.memory_space<vmem>> -> memref<128xi32, #tpu.memory_space<vmem>>
      %dma_wait3A_97 = arith.constant 0 : i32
      %dma_wait3A_98 = arith.constant 0 : i32
      %dma_wait3A_99 = tpu.memref_slice %arg2[%dma_wait3A_97, %dma_wait3A_98] : memref<10000x128xf32, #tpu.memory_space<hbm>> -> memref<10000x128xf32, #tpu.memory_space<hbm>>
      tpu.wait_indirect_dma semaphore(%arg10 : memref<!tpu.dma_semaphore, #tpu.memory_space<semaphore_mem>>) src(%dma_wait3A_99 : memref<10000x128xf32, #tpu.memory_space<hbm>>) dst(%dma_wait3A_93 : memref<128x128xf32, #tpu.memory_space<vmem>>)
      %jit3A_100 = arith.constant 8 : i32
      %div3A = arith.divsi %while3A_76, %jit3A_100 : i32
      %sign3A = arith.constant 0 : i32
      %sign3A_101 = arith.cmpi sgt, %while3A_76, %sign3A : i32
      %sign3A_102 = arith.extui %sign3A_101 : i1 to i32
      %sign3A_103 = arith.constant 0 : i32
      %sign3A_104 = arith.cmpi slt, %while3A_76, %sign3A_103 : i32
      %sign3A_105 = arith.extui %sign3A_104 : i1 to i32
      %sign3A_106 = arith.subi %sign3A_102, %sign3A_105 : i32
      %sign3A_107 = arith.constant 0 : i32
      %sign3A_108 = arith.cmpi sgt, %jit3A_100, %sign3A_107 : i32
      %sign3A_109 = arith.extui %sign3A_108 : i1 to i32
      %sign3A_110 = arith.constant 0 : i32
      %sign3A_111 = arith.cmpi slt, %jit3A_100, %sign3A_110 : i32
      %sign3A_112 = arith.extui %sign3A_111 : i1 to i32
      %sign3A_113 = arith.subi %sign3A_109, %sign3A_112 : i32
      %ne3A = arith.cmpi ne, %sign3A_106, %sign3A_113 : i32
      %rem3A_114 = arith.remsi %while3A_76, %jit3A_100 : i32
      %ne3A_115 = arith.constant 0 : i32
      %ne3A_116 = arith.cmpi ne, %rem3A_114, %ne3A_115 : i32
      %and3A_117 = arith.andi %ne3A, %ne3A_116 : i1
      %sub3A_118 = arith.constant 1 : i32
      %sub3A_119 = arith.subi %div3A, %sub3A_118 : i32
      %select_n3A_120 = arith.select %and3A_117, %sub3A_119, %div3A : i32
      %rem3A_121 = arith.constant 2 : i32
      %rem3A_122 = arith.remsi %select_n3A_120, %rem3A_121 : i32
      %rem3A_123 = arith.constant 8 : i32
      %rem3A_124 = arith.remsi %while3A_76, %rem3A_123 : i32
      %dma_start3A_125 = arith.constant 0 : i32
      %dma_start3A_126 = arith.constant 0 : i32
      %dma_start3A_127 = tpu.memref_slice %arg8[%rem3A_87, %dma_start3A_125, %dma_start3A_126] : memref<2x128x128xf32, #tpu.memory_space<vmem>> -> memref<1x128x128xf32, #tpu.memory_space<vmem>>
      %dma_start3A_128 = tpu.memref_squeeze %dma_start3A_127 : memref<1x128x128xf32, #tpu.memory_space<vmem>> -> memref<128x128xf32, #tpu.memory_space<vmem>>
      %dma_start3A_129 = arith.constant 0 : i32
      %dma_start3A_130 = tpu.memref_slice %arg7[%rem3A_122, %rem3A_124, %dma_start3A_129] : memref<2x8x128xi32, #tpu.memory_space<vmem>> -> memref<1x1x128xi32, #tpu.memory_space<vmem>>
      %dma_start3A_131 = tpu.memref_squeeze %dma_start3A_130 : memref<1x1x128xi32, #tpu.memory_space<vmem>> -> memref<128xi32, #tpu.memory_space<vmem>>
      %dma_start3A_132 = arith.constant 0 : i32
      %dma_start3A_133 = arith.constant 0 : i32
      %dma_start3A_134 = tpu.memref_slice %arg9[%dma_start3A_132, %dma_start3A_133] : memref<10240x128xf32, #tpu.memory_space<vmem_shared>> -> memref<10240x128xf32, #tpu.memory_space<vmem_shared>>
      tpu.enqueue_indirect_dma source(%dma_start3A_128 : memref<128x128xf32, #tpu.memory_space<vmem>>) target(%dma_start3A_134 : memref<10240x128xf32, #tpu.memory_space<vmem_shared>>) offsets(%dma_start3A_131 : memref<128xi32, #tpu.memory_space<vmem>>) semaphore(%arg11 : memref<!tpu.dma_semaphore, #tpu.memory_space<semaphore_mem>>) {add = true}
      %ge3A = arith.constant 1 : i32
      %ge3A_135 = arith.cmpi sge, %while3A_76, %ge3A : i32
      %convert_element_type3A_136 = arith.extui %ge3A_135 : i1 to i32
      %cond3A_137 = arith.constant 0 : i32
      %cond3A_138 = arith.cmpi ne, %convert_element_type3A_136, %cond3A_137 : i32
      scf.if %cond3A_138 {
        %sub3A_139 = arith.constant 1 : i32
        %sub3A_140 = arith.subi %while3A_76, %sub3A_139 : i32
        %rem3A_141 = arith.constant 2 : i32
        %rem3A_142 = arith.remsi %sub3A_140, %rem3A_141 : i32
        %dma_wait3A_143 = arith.constant 0 : i32
        %dma_wait3A_144 = arith.constant 0 : i32
        %dma_wait3A_145 = arith.constant 0 : i32
        %dma_wait3A_146 = arith.constant 0 : i32
        %dma_wait3A_147 = tpu.memref_slice %arg8[%rem3A_142, %dma_wait3A_145, %dma_wait3A_146] : memref<2x128x128xf32, #tpu.memory_space<vmem>> -> memref<1x128x128xf32, #tpu.memory_space<vmem>>
        %dma_wait3A_148 = tpu.memref_squeeze %dma_wait3A_147 : memref<1x128x128xf32, #tpu.memory_space<vmem>> -> memref<128x128xf32, #tpu.memory_space<vmem>>
        %dma_wait3A_149 = arith.constant 0 : i32
        %dma_wait3A_150 = tpu.memref_slice %arg7[%dma_wait3A_143, %dma_wait3A_144, %dma_wait3A_149] : memref<2x8x128xi32, #tpu.memory_space<vmem>> -> memref<1x1x128xi32, #tpu.memory_space<vmem>>
        %dma_wait3A_151 = tpu.memref_squeeze %dma_wait3A_150 : memref<1x1x128xi32, #tpu.memory_space<vmem>> -> memref<128xi32, #tpu.memory_space<vmem>>
        %dma_wait3A_152 = arith.constant 0 : i32
        %dma_wait3A_153 = arith.constant 0 : i32
        %dma_wait3A_154 = tpu.memref_slice %arg9[%dma_wait3A_152, %dma_wait3A_153] : memref<10240x128xf32, #tpu.memory_space<vmem_shared>> -> memref<10240x128xf32, #tpu.memory_space<vmem_shared>>
        tpu.wait_indirect_dma semaphore(%arg11 : memref<!tpu.dma_semaphore, #tpu.memory_space<semaphore_mem>>) src(%dma_wait3A_148 : memref<128x128xf32, #tpu.memory_space<vmem>>) dst(%dma_wait3A_154 : memref<10240x128xf32, #tpu.memory_space<vmem_shared>>)
        %sub3A_155 = arith.constant 1 : i32
        %sub3A_156 = arith.subi %while3A_76, %sub3A_155 : i32
        %add3A_157 = arith.constant 2 : i32
        %add3A_158 = arith.addi %sub3A_156, %add3A_157 : i32
        %lt3A_159 = arith.cmpi slt, %add3A_158, %mul3A_5 : i32
        %convert_element_type3A_160 = arith.extui %lt3A_159 : i1 to i32
        %cond3A_161 = arith.constant 0 : i32
        %cond3A_162 = arith.cmpi ne, %convert_element_type3A_160, %cond3A_161 : i32
        scf.if %cond3A_162 {
          %sub3A_163 = arith.constant 1 : i32
          %sub3A_164 = arith.subi %while3A_76, %sub3A_163 : i32
          %add3A_165 = arith.constant 2 : i32
          %add3A_166 = arith.addi %sub3A_164, %add3A_165 : i32
          %jit3A_167 = arith.constant 8 : i32
          %div3A_168 = arith.divsi %add3A_166, %jit3A_167 : i32
          %sign3A_169 = arith.constant 0 : i32
          %sign3A_170 = arith.cmpi sgt, %add3A_166, %sign3A_169 : i32
          %sign3A_171 = arith.extui %sign3A_170 : i1 to i32
          %sign3A_172 = arith.constant 0 : i32
          %sign3A_173 = arith.cmpi slt, %add3A_166, %sign3A_172 : i32
          %sign3A_174 = arith.extui %sign3A_173 : i1 to i32
          %sign3A_175 = arith.subi %sign3A_171, %sign3A_174 : i32
          %sign3A_176 = arith.constant 0 : i32
          %sign3A_177 = arith.cmpi sgt, %jit3A_167, %sign3A_176 : i32
          %sign3A_178 = arith.extui %sign3A_177 : i1 to i32
          %sign3A_179 = arith.constant 0 : i32
          %sign3A_180 = arith.cmpi slt, %jit3A_167, %sign3A_179 : i32
          %sign3A_181 = arith.extui %sign3A_180 : i1 to i32
          %sign3A_182 = arith.subi %sign3A_178, %sign3A_181 : i32
          %ne3A_183 = arith.cmpi ne, %sign3A_175, %sign3A_182 : i32
          %rem3A_184 = arith.remsi %add3A_166, %jit3A_167 : i32
          %ne3A_185 = arith.constant 0 : i32
          %ne3A_186 = arith.cmpi ne, %rem3A_184, %ne3A_185 : i32
          %and3A_187 = arith.andi %ne3A_183, %ne3A_186 : i1
          %sub3A_188 = arith.constant 1 : i32
          %sub3A_189 = arith.subi %div3A_168, %sub3A_188 : i32
          %select_n3A_190 = arith.select %and3A_187, %sub3A_189, %div3A_168 : i32
          %rem3A_191 = arith.constant 2 : i32
          %rem3A_192 = arith.remsi %select_n3A_190, %rem3A_191 : i32
          %rem3A_193 = arith.constant 8 : i32
          %rem3A_194 = arith.remsi %add3A_166, %rem3A_193 : i32
          %dma_start3A_195 = arith.constant 0 : i32
          %dma_start3A_196 = arith.constant 0 : i32
          %dma_start3A_197 = tpu.memref_slice %arg8[%rem3A_142, %dma_start3A_195, %dma_start3A_196] : memref<2x128x128xf32, #tpu.memory_space<vmem>> -> memref<1x128x128xf32, #tpu.memory_space<vmem>>
          %dma_start3A_198 = tpu.memref_squeeze %dma_start3A_197 : memref<1x128x128xf32, #tpu.memory_space<vmem>> -> memref<128x128xf32, #tpu.memory_space<vmem>>
          %dma_start3A_199 = arith.constant 0 : i32
          %dma_start3A_200 = tpu.memref_slice %arg6[%rem3A_192, %rem3A_194, %dma_start3A_199] : memref<2x8x128xi32, #tpu.memory_space<vmem>> -> memref<1x1x128xi32, #tpu.memory_space<vmem>>
          %dma_start3A_201 = tpu.memref_squeeze %dma_start3A_200 : memref<1x1x128xi32, #tpu.memory_space<vmem>> -> memref<128xi32, #tpu.memory_space<vmem>>
          %dma_start3A_202 = arith.constant 0 : i32
          %dma_start3A_203 = arith.constant 0 : i32
          %dma_start3A_204 = tpu.memref_slice %arg2[%dma_start3A_202, %dma_start3A_203] : memref<10000x128xf32, #tpu.memory_space<hbm>> -> memref<10000x128xf32, #tpu.memory_space<hbm>>
          tpu.enqueue_indirect_dma source(%dma_start3A_204 : memref<10000x128xf32, #tpu.memory_space<hbm>>) target(%dma_start3A_198 : memref<128x128xf32, #tpu.memory_space<vmem>>) offsets(%dma_start3A_201 : memref<128xi32, #tpu.memory_space<vmem>>) semaphore(%arg10 : memref<!tpu.dma_semaphore, #tpu.memory_space<semaphore_mem>>)
        } else {
        }
      } else {
      }
    }
    %sub3A = arith.constant 1 : i32
    %sub3A_57 = arith.subi %mul3A_5, %sub3A : i32
    %rem3A_58 = arith.constant 2 : i32
    %rem3A_59 = arith.remsi %sub3A_57, %rem3A_58 : i32
    %dma_wait3A = arith.constant 0 : i32
    %dma_wait3A_60 = arith.constant 0 : i32
    %dma_wait3A_61 = arith.constant 0 : i32
    %dma_wait3A_62 = arith.constant 0 : i32
    %dma_wait3A_63 = tpu.memref_slice %arg8[%rem3A_59, %dma_wait3A_61, %dma_wait3A_62] : memref<2x128x128xf32, #tpu.memory_space<vmem>> -> memref<1x128x128xf32, #tpu.memory_space<vmem>>
    %dma_wait3A_64 = tpu.memref_squeeze %dma_wait3A_63 : memref<1x128x128xf32, #tpu.memory_space<vmem>> -> memref<128x128xf32, #tpu.memory_space<vmem>>
    %dma_wait3A_65 = arith.constant 0 : i32
    %dma_wait3A_66 = tpu.memref_slice %arg7[%dma_wait3A, %dma_wait3A_60, %dma_wait3A_65] : memref<2x8x128xi32, #tpu.memory_space<vmem>> -> memref<1x1x128xi32, #tpu.memory_space<vmem>>
    %dma_wait3A_67 = tpu.memref_squeeze %dma_wait3A_66 : memref<1x1x128xi32, #tpu.memory_space<vmem>> -> memref<128xi32, #tpu.memory_space<vmem>>
    %dma_wait3A_68 = arith.constant 0 : i32
    %dma_wait3A_69 = arith.constant 0 : i32
    %dma_wait3A_70 = tpu.memref_slice %arg9[%dma_wait3A_68, %dma_wait3A_69] : memref<10240x128xf32, #tpu.memory_space<vmem_shared>> -> memref<10240x128xf32, #tpu.memory_space<vmem_shared>>
    tpu.wait_indirect_dma semaphore(%arg11 : memref<!tpu.dma_semaphore, #tpu.memory_space<semaphore_mem>>) src(%dma_wait3A_64 : memref<128x128xf32, #tpu.memory_space<vmem>>) dst(%dma_wait3A_70 : memref<10240x128xf32, #tpu.memory_space<vmem_shared>>)
    %barrier3A_71 = arith.constant 0 : index
    tpu.barrier barrier_id(%barrier3A_71)
    %mul3A_72 = arith.constant 640 : i32
    %mul3A_73 = arith.muli %arg1, %mul3A_72 : i32
    %mul3A_74 = arith.constant 640 : i32
    %mul3A_75 = arith.muli %arg1, %mul3A_74 : i32
    "tpu.region"() ({
      %run_scoped3A_76 = tpu.sem_alloc : memref<!tpu.dma_semaphore, #tpu.memory_space<semaphore_mem>>
      %dma_start3A_77 = arith.constant 0 : i32
      %dma_start3A_78 = tpu.memref_slice %arg5[%arg0, %mul3A_75, %dma_start3A_77] : memref<2x10240x128xf32, #tpu.memory_space<hbm>> -> memref<1x640x128xf32, #tpu.memory_space<hbm>>
      %dma_start3A_79 = tpu.memref_squeeze %dma_start3A_78 : memref<1x640x128xf32, #tpu.memory_space<hbm>> -> memref<640x128xf32, #tpu.memory_space<hbm>>
      %dma_start3A_80 = arith.constant 0 : i32
      %dma_start3A_81 = tpu.memref_slice %arg9[%mul3A_73, %dma_start3A_80] : memref<10240x128xf32, #tpu.memory_space<vmem_shared>> -> memref<640x128xf32, #tpu.memory_space<vmem_shared>>
      tpu.enqueue_dma source(%dma_start3A_81 : memref<640x128xf32, #tpu.memory_space<vmem_shared>>) target(%dma_start3A_79 : memref<640x128xf32, #tpu.memory_space<hbm>>) target_semaphore(%run_scoped3A_76 : memref<!tpu.dma_semaphore, #tpu.memory_space<semaphore_mem>>)
      %dma_wait3A_82 = arith.constant 0 : i32
      %dma_wait3A_83 = tpu.memref_slice %arg5[%arg0, %mul3A_75, %dma_wait3A_82] : memref<2x10240x128xf32, #tpu.memory_space<hbm>> -> memref<1x640x128xf32, #tpu.memory_space<hbm>>
      %dma_wait3A_84 = tpu.memref_squeeze %dma_wait3A_83 : memref<1x640x128xf32, #tpu.memory_space<hbm>> -> memref<640x128xf32, #tpu.memory_space<hbm>>
      %dma_wait3A_85 = arith.constant 0 : i32
      %dma_wait3A_86 = tpu.memref_slice %arg9[%mul3A_73, %dma_wait3A_85] : memref<10240x128xf32, #tpu.memory_space<vmem_shared>> -> memref<640x128xf32, #tpu.memory_space<vmem_shared>>
      tpu.wait_dma2 semaphore(%run_scoped3A_76 : memref<!tpu.dma_semaphore, #tpu.memory_space<semaphore_mem>>) src(%dma_wait3A_86 : memref<640x128xf32, #tpu.memory_space<vmem_shared>>) dst(%dma_wait3A_84 : memref<640x128xf32, #tpu.memory_space<hbm>>)
      tpu.yield
    }) : () -> ()
    return
  }
}

#map = affine_map<(d0, d1) -> (0, 0)>
#map1 = affine_map<(d0, d1) -> (0, 0, 0)>
module attributes {stable_mosaic.version = 14 : i64} {
  func.func @prop_kernel(%arg0: i32, %arg1: i32, %arg2: memref<10000x128xf32, #tpu.memory_space<hbm>>, %arg3: memref<320x8x128xi32, #tpu.memory_space<hbm>>, %arg4: memref<320x8x128xi32, #tpu.memory_space<hbm>>, %arg5: memref<2x10240x128xf32, #tpu.memory_space<hbm>>, %arg6: memref<2x8x128xi32, #tpu.memory_space<vmem>>, %arg7: memref<2x8x128xi32, #tpu.memory_space<vmem>>, %arg8: memref<2x128x128xf32, #tpu.memory_space<vmem>>, %arg9: memref<10240x128xf32, #tpu.memory_space<vmem_shared>>, %arg10: memref<!tpu.dma_semaphore, #tpu.memory_space<semaphore_mem>>, %arg11: memref<!tpu.dma_semaphore, #tpu.memory_space<semaphore_mem>>) attributes {dimension_semantics = [#tpu.dimension_semantics<core_parallel>, #tpu.dimension_semantics<subcore_parallel>], iteration_bounds = array<i64: 2, 16>, scalar_prefetch = 0 : i64, scratch_operands = 6 : i64, tpu.core_type = #tpu.core_type<sc_vector_subcore>, window_params = [{transform_indices = #map}, {transform_indices = #map1}, {transform_indices = #map1}, {transform_indices = #map1}]} {
    %eq3A = arith.constant 0 : i32
    %eq3A_0 = arith.cmpi eq, %arg0, %eq3A : i32
    %jit3A = arith.constant 18 : i32
    %jit3A_1 = arith.constant 2 : i32
    %select_n3A = arith.select %eq3A_0, %jit3A, %jit3A_1 : i32
    %mul3A = arith.constant 288 : i32
    %mul3A_2 = arith.muli %arg0, %mul3A : i32
    %mul3A_3 = arith.muli %arg1, %select_n3A : i32
    %add3A = arith.addi %mul3A_2, %mul3A_3 : i32
    %mul3A_4 = arith.constant 8 : i32
    %mul3A_5 = arith.muli %select_n3A, %mul3A_4 : i32
    %scan3A = arith.constant 0 : i32
    %scan3A_6 = arith.constant 0 : i32
    %scan3A_7 = arith.constant 1024 : i32
    %scan3A_8 = arith.addi %scan3A_6, %scan3A_7 : i32
    %scan3A_9 = arith.constant 1 : i32
    scf.for %scan3A_76 = %scan3A_6 to %scan3A_8 step %scan3A_9  : i32 {
      %jit3A_77 = arith.constant 8 : i32
      %div3A = arith.divsi %scan3A_76, %jit3A_77 : i32
      %sign3A = arith.constant 0 : i32
      %sign3A_78 = arith.cmpi sgt, %scan3A_76, %sign3A : i32
      %sign3A_79 = arith.extui %sign3A_78 : i1 to i32
      %sign3A_80 = arith.constant 0 : i32
      %sign3A_81 = arith.cmpi slt, %scan3A_76, %sign3A_80 : i32
      %sign3A_82 = arith.extui %sign3A_81 : i1 to i32
      %sign3A_83 = arith.subi %sign3A_79, %sign3A_82 : i32
      %sign3A_84 = arith.constant 0 : i32
      %sign3A_85 = arith.cmpi sgt, %jit3A_77, %sign3A_84 : i32
      %sign3A_86 = arith.extui %sign3A_85 : i1 to i32
      %sign3A_87 = arith.constant 0 : i32
      %sign3A_88 = arith.cmpi slt, %jit3A_77, %sign3A_87 : i32
      %sign3A_89 = arith.extui %sign3A_88 : i1 to i32
      %sign3A_90 = arith.subi %sign3A_86, %sign3A_89 : i32
      %ne3A = arith.cmpi ne, %sign3A_83, %sign3A_90 : i32
      %rem3A_91 = arith.remsi %scan3A_76, %jit3A_77 : i32
      %ne3A_92 = arith.constant 0 : i32
      %ne3A_93 = arith.cmpi ne, %rem3A_91, %ne3A_92 : i32
      %and3A = arith.andi %ne3A, %ne3A_93 : i1
      %sub3A_94 = arith.constant 1 : i32
      %sub3A_95 = arith.subi %div3A, %sub3A_94 : i32
      %select_n3A_96 = arith.select %and3A, %sub3A_95, %div3A : i32
      %jit3A_97 = arith.constant 8 : i32
      %eq3A_98 = arith.constant 0 : i32
      %eq3A_99 = arith.cmpi eq, %jit3A_97, %eq3A_98 : i32
      %jit3A_100 = arith.constant 1 : i32
      %select_n3A_101 = arith.select %eq3A_99, %jit3A_100, %jit3A_97 : i32
      %rem3A_102 = arith.remsi %scan3A_76, %select_n3A_101 : i32
      %ne3A_103 = arith.constant 0 : i32
      %ne3A_104 = arith.cmpi ne, %rem3A_102, %ne3A_103 : i32
      %lt3A = arith.constant 0 : i32
      %lt3A_105 = arith.cmpi slt, %rem3A_102, %lt3A : i32
      %lt3A_106 = arith.constant 0 : i32
      %lt3A_107 = arith.cmpi slt, %select_n3A_101, %lt3A_106 : i32
      %ne3A_108 = arith.xori %lt3A_105, %lt3A_107 : i1
      %and3A_109 = arith.andi %ne3A_108, %ne3A_104 : i1
      %add3A_110 = arith.addi %rem3A_102, %select_n3A_101 : i32
      %select_n3A_111 = arith.select %and3A_109, %add3A_110, %rem3A_102 : i32
      %broadcast_in_dim3A = arith.constant 0.000000e+00 : f32
      %broadcast_in_dim3A_112 = vector.broadcast %broadcast_in_dim3A : f32 to vector<16xf32>
      %mul3A_113 = arith.constant 16 : i32
      %mul3A_114 = arith.muli %select_n3A_111, %mul3A_113 : i32
      %swap3A = arith.constant 0 : i32
      %swap3A_115 = arith.constant 0 : i32
      %swap3A_116 = tpu.memref_slice %arg8[%scan3A, %swap3A, %swap3A_115] : memref<2x128x128xf32, #tpu.memory_space<vmem>> -> memref<1x128x128xf32, #tpu.memory_space<vmem>>
      %swap3A_117 = tpu.memref_squeeze %swap3A_116 : memref<1x128x128xf32, #tpu.memory_space<vmem>> -> memref<128x128xf32, #tpu.memory_space<vmem>>
      %swap3A_118 = arith.index_cast %select_n3A_96 : i32 to index
      %swap3A_119 = arith.index_cast %mul3A_114 : i32 to index
      %swap3A_120 = tpu.vector_load %swap3A_117[%swap3A_118, %swap3A_119] {strides = array<i32>} : memref<128x128xf32, #tpu.memory_space<vmem>>, vector<1x16xf32>,
      %swap3A_121 = vector.shape_cast %swap3A_120 : vector<1x16xf32> to vector<16xf32>
      %swap3A_122 = vector.shape_cast %broadcast_in_dim3A_112 : vector<16xf32> to vector<1x16xf32>
      tpu.vector_store %swap3A_117[%swap3A_118, %swap3A_119], %swap3A_122 {strides = array<i32>} : memref<128x128xf32, #tpu.memory_space<vmem>>, vector<1x16xf32>,
    }
    %scan3A_10 = arith.constant 1024 : i32
    %scan3A_11 = arith.constant 0 : i32
    %scan3A_12 = arith.constant 5 : i32
    %scan3A_13 = arith.addi %scan3A_11, %scan3A_12 : i32
    %scan3A_14 = arith.constant 1 : i32
    scf.for %scan3A_76 = %scan3A_11 to %scan3A_13 step %scan3A_14  : i32 {
      %mul3A_77 = arith.constant 640 : i32
      %mul3A_78 = arith.muli %arg1, %mul3A_77 : i32
      %mul3A_79 = arith.constant 128 : i32
      %mul3A_80 = arith.muli %scan3A_76, %mul3A_79 : i32
      %add3A_81 = arith.addi %mul3A_78, %mul3A_80 : i32
      %run_scoped3A_82 = arith.constant 0 : i32
      "tpu.region"() ({
        %run_scoped3A_83 = tpu.sem_alloc : memref<!tpu.dma_semaphore, #tpu.memory_space<semaphore_mem>>
        %dma_start3A_84 = arith.constant 0 : i32
        %dma_start3A_85 = arith.constant 0 : i32
        %dma_start3A_86 = tpu.memref_slice %arg8[%run_scoped3A_82, %dma_start3A_84, %dma_start3A_85] : memref<2x128x128xf32, #tpu.memory_space<vmem>> -> memref<1x128x128xf32, #tpu.memory_space<vmem>>
        %dma_start3A_87 = tpu.memref_squeeze %dma_start3A_86 : memref<1x128x128xf32, #tpu.memory_space<vmem>> -> memref<128x128xf32, #tpu.memory_space<vmem>>
        %dma_start3A_88 = arith.constant 0 : i32
        %dma_start3A_89 = tpu.memref_slice %arg9[%add3A_81, %dma_start3A_88] : memref<10240x128xf32, #tpu.memory_space<vmem_shared>> -> memref<128x128xf32, #tpu.memory_space<vmem_shared>>
        %dma_start3A_90 = arith.constant 0 : i32
        %dma_start3A_91 = tpu.memref_slice %arg9[%add3A_81, %dma_start3A_90] : memref<10240x128xf32, #tpu.memory_space<vmem_shared>> -> memref<128x128xf32, #tpu.memory_space<vmem_shared>>
        %dma_start3A_92 = arith.constant 0 : i32
        %dma_start3A_93 = arith.constant 0 : i32
        %dma_start3A_94 = tpu.memref_slice %arg8[%run_scoped3A_82, %dma_start3A_92, %dma_start3A_93] : memref<2x128x128xf32, #tpu.memory_space<vmem>> -> memref<1x128x128xf32, #tpu.memory_space<vmem>>
        %dma_start3A_95 = tpu.memref_squeeze %dma_start3A_94 : memref<1x128x128xf32, #tpu.memory_space<vmem>> -> memref<128x128xf32, #tpu.memory_space<vmem>>
        tpu.enqueue_dma source(%dma_start3A_95 : memref<128x128xf32, #tpu.memory_space<vmem>>) target(%dma_start3A_91 : memref<128x128xf32, #tpu.memory_space<vmem_shared>>) target_semaphore(%run_scoped3A_83 : memref<!tpu.dma_semaphore, #tpu.memory_space<semaphore_mem>>)
        %dma_wait3A_96 = arith.constant 0 : i32
        %dma_wait3A_97 = arith.constant 0 : i32
        %dma_wait3A_98 = tpu.memref_slice %arg8[%run_scoped3A_82, %dma_wait3A_96, %dma_wait3A_97] : memref<2x128x128xf32, #tpu.memory_space<vmem>> -> memref<1x128x128xf32, #tpu.memory_space<vmem>>
        %dma_wait3A_99 = tpu.memref_squeeze %dma_wait3A_98 : memref<1x128x128xf32, #tpu.memory_space<vmem>> -> memref<128x128xf32, #tpu.memory_space<vmem>>
        %dma_wait3A_100 = arith.constant 0 : i32
        %dma_wait3A_101 = tpu.memref_slice %arg9[%add3A_81, %dma_wait3A_100] : memref<10240x128xf32, #tpu.memory_space<vmem_shared>> -> memref<128x128xf32, #tpu.memory_space<vmem_shared>>
        %dma_wait3A_102 = arith.constant 0 : i32
        %dma_wait3A_103 = tpu.memref_slice %arg9[%add3A_81, %dma_wait3A_102] : memref<10240x128xf32, #tpu.memory_space<vmem_shared>> -> memref<128x128xf32, #tpu.memory_space<vmem_shared>>
        %dma_wait3A_104 = arith.constant 0 : i32
        %dma_wait3A_105 = arith.constant 0 : i32
        %dma_wait3A_106 = tpu.memref_slice %arg8[%run_scoped3A_82, %dma_wait3A_104, %dma_wait3A_105] : memref<2x128x128xf32, #tpu.memory_space<vmem>> -> memref<1x128x128xf32, #tpu.memory_space<vmem>>
        %dma_wait3A_107 = tpu.memref_squeeze %dma_wait3A_106 : memref<1x128x128xf32, #tpu.memory_space<vmem>> -> memref<128x128xf32, #tpu.memory_space<vmem>>
        tpu.wait_dma2 semaphore(%run_scoped3A_83 : memref<!tpu.dma_semaphore, #tpu.memory_space<semaphore_mem>>) src(%dma_wait3A_107 : memref<128x128xf32, #tpu.memory_space<vmem>>) dst(%dma_wait3A_103 : memref<128x128xf32, #tpu.memory_space<vmem_shared>>)
        tpu.yield
      }) : () -> ()
    }
    %scan3A_15 = arith.constant 5 : i32
    %run_scoped3A = arith.constant 0 : i32
    "tpu.region"() ({
      %run_scoped3A_76 = tpu.sem_alloc : memref<!tpu.dma_semaphore, #tpu.memory_space<semaphore_mem>>
      %dma_start3A_77 = arith.constant 0 : i32
      %dma_start3A_78 = arith.constant 0 : i32
      %dma_start3A_79 = tpu.memref_slice %arg6[%run_scoped3A, %dma_start3A_77, %dma_start3A_78] : memref<2x8x128xi32, #tpu.memory_space<vmem>> -> memref<1x8x128xi32, #tpu.memory_space<vmem>>
      %dma_start3A_80 = tpu.memref_squeeze %dma_start3A_79 : memref<1x8x128xi32, #tpu.memory_space<vmem>> -> memref<8x128xi32, #tpu.memory_space<vmem>>
      %dma_start3A_81 = arith.constant 0 : i32
      %dma_start3A_82 = arith.constant 0 : i32
      %dma_start3A_83 = tpu.memref_slice %arg3[%add3A, %dma_start3A_81, %dma_start3A_82] : memref<320x8x128xi32, #tpu.memory_space<hbm>> -> memref<1x8x128xi32, #tpu.memory_space<hbm>>
      %dma_start3A_84 = tpu.memref_squeeze %dma_start3A_83 : memref<1x8x128xi32, #tpu.memory_space<hbm>> -> memref<8x128xi32, #tpu.memory_space<hbm>>
      %dma_start3A_85 = arith.constant 0 : i32
      %dma_start3A_86 = arith.constant 0 : i32
      %dma_start3A_87 = tpu.memref_slice %arg6[%run_scoped3A, %dma_start3A_85, %dma_start3A_86] : memref<2x8x128xi32, #tpu.memory_space<vmem>> -> memref<1x8x128xi32, #tpu.memory_space<vmem>>
      %dma_start3A_88 = tpu.memref_squeeze %dma_start3A_87 : memref<1x8x128xi32, #tpu.memory_space<vmem>> -> memref<8x128xi32, #tpu.memory_space<vmem>>
      %dma_start3A_89 = arith.constant 0 : i32
      %dma_start3A_90 = arith.constant 0 : i32
      %dma_start3A_91 = tpu.memref_slice %arg3[%add3A, %dma_start3A_89, %dma_start3A_90] : memref<320x8x128xi32, #tpu.memory_space<hbm>> -> memref<1x8x128xi32, #tpu.memory_space<hbm>>
      %dma_start3A_92 = tpu.memref_squeeze %dma_start3A_91 : memref<1x8x128xi32, #tpu.memory_space<hbm>> -> memref<8x128xi32, #tpu.memory_space<hbm>>
      tpu.enqueue_dma source(%dma_start3A_92 : memref<8x128xi32, #tpu.memory_space<hbm>>) target(%dma_start3A_88 : memref<8x128xi32, #tpu.memory_space<vmem>>) target_semaphore(%run_scoped3A_76 : memref<!tpu.dma_semaphore, #tpu.memory_space<semaphore_mem>>)
      %dma_wait3A_93 = arith.constant 0 : i32
      %dma_wait3A_94 = arith.constant 0 : i32
      %dma_wait3A_95 = tpu.memref_slice %arg6[%run_scoped3A, %dma_wait3A_93, %dma_wait3A_94] : memref<2x8x128xi32, #tpu.memory_space<vmem>> -> memref<1x8x128xi32, #tpu.memory_space<vmem>>
      %dma_wait3A_96 = tpu.memref_squeeze %dma_wait3A_95 : memref<1x8x128xi32, #tpu.memory_space<vmem>> -> memref<8x128xi32, #tpu.memory_space<vmem>>
      %dma_wait3A_97 = arith.constant 0 : i32
      %dma_wait3A_98 = arith.constant 0 : i32
      %dma_wait3A_99 = tpu.memref_slice %arg3[%add3A, %dma_wait3A_97, %dma_wait3A_98] : memref<320x8x128xi32, #tpu.memory_space<hbm>> -> memref<1x8x128xi32, #tpu.memory_space<hbm>>
      %dma_wait3A_100 = tpu.memref_squeeze %dma_wait3A_99 : memref<1x8x128xi32, #tpu.memory_space<hbm>> -> memref<8x128xi32, #tpu.memory_space<hbm>>
      %dma_wait3A_101 = arith.constant 0 : i32
      %dma_wait3A_102 = arith.constant 0 : i32
      %dma_wait3A_103 = tpu.memref_slice %arg6[%run_scoped3A, %dma_wait3A_101, %dma_wait3A_102] : memref<2x8x128xi32, #tpu.memory_space<vmem>> -> memref<1x8x128xi32, #tpu.memory_space<vmem>>
      %dma_wait3A_104 = tpu.memref_squeeze %dma_wait3A_103 : memref<1x8x128xi32, #tpu.memory_space<vmem>> -> memref<8x128xi32, #tpu.memory_space<vmem>>
      %dma_wait3A_105 = arith.constant 0 : i32
      %dma_wait3A_106 = arith.constant 0 : i32
      %dma_wait3A_107 = tpu.memref_slice %arg3[%add3A, %dma_wait3A_105, %dma_wait3A_106] : memref<320x8x128xi32, #tpu.memory_space<hbm>> -> memref<1x8x128xi32, #tpu.memory_space<hbm>>
      %dma_wait3A_108 = tpu.memref_squeeze %dma_wait3A_107 : memref<1x8x128xi32, #tpu.memory_space<hbm>> -> memref<8x128xi32, #tpu.memory_space<hbm>>
      tpu.wait_dma2 semaphore(%run_scoped3A_76 : memref<!tpu.dma_semaphore, #tpu.memory_space<semaphore_mem>>) src(%dma_wait3A_108 : memref<8x128xi32, #tpu.memory_space<hbm>>) dst(%dma_wait3A_104 : memref<8x128xi32, #tpu.memory_space<vmem>>)
      tpu.yield
    }) : () -> ()
    %run_scoped3A_16 = arith.constant 0 : i32
    "tpu.region"() ({
      %run_scoped3A_76 = tpu.sem_alloc : memref<!tpu.dma_semaphore, #tpu.memory_space<semaphore_mem>>
      %dma_start3A_77 = arith.constant 0 : i32
      %dma_start3A_78 = arith.constant 0 : i32
      %dma_start3A_79 = tpu.memref_slice %arg7[%run_scoped3A_16, %dma_start3A_77, %dma_start3A_78] : memref<2x8x128xi32, #tpu.memory_space<vmem>> -> memref<1x8x128xi32, #tpu.memory_space<vmem>>
      %dma_start3A_80 = tpu.memref_squeeze %dma_start3A_79 : memref<1x8x128xi32, #tpu.memory_space<vmem>> -> memref<8x128xi32, #tpu.memory_space<vmem>>
      %dma_start3A_81 = arith.constant 0 : i32
      %dma_start3A_82 = arith.constant 0 : i32
      %dma_start3A_83 = tpu.memref_slice %arg4[%add3A, %dma_start3A_81, %dma_start3A_82] : memref<320x8x128xi32, #tpu.memory_space<hbm>> -> memref<1x8x128xi32, #tpu.memory_space<hbm>>
      %dma_start3A_84 = tpu.memref_squeeze %dma_start3A_83 : memref<1x8x128xi32, #tpu.memory_space<hbm>> -> memref<8x128xi32, #tpu.memory_space<hbm>>
      %dma_start3A_85 = arith.constant 0 : i32
      %dma_start3A_86 = arith.constant 0 : i32
      %dma_start3A_87 = tpu.memref_slice %arg7[%run_scoped3A_16, %dma_start3A_85, %dma_start3A_86] : memref<2x8x128xi32, #tpu.memory_space<vmem>> -> memref<1x8x128xi32, #tpu.memory_space<vmem>>
      %dma_start3A_88 = tpu.memref_squeeze %dma_start3A_87 : memref<1x8x128xi32, #tpu.memory_space<vmem>> -> memref<8x128xi32, #tpu.memory_space<vmem>>
      %dma_start3A_89 = arith.constant 0 : i32
      %dma_start3A_90 = arith.constant 0 : i32
      %dma_start3A_91 = tpu.memref_slice %arg4[%add3A, %dma_start3A_89, %dma_start3A_90] : memref<320x8x128xi32, #tpu.memory_space<hbm>> -> memref<1x8x128xi32, #tpu.memory_space<hbm>>
      %dma_start3A_92 = tpu.memref_squeeze %dma_start3A_91 : memref<1x8x128xi32, #tpu.memory_space<hbm>> -> memref<8x128xi32, #tpu.memory_space<hbm>>
      tpu.enqueue_dma source(%dma_start3A_92 : memref<8x128xi32, #tpu.memory_space<hbm>>) target(%dma_start3A_88 : memref<8x128xi32, #tpu.memory_space<vmem>>) target_semaphore(%run_scoped3A_76 : memref<!tpu.dma_semaphore, #tpu.memory_space<semaphore_mem>>)
      %dma_wait3A_93 = arith.constant 0 : i32
      %dma_wait3A_94 = arith.constant 0 : i32
      %dma_wait3A_95 = tpu.memref_slice %arg7[%run_scoped3A_16, %dma_wait3A_93, %dma_wait3A_94] : memref<2x8x128xi32, #tpu.memory_space<vmem>> -> memref<1x8x128xi32, #tpu.memory_space<vmem>>
      %dma_wait3A_96 = tpu.memref_squeeze %dma_wait3A_95 : memref<1x8x128xi32, #tpu.memory_space<vmem>> -> memref<8x128xi32, #tpu.memory_space<vmem>>
      %dma_wait3A_97 = arith.constant 0 : i32
      %dma_wait3A_98 = arith.constant 0 : i32
      %dma_wait3A_99 = tpu.memref_slice %arg4[%add3A, %dma_wait3A_97, %dma_wait3A_98] : memref<320x8x128xi32, #tpu.memory_space<hbm>> -> memref<1x8x128xi32, #tpu.memory_space<hbm>>
      %dma_wait3A_100 = tpu.memref_squeeze %dma_wait3A_99 : memref<1x8x128xi32, #tpu.memory_space<hbm>> -> memref<8x128xi32, #tpu.memory_space<hbm>>
      %dma_wait3A_101 = arith.constant 0 : i32
      %dma_wait3A_102 = arith.constant 0 : i32
      %dma_wait3A_103 = tpu.memref_slice %arg7[%run_scoped3A_16, %dma_wait3A_101, %dma_wait3A_102] : memref<2x8x128xi32, #tpu.memory_space<vmem>> -> memref<1x8x128xi32, #tpu.memory_space<vmem>>
      %dma_wait3A_104 = tpu.memref_squeeze %dma_wait3A_103 : memref<1x8x128xi32, #tpu.memory_space<vmem>> -> memref<8x128xi32, #tpu.memory_space<vmem>>
      %dma_wait3A_105 = arith.constant 0 : i32
      %dma_wait3A_106 = arith.constant 0 : i32
      %dma_wait3A_107 = tpu.memref_slice %arg4[%add3A, %dma_wait3A_105, %dma_wait3A_106] : memref<320x8x128xi32, #tpu.memory_space<hbm>> -> memref<1x8x128xi32, #tpu.memory_space<hbm>>
      %dma_wait3A_108 = tpu.memref_squeeze %dma_wait3A_107 : memref<1x8x128xi32, #tpu.memory_space<hbm>> -> memref<8x128xi32, #tpu.memory_space<hbm>>
      tpu.wait_dma2 semaphore(%run_scoped3A_76 : memref<!tpu.dma_semaphore, #tpu.memory_space<semaphore_mem>>) src(%dma_wait3A_108 : memref<8x128xi32, #tpu.memory_space<hbm>>) dst(%dma_wait3A_104 : memref<8x128xi32, #tpu.memory_space<vmem>>)
      tpu.yield
    }) : () -> ()
    %barrier3A = arith.constant 0 : index
    tpu.barrier barrier_id(%barrier3A)
    %rem3A = arith.constant 0 : i32
    %rem3A_17 = arith.constant 2 : i32
    %rem3A_18 = arith.remsi %rem3A, %rem3A_17 : i32
    %rem3A_19 = arith.constant 0 : i32
    %rem3A_20 = arith.constant 8 : i32
    %rem3A_21 = arith.remsi %rem3A_19, %rem3A_20 : i32
    %dma_start3A = arith.constant 0 : i32
    %dma_start3A_22 = arith.constant 0 : i32
    %dma_start3A_23 = arith.constant 0 : i32
    %dma_start3A_24 = tpu.memref_slice %arg8[%dma_start3A, %dma_start3A_22, %dma_start3A_23] : memref<2x128x128xf32, #tpu.memory_space<vmem>> -> memref<1x128x128xf32, #tpu.memory_space<vmem>>
    %dma_start3A_25 = tpu.memref_squeeze %dma_start3A_24 : memref<1x128x128xf32, #tpu.memory_space<vmem>> -> memref<128x128xf32, #tpu.memory_space<vmem>>
    %dma_start3A_26 = arith.constant 0 : i32
    %dma_start3A_27 = tpu.memref_slice %arg6[%rem3A_18, %rem3A_21, %dma_start3A_26] : memref<2x8x128xi32, #tpu.memory_space<vmem>> -> memref<1x1x128xi32, #tpu.memory_space<vmem>>
    %dma_start3A_28 = tpu.memref_squeeze %dma_start3A_27 : memref<1x1x128xi32, #tpu.memory_space<vmem>> -> memref<128xi32, #tpu.memory_space<vmem>>
    %dma_start3A_29 = arith.constant 0 : i32
    %dma_start3A_30 = arith.constant 0 : i32
    %dma_start3A_31 = tpu.memref_slice %arg2[%dma_start3A_29, %dma_start3A_30] : memref<10000x128xf32, #tpu.memory_space<hbm>> -> memref<10000x128xf32, #tpu.memory_space<hbm>>
    tpu.enqueue_indirect_dma source(%dma_start3A_31 : memref<10000x128xf32, #tpu.memory_space<hbm>>) target(%dma_start3A_25 : memref<128x128xf32, #tpu.memory_space<vmem>>) offsets(%dma_start3A_28 : memref<128xi32, #tpu.memory_space<vmem>>) semaphore(%arg10 : memref<!tpu.dma_semaphore, #tpu.memory_space<semaphore_mem>>)
    %rem3A_32 = arith.constant 0 : i32
    %rem3A_33 = arith.constant 2 : i32
    %rem3A_34 = arith.remsi %rem3A_32, %rem3A_33 : i32
    %rem3A_35 = arith.constant 1 : i32
    %rem3A_36 = arith.constant 8 : i32
    %rem3A_37 = arith.remsi %rem3A_35, %rem3A_36 : i32
    %dma_start3A_38 = arith.constant 1 : i32
    %dma_start3A_39 = arith.constant 0 : i32
    %dma_start3A_40 = arith.constant 0 : i32
    %dma_start3A_41 = tpu.memref_slice %arg8[%dma_start3A_38, %dma_start3A_39, %dma_start3A_40] : memref<2x128x128xf32, #tpu.memory_space<vmem>> -> memref<1x128x128xf32, #tpu.memory_space<vmem>>
    %dma_start3A_42 = tpu.memref_squeeze %dma_start3A_41 : memref<1x128x128xf32, #tpu.memory_space<vmem>> -> memref<128x128xf32, #tpu.memory_space<vmem>>
    %dma_start3A_43 = arith.constant 0 : i32
    %dma_start3A_44 = tpu.memref_slice %arg6[%rem3A_34, %rem3A_37, %dma_start3A_43] : memref<2x8x128xi32, #tpu.memory_space<vmem>> -> memref<1x1x128xi32, #tpu.memory_space<vmem>>
    %dma_start3A_45 = tpu.memref_squeeze %dma_start3A_44 : memref<1x1x128xi32, #tpu.memory_space<vmem>> -> memref<128xi32, #tpu.memory_space<vmem>>
    %dma_start3A_46 = arith.constant 0 : i32
    %dma_start3A_47 = arith.constant 0 : i32
    %dma_start3A_48 = tpu.memref_slice %arg2[%dma_start3A_46, %dma_start3A_47] : memref<10000x128xf32, #tpu.memory_space<hbm>> -> memref<10000x128xf32, #tpu.memory_space<hbm>>
    tpu.enqueue_indirect_dma source(%dma_start3A_48 : memref<10000x128xf32, #tpu.memory_space<hbm>>) target(%dma_start3A_42 : memref<128x128xf32, #tpu.memory_space<vmem>>) offsets(%dma_start3A_45 : memref<128xi32, #tpu.memory_space<vmem>>) semaphore(%arg10 : memref<!tpu.dma_semaphore, #tpu.memory_space<semaphore_mem>>)
    %while3A = arith.constant 0 : i32
    %while3A_49 = arith.subi %mul3A_5, %while3A : i32
    %while3A_50 = arith.addi %while3A, %while3A_49 : i32
    %while3A_51 = arith.constant 1 : i32
    %while3A_52 = arith.divsi %while3A_49, %while3A_51 : i32
    %while3A_53 = arith.muli %while3A_52, %while3A_51 : i32
    %while3A_54 = arith.addi %while3A, %while3A_53 : i32
    %while3A_55 = arith.constant 1 : i32
    scf.for %while3A_76 = %while3A to %while3A_54 step %while3A_55  : i32 {
      %add3A_77 = arith.constant 2 : i32
      %add3A_78 = arith.addi %while3A_76, %add3A_77 : i32
      %sub3A_79 = arith.constant 1 : i32
      %sub3A_80 = arith.subi %add3A_78, %sub3A_79 : i32
      %rem3A_81 = arith.constant 8 : i32
      %rem3A_82 = arith.remsi %sub3A_80, %rem3A_81 : i32
      %eq3A_83 = arith.constant 0 : i32
      %eq3A_84 = arith.cmpi eq, %rem3A_82, %eq3A_83 : i32
      %lt3A = arith.cmpi slt, %sub3A_80, %mul3A_5 : i32
      %and3A = arith.andi %eq3A_84, %lt3A : i1
      %convert_element_type3A = arith.extui %and3A : i1 to i32
      %cond3A = arith.constant 0 : i32
      %cond3A_85 = arith.cmpi ne, %convert_element_type3A, %cond3A : i32
      scf.if %cond3A_85 {
        %jit3A_139 = arith.constant 8 : i32
        %div3A_140 = arith.divsi %sub3A_80, %jit3A_139 : i32
        %sign3A_141 = arith.constant 0 : i32
        %sign3A_142 = arith.cmpi sgt, %sub3A_80, %sign3A_141 : i32
        %sign3A_143 = arith.extui %sign3A_142 : i1 to i32
        %sign3A_144 = arith.constant 0 : i32
        %sign3A_145 = arith.cmpi slt, %sub3A_80, %sign3A_144 : i32
        %sign3A_146 = arith.extui %sign3A_145 : i1 to i32
        %sign3A_147 = arith.subi %sign3A_143, %sign3A_146 : i32
        %sign3A_148 = arith.constant 0 : i32
        %sign3A_149 = arith.cmpi sgt, %jit3A_139, %sign3A_148 : i32
        %sign3A_150 = arith.extui %sign3A_149 : i1 to i32
        %sign3A_151 = arith.constant 0 : i32
        %sign3A_152 = arith.cmpi slt, %jit3A_139, %sign3A_151 : i32
        %sign3A_153 = arith.extui %sign3A_152 : i1 to i32
        %sign3A_154 = arith.subi %sign3A_150, %sign3A_153 : i32
        %ne3A_155 = arith.cmpi ne, %sign3A_147, %sign3A_154 : i32
        %rem3A_156 = arith.remsi %sub3A_80, %jit3A_139 : i32
        %ne3A_157 = arith.constant 0 : i32
        %ne3A_158 = arith.cmpi ne, %rem3A_156, %ne3A_157 : i32
        %and3A_159 = arith.andi %ne3A_155, %ne3A_158 : i1
        %sub3A_160 = arith.constant 1 : i32
        %sub3A_161 = arith.subi %div3A_140, %sub3A_160 : i32
        %select_n3A_162 = arith.select %and3A_159, %sub3A_161, %div3A_140 : i32
        %rem3A_163 = arith.constant 2 : i32
        %rem3A_164 = arith.remsi %select_n3A_162, %rem3A_163 : i32
        %add3A_165 = arith.addi %add3A, %select_n3A_162 : i32
        "tpu.region"() ({
          %run_scoped3A_167 = tpu.sem_alloc : memref<!tpu.dma_semaphore, #tpu.memory_space<semaphore_mem>>
          %dma_start3A_168 = arith.constant 0 : i32
          %dma_start3A_169 = arith.constant 0 : i32
          %dma_start3A_170 = tpu.memref_slice %arg6[%rem3A_164, %dma_start3A_168, %dma_start3A_169] : memref<2x8x128xi32, #tpu.memory_space<vmem>> -> memref<1x8x128xi32, #tpu.memory_space<vmem>>
          %dma_start3A_171 = tpu.memref_squeeze %dma_start3A_170 : memref<1x8x128xi32, #tpu.memory_space<vmem>> -> memref<8x128xi32, #tpu.memory_space<vmem>>
          %dma_start3A_172 = arith.constant 0 : i32
          %dma_start3A_173 = arith.constant 0 : i32
          %dma_start3A_174 = tpu.memref_slice %arg3[%add3A_165, %dma_start3A_172, %dma_start3A_173] : memref<320x8x128xi32, #tpu.memory_space<hbm>> -> memref<1x8x128xi32, #tpu.memory_space<hbm>>
          %dma_start3A_175 = tpu.memref_squeeze %dma_start3A_174 : memref<1x8x128xi32, #tpu.memory_space<hbm>> -> memref<8x128xi32, #tpu.memory_space<hbm>>
          %dma_start3A_176 = arith.constant 0 : i32
          %dma_start3A_177 = arith.constant 0 : i32
          %dma_start3A_178 = tpu.memref_slice %arg6[%rem3A_164, %dma_start3A_176, %dma_start3A_177] : memref<2x8x128xi32, #tpu.memory_space<vmem>> -> memref<1x8x128xi32, #tpu.memory_space<vmem>>
          %dma_start3A_179 = tpu.memref_squeeze %dma_start3A_178 : memref<1x8x128xi32, #tpu.memory_space<vmem>> -> memref<8x128xi32, #tpu.memory_space<vmem>>
          %dma_start3A_180 = arith.constant 0 : i32
          %dma_start3A_181 = arith.constant 0 : i32
          %dma_start3A_182 = tpu.memref_slice %arg3[%add3A_165, %dma_start3A_180, %dma_start3A_181] : memref<320x8x128xi32, #tpu.memory_space<hbm>> -> memref<1x8x128xi32, #tpu.memory_space<hbm>>
          %dma_start3A_183 = tpu.memref_squeeze %dma_start3A_182 : memref<1x8x128xi32, #tpu.memory_space<hbm>> -> memref<8x128xi32, #tpu.memory_space<hbm>>
          tpu.enqueue_dma source(%dma_start3A_183 : memref<8x128xi32, #tpu.memory_space<hbm>>) target(%dma_start3A_179 : memref<8x128xi32, #tpu.memory_space<vmem>>) target_semaphore(%run_scoped3A_167 : memref<!tpu.dma_semaphore, #tpu.memory_space<semaphore_mem>>)
          %dma_wait3A_184 = arith.constant 0 : i32
          %dma_wait3A_185 = arith.constant 0 : i32
          %dma_wait3A_186 = tpu.memref_slice %arg6[%rem3A_164, %dma_wait3A_184, %dma_wait3A_185] : memref<2x8x128xi32, #tpu.memory_space<vmem>> -> memref<1x8x128xi32, #tpu.memory_space<vmem>>
          %dma_wait3A_187 = tpu.memref_squeeze %dma_wait3A_186 : memref<1x8x128xi32, #tpu.memory_space<vmem>> -> memref<8x128xi32, #tpu.memory_space<vmem>>
          %dma_wait3A_188 = arith.constant 0 : i32
          %dma_wait3A_189 = arith.constant 0 : i32
          %dma_wait3A_190 = tpu.memref_slice %arg3[%add3A_165, %dma_wait3A_188, %dma_wait3A_189] : memref<320x8x128xi32, #tpu.memory_space<hbm>> -> memref<1x8x128xi32, #tpu.memory_space<hbm>>
          %dma_wait3A_191 = tpu.memref_squeeze %dma_wait3A_190 : memref<1x8x128xi32, #tpu.memory_space<hbm>> -> memref<8x128xi32, #tpu.memory_space<hbm>>
          %dma_wait3A_192 = arith.constant 0 : i32
          %dma_wait3A_193 = arith.constant 0 : i32
          %dma_wait3A_194 = tpu.memref_slice %arg6[%rem3A_164, %dma_wait3A_192, %dma_wait3A_193] : memref<2x8x128xi32, #tpu.memory_space<vmem>> -> memref<1x8x128xi32, #tpu.memory_space<vmem>>
          %dma_wait3A_195 = tpu.memref_squeeze %dma_wait3A_194 : memref<1x8x128xi32, #tpu.memory_space<vmem>> -> memref<8x128xi32, #tpu.memory_space<vmem>>
          %dma_wait3A_196 = arith.constant 0 : i32
          %dma_wait3A_197 = arith.constant 0 : i32
          %dma_wait3A_198 = tpu.memref_slice %arg3[%add3A_165, %dma_wait3A_196, %dma_wait3A_197] : memref<320x8x128xi32, #tpu.memory_space<hbm>> -> memref<1x8x128xi32, #tpu.memory_space<hbm>>
          %dma_wait3A_199 = tpu.memref_squeeze %dma_wait3A_198 : memref<1x8x128xi32, #tpu.memory_space<hbm>> -> memref<8x128xi32, #tpu.memory_space<hbm>>
          tpu.wait_dma2 semaphore(%run_scoped3A_167 : memref<!tpu.dma_semaphore, #tpu.memory_space<semaphore_mem>>) src(%dma_wait3A_199 : memref<8x128xi32, #tpu.memory_space<hbm>>) dst(%dma_wait3A_195 : memref<8x128xi32, #tpu.memory_space<vmem>>)
          tpu.yield
        }) : () -> ()
        %add3A_166 = arith.addi %add3A, %select_n3A_162 : i32
        "tpu.region"() ({
          %run_scoped3A_167 = tpu.sem_alloc : memref<!tpu.dma_semaphore, #tpu.memory_space<semaphore_mem>>
          %dma_start3A_168 = arith.constant 0 : i32
          %dma_start3A_169 = arith.constant 0 : i32
          %dma_start3A_170 = tpu.memref_slice %arg7[%rem3A_164, %dma_start3A_168, %dma_start3A_169] : memref<2x8x128xi32, #tpu.memory_space<vmem>> -> memref<1x8x128xi32, #tpu.memory_space<vmem>>
          %dma_start3A_171 = tpu.memref_squeeze %dma_start3A_170 : memref<1x8x128xi32, #tpu.memory_space<vmem>> -> memref<8x128xi32, #tpu.memory_space<vmem>>
          %dma_start3A_172 = arith.constant 0 : i32
          %dma_start3A_173 = arith.constant 0 : i32
          %dma_start3A_174 = tpu.memref_slice %arg4[%add3A_166, %dma_start3A_172, %dma_start3A_173] : memref<320x8x128xi32, #tpu.memory_space<hbm>> -> memref<1x8x128xi32, #tpu.memory_space<hbm>>
          %dma_start3A_175 = tpu.memref_squeeze %dma_start3A_174 : memref<1x8x128xi32, #tpu.memory_space<hbm>> -> memref<8x128xi32, #tpu.memory_space<hbm>>
          %dma_start3A_176 = arith.constant 0 : i32
          %dma_start3A_177 = arith.constant 0 : i32
          %dma_start3A_178 = tpu.memref_slice %arg7[%rem3A_164, %dma_start3A_176, %dma_start3A_177] : memref<2x8x128xi32, #tpu.memory_space<vmem>> -> memref<1x8x128xi32, #tpu.memory_space<vmem>>
          %dma_start3A_179 = tpu.memref_squeeze %dma_start3A_178 : memref<1x8x128xi32, #tpu.memory_space<vmem>> -> memref<8x128xi32, #tpu.memory_space<vmem>>
          %dma_start3A_180 = arith.constant 0 : i32
          %dma_start3A_181 = arith.constant 0 : i32
          %dma_start3A_182 = tpu.memref_slice %arg4[%add3A_166, %dma_start3A_180, %dma_start3A_181] : memref<320x8x128xi32, #tpu.memory_space<hbm>> -> memref<1x8x128xi32, #tpu.memory_space<hbm>>
          %dma_start3A_183 = tpu.memref_squeeze %dma_start3A_182 : memref<1x8x128xi32, #tpu.memory_space<hbm>> -> memref<8x128xi32, #tpu.memory_space<hbm>>
          tpu.enqueue_dma source(%dma_start3A_183 : memref<8x128xi32, #tpu.memory_space<hbm>>) target(%dma_start3A_179 : memref<8x128xi32, #tpu.memory_space<vmem>>) target_semaphore(%run_scoped3A_167 : memref<!tpu.dma_semaphore, #tpu.memory_space<semaphore_mem>>)
          %dma_wait3A_184 = arith.constant 0 : i32
          %dma_wait3A_185 = arith.constant 0 : i32
          %dma_wait3A_186 = tpu.memref_slice %arg7[%rem3A_164, %dma_wait3A_184, %dma_wait3A_185] : memref<2x8x128xi32, #tpu.memory_space<vmem>> -> memref<1x8x128xi32, #tpu.memory_space<vmem>>
          %dma_wait3A_187 = tpu.memref_squeeze %dma_wait3A_186 : memref<1x8x128xi32, #tpu.memory_space<vmem>> -> memref<8x128xi32, #tpu.memory_space<vmem>>
          %dma_wait3A_188 = arith.constant 0 : i32
          %dma_wait3A_189 = arith.constant 0 : i32
          %dma_wait3A_190 = tpu.memref_slice %arg4[%add3A_166, %dma_wait3A_188, %dma_wait3A_189] : memref<320x8x128xi32, #tpu.memory_space<hbm>> -> memref<1x8x128xi32, #tpu.memory_space<hbm>>
          %dma_wait3A_191 = tpu.memref_squeeze %dma_wait3A_190 : memref<1x8x128xi32, #tpu.memory_space<hbm>> -> memref<8x128xi32, #tpu.memory_space<hbm>>
          %dma_wait3A_192 = arith.constant 0 : i32
          %dma_wait3A_193 = arith.constant 0 : i32
          %dma_wait3A_194 = tpu.memref_slice %arg7[%rem3A_164, %dma_wait3A_192, %dma_wait3A_193] : memref<2x8x128xi32, #tpu.memory_space<vmem>> -> memref<1x8x128xi32, #tpu.memory_space<vmem>>
          %dma_wait3A_195 = tpu.memref_squeeze %dma_wait3A_194 : memref<1x8x128xi32, #tpu.memory_space<vmem>> -> memref<8x128xi32, #tpu.memory_space<vmem>>
          %dma_wait3A_196 = arith.constant 0 : i32
          %dma_wait3A_197 = arith.constant 0 : i32
          %dma_wait3A_198 = tpu.memref_slice %arg4[%add3A_166, %dma_wait3A_196, %dma_wait3A_197] : memref<320x8x128xi32, #tpu.memory_space<hbm>> -> memref<1x8x128xi32, #tpu.memory_space<hbm>>
          %dma_wait3A_199 = tpu.memref_squeeze %dma_wait3A_198 : memref<1x8x128xi32, #tpu.memory_space<hbm>> -> memref<8x128xi32, #tpu.memory_space<hbm>>
          tpu.wait_dma2 semaphore(%run_scoped3A_167 : memref<!tpu.dma_semaphore, #tpu.memory_space<semaphore_mem>>) src(%dma_wait3A_199 : memref<8x128xi32, #tpu.memory_space<hbm>>) dst(%dma_wait3A_195 : memref<8x128xi32, #tpu.memory_space<vmem>>)
          tpu.yield
        }) : () -> ()
      } else {
      }
      %rem3A_86 = arith.constant 2 : i32
      %rem3A_87 = arith.remsi %while3A_76, %rem3A_86 : i32
      %dma_wait3A_88 = arith.constant 0 : i32
      %dma_wait3A_89 = arith.constant 0 : i32
      %dma_wait3A_90 = arith.constant 0 : i32
      %dma_wait3A_91 = arith.constant 0 : i32
      %dma_wait3A_92 = tpu.memref_slice %arg8[%rem3A_87, %dma_wait3A_90, %dma_wait3A_91] : memref<2x128x128xf32, #tpu.memory_space<vmem>> -> memref<1x128x128xf32, #tpu.memory_space<vmem>>
      %dma_wait3A_93 = tpu.memref_squeeze %dma_wait3A_92 : memref<1x128x128xf32, #tpu.memory_space<vmem>> -> memref<128x128xf32, #tpu.memory_space<vmem>>
      %dma_wait3A_94 = arith.constant 0 : i32
      %dma_wait3A_95 = tpu.memref_slice %arg6[%dma_wait3A_88, %dma_wait3A_89, %dma_wait3A_94] : memref<2x8x128xi32, #tpu.memory_space<vmem>> -> memref<1x1x128xi32, #tpu.memory_space<vmem>>
      %dma_wait3A_96 = tpu.memref_squeeze %dma_wait3A_95 : memref<1x1x128xi32, #tpu.memory_space<vmem>> -> memref<128xi32, #tpu.memory_space<vmem>>
      %dma_wait3A_97 = arith.constant 0 : i32
      %dma_wait3A_98 = arith.constant 0 : i32
      %dma_wait3A_99 = tpu.memref_slice %arg2[%dma_wait3A_97, %dma_wait3A_98] : memref<10000x128xf32, #tpu.memory_space<hbm>> -> memref<10000x128xf32, #tpu.memory_space<hbm>>
      tpu.wait_indirect_dma semaphore(%arg10 : memref<!tpu.dma_semaphore, #tpu.memory_space<semaphore_mem>>) src(%dma_wait3A_99 : memref<10000x128xf32, #tpu.memory_space<hbm>>) dst(%dma_wait3A_93 : memref<128x128xf32, #tpu.memory_space<vmem>>)
      %jit3A_100 = arith.constant 8 : i32
      %div3A = arith.divsi %while3A_76, %jit3A_100 : i32
      %sign3A = arith.constant 0 : i32
      %sign3A_101 = arith.cmpi sgt, %while3A_76, %sign3A : i32
      %sign3A_102 = arith.extui %sign3A_101 : i1 to i32
      %sign3A_103 = arith.constant 0 : i32
      %sign3A_104 = arith.cmpi slt, %while3A_76, %sign3A_103 : i32
      %sign3A_105 = arith.extui %sign3A_104 : i1 to i32
      %sign3A_106 = arith.subi %sign3A_102, %sign3A_105 : i32
      %sign3A_107 = arith.constant 0 : i32
      %sign3A_108 = arith.cmpi sgt, %jit3A_100, %sign3A_107 : i32
      %sign3A_109 = arith.extui %sign3A_108 : i1 to i32
      %sign3A_110 = arith.constant 0 : i32
      %sign3A_111 = arith.cmpi slt, %jit3A_100, %sign3A_110 : i32
      %sign3A_112 = arith.extui %sign3A_111 : i1 to i32
      %sign3A_113 = arith.subi %sign3A_109, %sign3A_112 : i32
      %ne3A = arith.cmpi ne, %sign3A_106, %sign3A_113 : i32
      %rem3A_114 = arith.remsi %while3A_76, %jit3A_100 : i32
      %ne3A_115 = arith.constant 0 : i32
      %ne3A_116 = arith.cmpi ne, %rem3A_114, %ne3A_115 : i32
      %and3A_117 = arith.andi %ne3A, %ne3A_116 : i1
      %sub3A_118 = arith.constant 1 : i32
      %sub3A_119 = arith.subi %div3A, %sub3A_118 : i32
      %select_n3A_120 = arith.select %and3A_117, %sub3A_119, %div3A : i32
      %rem3A_121 = arith.constant 2 : i32
      %rem3A_122 = arith.remsi %select_n3A_120, %rem3A_121 : i32
      %rem3A_123 = arith.constant 8 : i32
      %rem3A_124 = arith.remsi %while3A_76, %rem3A_123 : i32
      %dma_start3A_125 = arith.constant 0 : i32
      %dma_start3A_126 = arith.constant 0 : i32
      %dma_start3A_127 = tpu.memref_slice %arg8[%rem3A_87, %dma_start3A_125, %dma_start3A_126] : memref<2x128x128xf32, #tpu.memory_space<vmem>> -> memref<1x128x128xf32, #tpu.memory_space<vmem>>
      %dma_start3A_128 = tpu.memref_squeeze %dma_start3A_127 : memref<1x128x128xf32, #tpu.memory_space<vmem>> -> memref<128x128xf32, #tpu.memory_space<vmem>>
      %dma_start3A_129 = arith.constant 0 : i32
      %dma_start3A_130 = tpu.memref_slice %arg7[%rem3A_122, %rem3A_124, %dma_start3A_129] : memref<2x8x128xi32, #tpu.memory_space<vmem>> -> memref<1x1x128xi32, #tpu.memory_space<vmem>>
      %dma_start3A_131 = tpu.memref_squeeze %dma_start3A_130 : memref<1x1x128xi32, #tpu.memory_space<vmem>> -> memref<128xi32, #tpu.memory_space<vmem>>
      %dma_start3A_132 = arith.constant 0 : i32
      %dma_start3A_133 = arith.constant 0 : i32
      %dma_start3A_134 = tpu.memref_slice %arg9[%dma_start3A_132, %dma_start3A_133] : memref<10240x128xf32, #tpu.memory_space<vmem_shared>> -> memref<10240x128xf32, #tpu.memory_space<vmem_shared>>
      tpu.enqueue_indirect_dma source(%dma_start3A_128 : memref<128x128xf32, #tpu.memory_space<vmem>>) target(%dma_start3A_134 : memref<10240x128xf32, #tpu.memory_space<vmem_shared>>) offsets(%dma_start3A_131 : memref<128xi32, #tpu.memory_space<vmem>>) semaphore(%arg11 : memref<!tpu.dma_semaphore, #tpu.memory_space<semaphore_mem>>) {add = true}
      %ge3A = arith.constant 1 : i32
      %ge3A_135 = arith.cmpi sge, %while3A_76, %ge3A : i32
      %convert_element_type3A_136 = arith.extui %ge3A_135 : i1 to i32
      %cond3A_137 = arith.constant 0 : i32
      %cond3A_138 = arith.cmpi ne, %convert_element_type3A_136, %cond3A_137 : i32
      scf.if %cond3A_138 {
        %sub3A_139 = arith.constant 1 : i32
        %sub3A_140 = arith.subi %while3A_76, %sub3A_139 : i32
        %rem3A_141 = arith.constant 2 : i32
        %rem3A_142 = arith.remsi %sub3A_140, %rem3A_141 : i32
        %dma_wait3A_143 = arith.constant 0 : i32
        %dma_wait3A_144 = arith.constant 0 : i32
        %dma_wait3A_145 = arith.constant 0 : i32
        %dma_wait3A_146 = arith.constant 0 : i32
        %dma_wait3A_147 = tpu.memref_slice %arg8[%rem3A_142, %dma_wait3A_145, %dma_wait3A_146] : memref<2x128x128xf32, #tpu.memory_space<vmem>> -> memref<1x128x128xf32, #tpu.memory_space<vmem>>
        %dma_wait3A_148 = tpu.memref_squeeze %dma_wait3A_147 : memref<1x128x128xf32, #tpu.memory_space<vmem>> -> memref<128x128xf32, #tpu.memory_space<vmem>>
        %dma_wait3A_149 = arith.constant 0 : i32
        %dma_wait3A_150 = tpu.memref_slice %arg7[%dma_wait3A_143, %dma_wait3A_144, %dma_wait3A_149] : memref<2x8x128xi32, #tpu.memory_space<vmem>> -> memref<1x1x128xi32, #tpu.memory_space<vmem>>
        %dma_wait3A_151 = tpu.memref_squeeze %dma_wait3A_150 : memref<1x1x128xi32, #tpu.memory_space<vmem>> -> memref<128xi32, #tpu.memory_space<vmem>>
        %dma_wait3A_152 = arith.constant 0 : i32
        %dma_wait3A_153 = arith.constant 0 : i32
        %dma_wait3A_154 = tpu.memref_slice %arg9[%dma_wait3A_152, %dma_wait3A_153] : memref<10240x128xf32, #tpu.memory_space<vmem_shared>> -> memref<10240x128xf32, #tpu.memory_space<vmem_shared>>
        tpu.wait_indirect_dma semaphore(%arg11 : memref<!tpu.dma_semaphore, #tpu.memory_space<semaphore_mem>>) src(%dma_wait3A_148 : memref<128x128xf32, #tpu.memory_space<vmem>>) dst(%dma_wait3A_154 : memref<10240x128xf32, #tpu.memory_space<vmem_shared>>)
        %sub3A_155 = arith.constant 1 : i32
        %sub3A_156 = arith.subi %while3A_76, %sub3A_155 : i32
        %add3A_157 = arith.constant 2 : i32
        %add3A_158 = arith.addi %sub3A_156, %add3A_157 : i32
        %lt3A_159 = arith.cmpi slt, %add3A_158, %mul3A_5 : i32
        %convert_element_type3A_160 = arith.extui %lt3A_159 : i1 to i32
        %cond3A_161 = arith.constant 0 : i32
        %cond3A_162 = arith.cmpi ne, %convert_element_type3A_160, %cond3A_161 : i32
        scf.if %cond3A_162 {
          %sub3A_163 = arith.constant 1 : i32
          %sub3A_164 = arith.subi %while3A_76, %sub3A_163 : i32
          %add3A_165 = arith.constant 2 : i32
          %add3A_166 = arith.addi %sub3A_164, %add3A_165 : i32
          %jit3A_167 = arith.constant 8 : i32
          %div3A_168 = arith.divsi %add3A_166, %jit3A_167 : i32
          %sign3A_169 = arith.constant 0 : i32
          %sign3A_170 = arith.cmpi sgt, %add3A_166, %sign3A_169 : i32
          %sign3A_171 = arith.extui %sign3A_170 : i1 to i32
          %sign3A_172 = arith.constant 0 : i32
          %sign3A_173 = arith.cmpi slt, %add3A_166, %sign3A_172 : i32
          %sign3A_174 = arith.extui %sign3A_173 : i1 to i32
          %sign3A_175 = arith.subi %sign3A_171, %sign3A_174 : i32
          %sign3A_176 = arith.constant 0 : i32
          %sign3A_177 = arith.cmpi sgt, %jit3A_167, %sign3A_176 : i32
          %sign3A_178 = arith.extui %sign3A_177 : i1 to i32
          %sign3A_179 = arith.constant 0 : i32
          %sign3A_180 = arith.cmpi slt, %jit3A_167, %sign3A_179 : i32
          %sign3A_181 = arith.extui %sign3A_180 : i1 to i32
          %sign3A_182 = arith.subi %sign3A_178, %sign3A_181 : i32
          %ne3A_183 = arith.cmpi ne, %sign3A_175, %sign3A_182 : i32
          %rem3A_184 = arith.remsi %add3A_166, %jit3A_167 : i32
          %ne3A_185 = arith.constant 0 : i32
          %ne3A_186 = arith.cmpi ne, %rem3A_184, %ne3A_185 : i32
          %and3A_187 = arith.andi %ne3A_183, %ne3A_186 : i1
          %sub3A_188 = arith.constant 1 : i32
          %sub3A_189 = arith.subi %div3A_168, %sub3A_188 : i32
          %select_n3A_190 = arith.select %and3A_187, %sub3A_189, %div3A_168 : i32
          %rem3A_191 = arith.constant 2 : i32
          %rem3A_192 = arith.remsi %select_n3A_190, %rem3A_191 : i32
          %rem3A_193 = arith.constant 8 : i32
          %rem3A_194 = arith.remsi %add3A_166, %rem3A_193 : i32
          %dma_start3A_195 = arith.constant 0 : i32
          %dma_start3A_196 = arith.constant 0 : i32
          %dma_start3A_197 = tpu.memref_slice %arg8[%rem3A_142, %dma_start3A_195, %dma_start3A_196] : memref<2x128x128xf32, #tpu.memory_space<vmem>> -> memref<1x128x128xf32, #tpu.memory_space<vmem>>
          %dma_start3A_198 = tpu.memref_squeeze %dma_start3A_197 : memref<1x128x128xf32, #tpu.memory_space<vmem>> -> memref<128x128xf32, #tpu.memory_space<vmem>>
          %dma_start3A_199 = arith.constant 0 : i32
          %dma_start3A_200 = tpu.memref_slice %arg6[%rem3A_192, %rem3A_194, %dma_start3A_199] : memref<2x8x128xi32, #tpu.memory_space<vmem>> -> memref<1x1x128xi32, #tpu.memory_space<vmem>>
          %dma_start3A_201 = tpu.memref_squeeze %dma_start3A_200 : memref<1x1x128xi32, #tpu.memory_space<vmem>> -> memref<128xi32, #tpu.memory_space<vmem>>
          %dma_start3A_202 = arith.constant 0 : i32
          %dma_start3A_203 = arith.constant 0 : i32
          %dma_start3A_204 = tpu.memref_slice %arg2[%dma_start3A_202, %dma_start3A_203] : memref<10000x128xf32, #tpu.memory_space<hbm>> -> memref<10000x128xf32, #tpu.memory_space<hbm>>
          tpu.enqueue_indirect_dma source(%dma_start3A_204 : memref<10000x128xf32, #tpu.memory_space<hbm>>) target(%dma_start3A_198 : memref<128x128xf32, #tpu.memory_space<vmem>>) offsets(%dma_start3A_201 : memref<128xi32, #tpu.memory_space<vmem>>) semaphore(%arg10 : memref<!tpu.dma_semaphore, #tpu.memory_space<semaphore_mem>>)
        } else {
        }
      } else {
      }
    }
    %while3A_56 = arith.constant 1 : i32
    scf.for %while3A_76 = %while3A_54 to %while3A_50 step %while3A_56  : i32 {
      %add3A_77 = arith.constant 2 : i32
      %add3A_78 = arith.addi %while3A_76, %add3A_77 : i32
      %sub3A_79 = arith.constant 1 : i32
      %sub3A_80 = arith.subi %add3A_78, %sub3A_79 : i32
      %rem3A_81 = arith.constant 8 : i32
      %rem3A_82 = arith.remsi %sub3A_80, %rem3A_81 : i32
      %eq3A_83 = arith.constant 0 : i32
      %eq3A_84 = arith.cmpi eq, %rem3A_82, %eq3A_83 : i32
      %lt3A = arith.cmpi slt, %sub3A_80, %mul3A_5 : i32
      %and3A = arith.andi %eq3A_84, %lt3A : i1
      %convert_element_type3A = arith.extui %and3A : i1 to i32
      %cond3A = arith.constant 0 : i32
      %cond3A_85 = arith.cmpi ne, %convert_element_type3A, %cond3A : i32
      scf.if %cond3A_85 {
        %jit3A_139 = arith.constant 8 : i32
        %div3A_140 = arith.divsi %sub3A_80, %jit3A_139 : i32
        %sign3A_141 = arith.constant 0 : i32
        %sign3A_142 = arith.cmpi sgt, %sub3A_80, %sign3A_141 : i32
        %sign3A_143 = arith.extui %sign3A_142 : i1 to i32
        %sign3A_144 = arith.constant 0 : i32
        %sign3A_145 = arith.cmpi slt, %sub3A_80, %sign3A_144 : i32
        %sign3A_146 = arith.extui %sign3A_145 : i1 to i32
        %sign3A_147 = arith.subi %sign3A_143, %sign3A_146 : i32
        %sign3A_148 = arith.constant 0 : i32
        %sign3A_149 = arith.cmpi sgt, %jit3A_139, %sign3A_148 : i32
        %sign3A_150 = arith.extui %sign3A_149 : i1 to i32
        %sign3A_151 = arith.constant 0 : i32
        %sign3A_152 = arith.cmpi slt, %jit3A_139, %sign3A_151 : i32
        %sign3A_153 = arith.extui %sign3A_152 : i1 to i32
        %sign3A_154 = arith.subi %sign3A_150, %sign3A_153 : i32
        %ne3A_155 = arith.cmpi ne, %sign3A_147, %sign3A_154 : i32
        %rem3A_156 = arith.remsi %sub3A_80, %jit3A_139 : i32
        %ne3A_157 = arith.constant 0 : i32
        %ne3A_158 = arith.cmpi ne, %rem3A_156, %ne3A_157 : i32
        %and3A_159 = arith.andi %ne3A_155, %ne3A_158 : i1
        %sub3A_160 = arith.constant 1 : i32
        %sub3A_161 = arith.subi %div3A_140, %sub3A_160 : i32
        %select_n3A_162 = arith.select %and3A_159, %sub3A_161, %div3A_140 : i32
        %rem3A_163 = arith.constant 2 : i32
        %rem3A_164 = arith.remsi %select_n3A_162, %rem3A_163 : i32
        %add3A_165 = arith.addi %add3A, %select_n3A_162 : i32
        "tpu.region"() ({
          %run_scoped3A_167 = tpu.sem_alloc : memref<!tpu.dma_semaphore, #tpu.memory_space<semaphore_mem>>
          %dma_start3A_168 = arith.constant 0 : i32
          %dma_start3A_169 = arith.constant 0 : i32
          %dma_start3A_170 = tpu.memref_slice %arg6[%rem3A_164, %dma_start3A_168, %dma_start3A_169] : memref<2x8x128xi32, #tpu.memory_space<vmem>> -> memref<1x8x128xi32, #tpu.memory_space<vmem>>
          %dma_start3A_171 = tpu.memref_squeeze %dma_start3A_170 : memref<1x8x128xi32, #tpu.memory_space<vmem>> -> memref<8x128xi32, #tpu.memory_space<vmem>>
          %dma_start3A_172 = arith.constant 0 : i32
          %dma_start3A_173 = arith.constant 0 : i32
          %dma_start3A_174 = tpu.memref_slice %arg3[%add3A_165, %dma_start3A_172, %dma_start3A_173] : memref<320x8x128xi32, #tpu.memory_space<hbm>> -> memref<1x8x128xi32, #tpu.memory_space<hbm>>
          %dma_start3A_175 = tpu.memref_squeeze %dma_start3A_174 : memref<1x8x128xi32, #tpu.memory_space<hbm>> -> memref<8x128xi32, #tpu.memory_space<hbm>>
          %dma_start3A_176 = arith.constant 0 : i32
          %dma_start3A_177 = arith.constant 0 : i32
          %dma_start3A_178 = tpu.memref_slice %arg6[%rem3A_164, %dma_start3A_176, %dma_start3A_177] : memref<2x8x128xi32, #tpu.memory_space<vmem>> -> memref<1x8x128xi32, #tpu.memory_space<vmem>>
          %dma_start3A_179 = tpu.memref_squeeze %dma_start3A_178 : memref<1x8x128xi32, #tpu.memory_space<vmem>> -> memref<8x128xi32, #tpu.memory_space<vmem>>
          %dma_start3A_180 = arith.constant 0 : i32
          %dma_start3A_181 = arith.constant 0 : i32
          %dma_start3A_182 = tpu.memref_slice %arg3[%add3A_165, %dma_start3A_180, %dma_start3A_181] : memref<320x8x128xi32, #tpu.memory_space<hbm>> -> memref<1x8x128xi32, #tpu.memory_space<hbm>>
          %dma_start3A_183 = tpu.memref_squeeze %dma_start3A_182 : memref<1x8x128xi32, #tpu.memory_space<hbm>> -> memref<8x128xi32, #tpu.memory_space<hbm>>
          tpu.enqueue_dma source(%dma_start3A_183 : memref<8x128xi32, #tpu.memory_space<hbm>>) target(%dma_start3A_179 : memref<8x128xi32, #tpu.memory_space<vmem>>) target_semaphore(%run_scoped3A_167 : memref<!tpu.dma_semaphore, #tpu.memory_space<semaphore_mem>>)
          %dma_wait3A_184 = arith.constant 0 : i32
          %dma_wait3A_185 = arith.constant 0 : i32
          %dma_wait3A_186 = tpu.memref_slice %arg6[%rem3A_164, %dma_wait3A_184, %dma_wait3A_185] : memref<2x8x128xi32, #tpu.memory_space<vmem>> -> memref<1x8x128xi32, #tpu.memory_space<vmem>>
          %dma_wait3A_187 = tpu.memref_squeeze %dma_wait3A_186 : memref<1x8x128xi32, #tpu.memory_space<vmem>> -> memref<8x128xi32, #tpu.memory_space<vmem>>
          %dma_wait3A_188 = arith.constant 0 : i32
          %dma_wait3A_189 = arith.constant 0 : i32
          %dma_wait3A_190 = tpu.memref_slice %arg3[%add3A_165, %dma_wait3A_188, %dma_wait3A_189] : memref<320x8x128xi32, #tpu.memory_space<hbm>> -> memref<1x8x128xi32, #tpu.memory_space<hbm>>
          %dma_wait3A_191 = tpu.memref_squeeze %dma_wait3A_190 : memref<1x8x128xi32, #tpu.memory_space<hbm>> -> memref<8x128xi32, #tpu.memory_space<hbm>>
          %dma_wait3A_192 = arith.constant 0 : i32
          %dma_wait3A_193 = arith.constant 0 : i32
          %dma_wait3A_194 = tpu.memref_slice %arg6[%rem3A_164, %dma_wait3A_192, %dma_wait3A_193] : memref<2x8x128xi32, #tpu.memory_space<vmem>> -> memref<1x8x128xi32, #tpu.memory_space<vmem>>
          %dma_wait3A_195 = tpu.memref_squeeze %dma_wait3A_194 : memref<1x8x128xi32, #tpu.memory_space<vmem>> -> memref<8x128xi32, #tpu.memory_space<vmem>>
          %dma_wait3A_196 = arith.constant 0 : i32
          %dma_wait3A_197 = arith.constant 0 : i32
          %dma_wait3A_198 = tpu.memref_slice %arg3[%add3A_165, %dma_wait3A_196, %dma_wait3A_197] : memref<320x8x128xi32, #tpu.memory_space<hbm>> -> memref<1x8x128xi32, #tpu.memory_space<hbm>>
          %dma_wait3A_199 = tpu.memref_squeeze %dma_wait3A_198 : memref<1x8x128xi32, #tpu.memory_space<hbm>> -> memref<8x128xi32, #tpu.memory_space<hbm>>
          tpu.wait_dma2 semaphore(%run_scoped3A_167 : memref<!tpu.dma_semaphore, #tpu.memory_space<semaphore_mem>>) src(%dma_wait3A_199 : memref<8x128xi32, #tpu.memory_space<hbm>>) dst(%dma_wait3A_195 : memref<8x128xi32, #tpu.memory_space<vmem>>)
          tpu.yield
        }) : () -> ()
        %add3A_166 = arith.addi %add3A, %select_n3A_162 : i32
        "tpu.region"() ({
          %run_scoped3A_167 = tpu.sem_alloc : memref<!tpu.dma_semaphore, #tpu.memory_space<semaphore_mem>>
          %dma_start3A_168 = arith.constant 0 : i32
          %dma_start3A_169 = arith.constant 0 : i32
          %dma_start3A_170 = tpu.memref_slice %arg7[%rem3A_164, %dma_start3A_168, %dma_start3A_169] : memref<2x8x128xi32, #tpu.memory_space<vmem>> -> memref<1x8x128xi32, #tpu.memory_space<vmem>>
          %dma_start3A_171 = tpu.memref_squeeze %dma_start3A_170 : memref<1x8x128xi32, #tpu.memory_space<vmem>> -> memref<8x128xi32, #tpu.memory_space<vmem>>
          %dma_start3A_172 = arith.constant 0 : i32
          %dma_start3A_173 = arith.constant 0 : i32
          %dma_start3A_174 = tpu.memref_slice %arg4[%add3A_166, %dma_start3A_172, %dma_start3A_173] : memref<320x8x128xi32, #tpu.memory_space<hbm>> -> memref<1x8x128xi32, #tpu.memory_space<hbm>>
          %dma_start3A_175 = tpu.memref_squeeze %dma_start3A_174 : memref<1x8x128xi32, #tpu.memory_space<hbm>> -> memref<8x128xi32, #tpu.memory_space<hbm>>
          %dma_start3A_176 = arith.constant 0 : i32
          %dma_start3A_177 = arith.constant 0 : i32
          %dma_start3A_178 = tpu.memref_slice %arg7[%rem3A_164, %dma_start3A_176, %dma_start3A_177] : memref<2x8x128xi32, #tpu.memory_space<vmem>> -> memref<1x8x128xi32, #tpu.memory_space<vmem>>
          %dma_start3A_179 = tpu.memref_squeeze %dma_start3A_178 : memref<1x8x128xi32, #tpu.memory_space<vmem>> -> memref<8x128xi32, #tpu.memory_space<vmem>>
          %dma_start3A_180 = arith.constant 0 : i32
          %dma_start3A_181 = arith.constant 0 : i32
          %dma_start3A_182 = tpu.memref_slice %arg4[%add3A_166, %dma_start3A_180, %dma_start3A_181] : memref<320x8x128xi32, #tpu.memory_space<hbm>> -> memref<1x8x128xi32, #tpu.memory_space<hbm>>
          %dma_start3A_183 = tpu.memref_squeeze %dma_start3A_182 : memref<1x8x128xi32, #tpu.memory_space<hbm>> -> memref<8x128xi32, #tpu.memory_space<hbm>>
          tpu.enqueue_dma source(%dma_start3A_183 : memref<8x128xi32, #tpu.memory_space<hbm>>) target(%dma_start3A_179 : memref<8x128xi32, #tpu.memory_space<vmem>>) target_semaphore(%run_scoped3A_167 : memref<!tpu.dma_semaphore, #tpu.memory_space<semaphore_mem>>)
          %dma_wait3A_184 = arith.constant 0 : i32
          %dma_wait3A_185 = arith.constant 0 : i32
          %dma_wait3A_186 = tpu.memref_slice %arg7[%rem3A_164, %dma_wait3A_184, %dma_wait3A_185] : memref<2x8x128xi32, #tpu.memory_space<vmem>> -> memref<1x8x128xi32, #tpu.memory_space<vmem>>
          %dma_wait3A_187 = tpu.memref_squeeze %dma_wait3A_186 : memref<1x8x128xi32, #tpu.memory_space<vmem>> -> memref<8x128xi32, #tpu.memory_space<vmem>>
          %dma_wait3A_188 = arith.constant 0 : i32
          %dma_wait3A_189 = arith.constant 0 : i32
          %dma_wait3A_190 = tpu.memref_slice %arg4[%add3A_166, %dma_wait3A_188, %dma_wait3A_189] : memref<320x8x128xi32, #tpu.memory_space<hbm>> -> memref<1x8x128xi32, #tpu.memory_space<hbm>>
          %dma_wait3A_191 = tpu.memref_squeeze %dma_wait3A_190 : memref<1x8x128xi32, #tpu.memory_space<hbm>> -> memref<8x128xi32, #tpu.memory_space<hbm>>
          %dma_wait3A_192 = arith.constant 0 : i32
          %dma_wait3A_193 = arith.constant 0 : i32
          %dma_wait3A_194 = tpu.memref_slice %arg7[%rem3A_164, %dma_wait3A_192, %dma_wait3A_193] : memref<2x8x128xi32, #tpu.memory_space<vmem>> -> memref<1x8x128xi32, #tpu.memory_space<vmem>>
          %dma_wait3A_195 = tpu.memref_squeeze %dma_wait3A_194 : memref<1x8x128xi32, #tpu.memory_space<vmem>> -> memref<8x128xi32, #tpu.memory_space<vmem>>
          %dma_wait3A_196 = arith.constant 0 : i32
          %dma_wait3A_197 = arith.constant 0 : i32
          %dma_wait3A_198 = tpu.memref_slice %arg4[%add3A_166, %dma_wait3A_196, %dma_wait3A_197] : memref<320x8x128xi32, #tpu.memory_space<hbm>> -> memref<1x8x128xi32, #tpu.memory_space<hbm>>
          %dma_wait3A_199 = tpu.memref_squeeze %dma_wait3A_198 : memref<1x8x128xi32, #tpu.memory_space<hbm>> -> memref<8x128xi32, #tpu.memory_space<hbm>>
          tpu.wait_dma2 semaphore(%run_scoped3A_167 : memref<!tpu.dma_semaphore, #tpu.memory_space<semaphore_mem>>) src(%dma_wait3A_199 : memref<8x128xi32, #tpu.memory_space<hbm>>) dst(%dma_wait3A_195 : memref<8x128xi32, #tpu.memory_space<vmem>>)
          tpu.yield
        }) : () -> ()
      } else {
      }
      %rem3A_86 = arith.constant 2 : i32
      %rem3A_87 = arith.remsi %while3A_76, %rem3A_86 : i32
      %dma_wait3A_88 = arith.constant 0 : i32
      %dma_wait3A_89 = arith.constant 0 : i32
      %dma_wait3A_90 = arith.constant 0 : i32
      %dma_wait3A_91 = arith.constant 0 : i32
      %dma_wait3A_92 = tpu.memref_slice %arg8[%rem3A_87, %dma_wait3A_90, %dma_wait3A_91] : memref<2x128x128xf32, #tpu.memory_space<vmem>> -> memref<1x128x128xf32, #tpu.memory_space<vmem>>
      %dma_wait3A_93 = tpu.memref_squeeze %dma_wait3A_92 : memref<1x128x128xf32, #tpu.memory_space<vmem>> -> memref<128x128xf32, #tpu.memory_space<vmem>>
      %dma_wait3A_94 = arith.constant 0 : i32
      %dma_wait3A_95 = tpu.memref_slice %arg6[%dma_wait3A_88, %dma_wait3A_89, %dma_wait3A_94] : memref<2x8x128xi32, #tpu.memory_space<vmem>> -> memref<1x1x128xi32, #tpu.memory_space<vmem>>
      %dma_wait3A_96 = tpu.memref_squeeze %dma_wait3A_95 : memref<1x1x128xi32, #tpu.memory_space<vmem>> -> memref<128xi32, #tpu.memory_space<vmem>>
      %dma_wait3A_97 = arith.constant 0 : i32
      %dma_wait3A_98 = arith.constant 0 : i32
      %dma_wait3A_99 = tpu.memref_slice %arg2[%dma_wait3A_97, %dma_wait3A_98] : memref<10000x128xf32, #tpu.memory_space<hbm>> -> memref<10000x128xf32, #tpu.memory_space<hbm>>
      tpu.wait_indirect_dma semaphore(%arg10 : memref<!tpu.dma_semaphore, #tpu.memory_space<semaphore_mem>>) src(%dma_wait3A_99 : memref<10000x128xf32, #tpu.memory_space<hbm>>) dst(%dma_wait3A_93 : memref<128x128xf32, #tpu.memory_space<vmem>>)
      %jit3A_100 = arith.constant 8 : i32
      %div3A = arith.divsi %while3A_76, %jit3A_100 : i32
      %sign3A = arith.constant 0 : i32
      %sign3A_101 = arith.cmpi sgt, %while3A_76, %sign3A : i32
      %sign3A_102 = arith.extui %sign3A_101 : i1 to i32
      %sign3A_103 = arith.constant 0 : i32
      %sign3A_104 = arith.cmpi slt, %while3A_76, %sign3A_103 : i32
      %sign3A_105 = arith.extui %sign3A_104 : i1 to i32
      %sign3A_106 = arith.subi %sign3A_102, %sign3A_105 : i32
      %sign3A_107 = arith.constant 0 : i32
      %sign3A_108 = arith.cmpi sgt, %jit3A_100, %sign3A_107 : i32
      %sign3A_109 = arith.extui %sign3A_108 : i1 to i32
      %sign3A_110 = arith.constant 0 : i32
      %sign3A_111 = arith.cmpi slt, %jit3A_100, %sign3A_110 : i32
      %sign3A_112 = arith.extui %sign3A_111 : i1 to i32
      %sign3A_113 = arith.subi %sign3A_109, %sign3A_112 : i32
      %ne3A = arith.cmpi ne, %sign3A_106, %sign3A_113 : i32
      %rem3A_114 = arith.remsi %while3A_76, %jit3A_100 : i32
      %ne3A_115 = arith.constant 0 : i32
      %ne3A_116 = arith.cmpi ne, %rem3A_114, %ne3A_115 : i32
      %and3A_117 = arith.andi %ne3A, %ne3A_116 : i1
      %sub3A_118 = arith.constant 1 : i32
      %sub3A_119 = arith.subi %div3A, %sub3A_118 : i32
      %select_n3A_120 = arith.select %and3A_117, %sub3A_119, %div3A : i32
      %rem3A_121 = arith.constant 2 : i32
      %rem3A_122 = arith.remsi %select_n3A_120, %rem3A_121 : i32
      %rem3A_123 = arith.constant 8 : i32
      %rem3A_124 = arith.remsi %while3A_76, %rem3A_123 : i32
      %dma_start3A_125 = arith.constant 0 : i32
      %dma_start3A_126 = arith.constant 0 : i32
      %dma_start3A_127 = tpu.memref_slice %arg8[%rem3A_87, %dma_start3A_125, %dma_start3A_126] : memref<2x128x128xf32, #tpu.memory_space<vmem>> -> memref<1x128x128xf32, #tpu.memory_space<vmem>>
      %dma_start3A_128 = tpu.memref_squeeze %dma_start3A_127 : memref<1x128x128xf32, #tpu.memory_space<vmem>> -> memref<128x128xf32, #tpu.memory_space<vmem>>
      %dma_start3A_129 = arith.constant 0 : i32
      %dma_start3A_130 = tpu.memref_slice %arg7[%rem3A_122, %rem3A_124, %dma_start3A_129] : memref<2x8x128xi32, #tpu.memory_space<vmem>> -> memref<1x1x128xi32, #tpu.memory_space<vmem>>
      %dma_start3A_131 = tpu.memref_squeeze %dma_start3A_130 : memref<1x1x128xi32, #tpu.memory_space<vmem>> -> memref<128xi32, #tpu.memory_space<vmem>>
      %dma_start3A_132 = arith.constant 0 : i32
      %dma_start3A_133 = arith.constant 0 : i32
      %dma_start3A_134 = tpu.memref_slice %arg9[%dma_start3A_132, %dma_start3A_133] : memref<10240x128xf32, #tpu.memory_space<vmem_shared>> -> memref<10240x128xf32, #tpu.memory_space<vmem_shared>>
      tpu.enqueue_indirect_dma source(%dma_start3A_128 : memref<128x128xf32, #tpu.memory_space<vmem>>) target(%dma_start3A_134 : memref<10240x128xf32, #tpu.memory_space<vmem_shared>>) offsets(%dma_start3A_131 : memref<128xi32, #tpu.memory_space<vmem>>) semaphore(%arg11 : memref<!tpu.dma_semaphore, #tpu.memory_space<semaphore_mem>>) {add = true}
      %ge3A = arith.constant 1 : i32
      %ge3A_135 = arith.cmpi sge, %while3A_76, %ge3A : i32
      %convert_element_type3A_136 = arith.extui %ge3A_135 : i1 to i32
      %cond3A_137 = arith.constant 0 : i32
      %cond3A_138 = arith.cmpi ne, %convert_element_type3A_136, %cond3A_137 : i32
      scf.if %cond3A_138 {
        %sub3A_139 = arith.constant 1 : i32
        %sub3A_140 = arith.subi %while3A_76, %sub3A_139 : i32
        %rem3A_141 = arith.constant 2 : i32
        %rem3A_142 = arith.remsi %sub3A_140, %rem3A_141 : i32
        %dma_wait3A_143 = arith.constant 0 : i32
        %dma_wait3A_144 = arith.constant 0 : i32
        %dma_wait3A_145 = arith.constant 0 : i32
        %dma_wait3A_146 = arith.constant 0 : i32
        %dma_wait3A_147 = tpu.memref_slice %arg8[%rem3A_142, %dma_wait3A_145, %dma_wait3A_146] : memref<2x128x128xf32, #tpu.memory_space<vmem>> -> memref<1x128x128xf32, #tpu.memory_space<vmem>>
        %dma_wait3A_148 = tpu.memref_squeeze %dma_wait3A_147 : memref<1x128x128xf32, #tpu.memory_space<vmem>> -> memref<128x128xf32, #tpu.memory_space<vmem>>
        %dma_wait3A_149 = arith.constant 0 : i32
        %dma_wait3A_150 = tpu.memref_slice %arg7[%dma_wait3A_143, %dma_wait3A_144, %dma_wait3A_149] : memref<2x8x128xi32, #tpu.memory_space<vmem>> -> memref<1x1x128xi32, #tpu.memory_space<vmem>>
        %dma_wait3A_151 = tpu.memref_squeeze %dma_wait3A_150 : memref<1x1x128xi32, #tpu.memory_space<vmem>> -> memref<128xi32, #tpu.memory_space<vmem>>
        %dma_wait3A_152 = arith.constant 0 : i32
        %dma_wait3A_153 = arith.constant 0 : i32
        %dma_wait3A_154 = tpu.memref_slice %arg9[%dma_wait3A_152, %dma_wait3A_153] : memref<10240x128xf32, #tpu.memory_space<vmem_shared>> -> memref<10240x128xf32, #tpu.memory_space<vmem_shared>>
        tpu.wait_indirect_dma semaphore(%arg11 : memref<!tpu.dma_semaphore, #tpu.memory_space<semaphore_mem>>) src(%dma_wait3A_148 : memref<128x128xf32, #tpu.memory_space<vmem>>) dst(%dma_wait3A_154 : memref<10240x128xf32, #tpu.memory_space<vmem_shared>>)
        %sub3A_155 = arith.constant 1 : i32
        %sub3A_156 = arith.subi %while3A_76, %sub3A_155 : i32
        %add3A_157 = arith.constant 2 : i32
        %add3A_158 = arith.addi %sub3A_156, %add3A_157 : i32
        %lt3A_159 = arith.cmpi slt, %add3A_158, %mul3A_5 : i32
        %convert_element_type3A_160 = arith.extui %lt3A_159 : i1 to i32
        %cond3A_161 = arith.constant 0 : i32
        %cond3A_162 = arith.cmpi ne, %convert_element_type3A_160, %cond3A_161 : i32
        scf.if %cond3A_162 {
          %sub3A_163 = arith.constant 1 : i32
          %sub3A_164 = arith.subi %while3A_76, %sub3A_163 : i32
          %add3A_165 = arith.constant 2 : i32
          %add3A_166 = arith.addi %sub3A_164, %add3A_165 : i32
          %jit3A_167 = arith.constant 8 : i32
          %div3A_168 = arith.divsi %add3A_166, %jit3A_167 : i32
          %sign3A_169 = arith.constant 0 : i32
          %sign3A_170 = arith.cmpi sgt, %add3A_166, %sign3A_169 : i32
          %sign3A_171 = arith.extui %sign3A_170 : i1 to i32
          %sign3A_172 = arith.constant 0 : i32
          %sign3A_173 = arith.cmpi slt, %add3A_166, %sign3A_172 : i32
          %sign3A_174 = arith.extui %sign3A_173 : i1 to i32
          %sign3A_175 = arith.subi %sign3A_171, %sign3A_174 : i32
          %sign3A_176 = arith.constant 0 : i32
          %sign3A_177 = arith.cmpi sgt, %jit3A_167, %sign3A_176 : i32
          %sign3A_178 = arith.extui %sign3A_177 : i1 to i32
          %sign3A_179 = arith.constant 0 : i32
          %sign3A_180 = arith.cmpi slt, %jit3A_167, %sign3A_179 : i32
          %sign3A_181 = arith.extui %sign3A_180 : i1 to i32
          %sign3A_182 = arith.subi %sign3A_178, %sign3A_181 : i32
          %ne3A_183 = arith.cmpi ne, %sign3A_175, %sign3A_182 : i32
          %rem3A_184 = arith.remsi %add3A_166, %jit3A_167 : i32
          %ne3A_185 = arith.constant 0 : i32
          %ne3A_186 = arith.cmpi ne, %rem3A_184, %ne3A_185 : i32
          %and3A_187 = arith.andi %ne3A_183, %ne3A_186 : i1
          %sub3A_188 = arith.constant 1 : i32
          %sub3A_189 = arith.subi %div3A_168, %sub3A_188 : i32
          %select_n3A_190 = arith.select %and3A_187, %sub3A_189, %div3A_168 : i32
          %rem3A_191 = arith.constant 2 : i32
          %rem3A_192 = arith.remsi %select_n3A_190, %rem3A_191 : i32
          %rem3A_193 = arith.constant 8 : i32
          %rem3A_194 = arith.remsi %add3A_166, %rem3A_193 : i32
          %dma_start3A_195 = arith.constant 0 : i32
          %dma_start3A_196 = arith.constant 0 : i32
          %dma_start3A_197 = tpu.memref_slice %arg8[%rem3A_142, %dma_start3A_195, %dma_start3A_196] : memref<2x128x128xf32, #tpu.memory_space<vmem>> -> memref<1x128x128xf32, #tpu.memory_space<vmem>>
          %dma_start3A_198 = tpu.memref_squeeze %dma_start3A_197 : memref<1x128x128xf32, #tpu.memory_space<vmem>> -> memref<128x128xf32, #tpu.memory_space<vmem>>
          %dma_start3A_199 = arith.constant 0 : i32
          %dma_start3A_200 = tpu.memref_slice %arg6[%rem3A_192, %rem3A_194, %dma_start3A_199] : memref<2x8x128xi32, #tpu.memory_space<vmem>> -> memref<1x1x128xi32, #tpu.memory_space<vmem>>
          %dma_start3A_201 = tpu.memref_squeeze %dma_start3A_200 : memref<1x1x128xi32, #tpu.memory_space<vmem>> -> memref<128xi32, #tpu.memory_space<vmem>>
          %dma_start3A_202 = arith.constant 0 : i32
          %dma_start3A_203 = arith.constant 0 : i32
          %dma_start3A_204 = tpu.memref_slice %arg2[%dma_start3A_202, %dma_start3A_203] : memref<10000x128xf32, #tpu.memory_space<hbm>> -> memref<10000x128xf32, #tpu.memory_space<hbm>>
          tpu.enqueue_indirect_dma source(%dma_start3A_204 : memref<10000x128xf32, #tpu.memory_space<hbm>>) target(%dma_start3A_198 : memref<128x128xf32, #tpu.memory_space<vmem>>) offsets(%dma_start3A_201 : memref<128xi32, #tpu.memory_space<vmem>>) semaphore(%arg10 : memref<!tpu.dma_semaphore, #tpu.memory_space<semaphore_mem>>)
        } else {
        }
      } else {
      }
    }
    %sub3A = arith.constant 1 : i32
    %sub3A_57 = arith.subi %mul3A_5, %sub3A : i32
    %rem3A_58 = arith.constant 2 : i32
    %rem3A_59 = arith.remsi %sub3A_57, %rem3A_58 : i32
    %dma_wait3A = arith.constant 0 : i32
    %dma_wait3A_60 = arith.constant 0 : i32
    %dma_wait3A_61 = arith.constant 0 : i32
    %dma_wait3A_62 = arith.constant 0 : i32
    %dma_wait3A_63 = tpu.memref_slice %arg8[%rem3A_59, %dma_wait3A_61, %dma_wait3A_62] : memref<2x128x128xf32, #tpu.memory_space<vmem>> -> memref<1x128x128xf32, #tpu.memory_space<vmem>>
    %dma_wait3A_64 = tpu.memref_squeeze %dma_wait3A_63 : memref<1x128x128xf32, #tpu.memory_space<vmem>> -> memref<128x128xf32, #tpu.memory_space<vmem>>
    %dma_wait3A_65 = arith.constant 0 : i32
    %dma_wait3A_66 = tpu.memref_slice %arg7[%dma_wait3A, %dma_wait3A_60, %dma_wait3A_65] : memref<2x8x128xi32, #tpu.memory_space<vmem>> -> memref<1x1x128xi32, #tpu.memory_space<vmem>>
    %dma_wait3A_67 = tpu.memref_squeeze %dma_wait3A_66 : memref<1x1x128xi32, #tpu.memory_space<vmem>> -> memref<128xi32, #tpu.memory_space<vmem>>
    %dma_wait3A_68 = arith.constant 0 : i32
    %dma_wait3A_69 = arith.constant 0 : i32
    %dma_wait3A_70 = tpu.memref_slice %arg9[%dma_wait3A_68, %dma_wait3A_69] : memref<10240x128xf32, #tpu.memory_space<vmem_shared>> -> memref<10240x128xf32, #tpu.memory_space<vmem_shared>>
    tpu.wait_indirect_dma semaphore(%arg11 : memref<!tpu.dma_semaphore, #tpu.memory_space<semaphore_mem>>) src(%dma_wait3A_64 : memref<128x128xf32, #tpu.memory_space<vmem>>) dst(%dma_wait3A_70 : memref<10240x128xf32, #tpu.memory_space<vmem_shared>>)
    %barrier3A_71 = arith.constant 0 : index
    tpu.barrier barrier_id(%barrier3A_71)
    %mul3A_72 = arith.constant 640 : i32
    %mul3A_73 = arith.muli %arg1, %mul3A_72 : i32
    %mul3A_74 = arith.constant 640 : i32
    %mul3A_75 = arith.muli %arg1, %mul3A_74 : i32
    "tpu.region"() ({
      %run_scoped3A_76 = tpu.sem_alloc : memref<!tpu.dma_semaphore, #tpu.memory_space<semaphore_mem>>
      %dma_start3A_77 = arith.constant 0 : i32
      %dma_start3A_78 = tpu.memref_slice %arg5[%arg0, %mul3A_75, %dma_start3A_77] : memref<2x10240x128xf32, #tpu.memory_space<hbm>> -> memref<1x640x128xf32, #tpu.memory_space<hbm>>
      %dma_start3A_79 = tpu.memref_squeeze %dma_start3A_78 : memref<1x640x128xf32, #tpu.memory_space<hbm>> -> memref<640x128xf32, #tpu.memory_space<hbm>>
      %dma_start3A_80 = arith.constant 0 : i32
      %dma_start3A_81 = tpu.memref_slice %arg9[%mul3A_73, %dma_start3A_80] : memref<10240x128xf32, #tpu.memory_space<vmem_shared>> -> memref<640x128xf32, #tpu.memory_space<vmem_shared>>
      tpu.enqueue_dma source(%dma_start3A_81 : memref<640x128xf32, #tpu.memory_space<vmem_shared>>) target(%dma_start3A_79 : memref<640x128xf32, #tpu.memory_space<hbm>>) target_semaphore(%run_scoped3A_76 : memref<!tpu.dma_semaphore, #tpu.memory_space<semaphore_mem>>)
      %dma_wait3A_82 = arith.constant 0 : i32
      %dma_wait3A_83 = tpu.memref_slice %arg5[%arg0, %mul3A_75, %dma_wait3A_82] : memref<2x10240x128xf32, #tpu.memory_space<hbm>> -> memref<1x640x128xf32, #tpu.memory_space<hbm>>
      %dma_wait3A_84 = tpu.memref_squeeze %dma_wait3A_83 : memref<1x640x128xf32, #tpu.memory_space<hbm>> -> memref<640x128xf32, #tpu.memory_space<hbm>>
      %dma_wait3A_85 = arith.constant 0 : i32
      %dma_wait3A_86 = tpu.memref_slice %arg9[%mul3A_73, %dma_wait3A_85] : memref<10240x128xf32, #tpu.memory_space<vmem_shared>> -> memref<640x128xf32, #tpu.memory_space<vmem_shared>>
      tpu.wait_dma2 semaphore(%run_scoped3A_76 : memref<!tpu.dma_semaphore, #tpu.memory_space<semaphore_mem>>) src(%dma_wait3A_86 : memref<640x128xf32, #tpu.memory_space<vmem_shared>>) dst(%dma_wait3A_84 : memref<640x128xf32, #tpu.memory_space<hbm>>)
      tpu.yield
    }) : () -> ()
    return
  }
}

#map = affine_map<(d0, d1) -> (0, 0, 0)>
#map1 = affine_map<(d0, d1) -> (0, 0)>
module attributes {stable_mosaic.version = 14 : i64} {
  func.func @deg_kernel(%arg0: i32, %arg1: i32, %arg2: memref<32x80x128xi32, #tpu.memory_space<hbm>>, %arg3: memref<2x10240xf32, #tpu.memory_space<hbm>>, %arg4: memref<80x128xi32, #tpu.memory_space<vmem>>, %arg5: memref<128xf32, #tpu.memory_space<vmem>>, %arg6: memref<640xf32, #tpu.memory_space<vmem>>, %arg7: memref<10240xf32, #tpu.memory_space<vmem_shared>>, %arg8: memref<!tpu.dma_semaphore, #tpu.memory_space<semaphore_mem>>) attributes {dimension_semantics = [#tpu.dimension_semantics<core_parallel>, #tpu.dimension_semantics<subcore_parallel>], iteration_bounds = array<i64: 2, 16>, scalar_prefetch = 0 : i64, scratch_operands = 5 : i64, tpu.core_type = #tpu.core_type<sc_vector_subcore>, window_params = [{transform_indices = #map}, {transform_indices = #map1}]} {
    %mul3A = arith.constant 16 : i32
    %mul3A_0 = arith.muli %arg0, %mul3A : i32
    %add3A = arith.addi %mul3A_0, %arg1 : i32
    %scan3A = arith.constant 0 : i32
    %scan3A_1 = arith.constant 8 : i32
    %scan3A_2 = arith.addi %scan3A, %scan3A_1 : i32
    %scan3A_3 = arith.constant 1 : i32
    scf.for %scan3A_22 = %scan3A to %scan3A_2 step %scan3A_3  : i32 {
      %broadcast_in_dim3A = arith.constant 1.000000e+00 : f32
      %broadcast_in_dim3A_23 = vector.broadcast %broadcast_in_dim3A : f32 to vector<16xf32>
      %mul3A_24 = arith.constant 16 : i32
      %mul3A_25 = arith.muli %scan3A_22, %mul3A_24 : i32
      %swap3A = arith.index_cast %mul3A_25 : i32 to index
      %swap3A_26 = tpu.vector_load %arg5[%swap3A] {strides = array<i32>} : memref<128xf32, #tpu.memory_space<vmem>>, vector<16xf32>,
      %swap3A_27 = vector.shape_cast %swap3A_26 : vector<16xf32> to vector<16xf32>
      %swap3A_28 = vector.shape_cast %broadcast_in_dim3A_23 : vector<16xf32> to vector<16xf32>
      tpu.vector_store %arg5[%swap3A], %swap3A_28 {strides = array<i32>} : memref<128xf32, #tpu.memory_space<vmem>>, vector<16xf32>,
    }
    %scan3A_4 = arith.constant 8 : i32
    %scan3A_5 = arith.constant 0 : i32
    %scan3A_6 = arith.constant 40 : i32
    %scan3A_7 = arith.addi %scan3A_5, %scan3A_6 : i32
    %scan3A_8 = arith.constant 1 : i32
    scf.for %scan3A_22 = %scan3A_5 to %scan3A_7 step %scan3A_8  : i32 {
      %broadcast_in_dim3A = arith.constant 0.000000e+00 : f32
      %broadcast_in_dim3A_23 = vector.broadcast %broadcast_in_dim3A : f32 to vector<16xf32>
      %mul3A_24 = arith.constant 16 : i32
      %mul3A_25 = arith.muli %scan3A_22, %mul3A_24 : i32
      %swap3A = arith.index_cast %mul3A_25 : i32 to index
      %swap3A_26 = tpu.vector_load %arg6[%swap3A] {strides = array<i32>} : memref<640xf32, #tpu.memory_space<vmem>>, vector<16xf32>,
      %swap3A_27 = vector.shape_cast %swap3A_26 : vector<16xf32> to vector<16xf32>
      %swap3A_28 = vector.shape_cast %broadcast_in_dim3A_23 : vector<16xf32> to vector<16xf32>
      tpu.vector_store %arg6[%swap3A], %swap3A_28 {strides = array<i32>} : memref<640xf32, #tpu.memory_space<vmem>>, vector<16xf32>,
    }
    %scan3A_9 = arith.constant 40 : i32
    %mul3A_10 = arith.constant 640 : i32
    %mul3A_11 = arith.muli %arg1, %mul3A_10 : i32
    "tpu.region"() ({
      %run_scoped3A = tpu.sem_alloc : memref<!tpu.dma_semaphore, #tpu.memory_space<semaphore_mem>>
      %dma_start3A = tpu.memref_slice %arg7[%mul3A_11] : memref<10240xf32, #tpu.memory_space<vmem_shared>> -> memref<640xf32, #tpu.memory_space<vmem_shared>>
      %dma_start3A_22 = tpu.memref_slice %arg7[%mul3A_11] : memref<10240xf32, #tpu.memory_space<vmem_shared>> -> memref<640xf32, #tpu.memory_space<vmem_shared>>
      tpu.enqueue_dma source(%arg6 : memref<640xf32, #tpu.memory_space<vmem>>) target(%dma_start3A_22 : memref<640xf32, #tpu.memory_space<vmem_shared>>) target_semaphore(%run_scoped3A : memref<!tpu.dma_semaphore, #tpu.memory_space<semaphore_mem>>)
      %dma_wait3A = tpu.memref_slice %arg7[%mul3A_11] : memref<10240xf32, #tpu.memory_space<vmem_shared>> -> memref<640xf32, #tpu.memory_space<vmem_shared>>
      %dma_wait3A_23 = tpu.memref_slice %arg7[%mul3A_11] : memref<10240xf32, #tpu.memory_space<vmem_shared>> -> memref<640xf32, #tpu.memory_space<vmem_shared>>
      tpu.wait_dma2 semaphore(%run_scoped3A : memref<!tpu.dma_semaphore, #tpu.memory_space<semaphore_mem>>) src(%arg6 : memref<640xf32, #tpu.memory_space<vmem>>) dst(%dma_wait3A_23 : memref<640xf32, #tpu.memory_space<vmem_shared>>)
      tpu.yield
    }) : () -> ()
    "tpu.region"() ({
      %run_scoped3A = tpu.sem_alloc : memref<!tpu.dma_semaphore, #tpu.memory_space<semaphore_mem>>
      %dma_start3A = arith.constant 0 : i32
      %dma_start3A_22 = arith.constant 0 : i32
      %dma_start3A_23 = tpu.memref_slice %arg2[%add3A, %dma_start3A, %dma_start3A_22] : memref<32x80x128xi32, #tpu.memory_space<hbm>> -> memref<1x80x128xi32, #tpu.memory_space<hbm>>
      %dma_start3A_24 = tpu.memref_squeeze %dma_start3A_23 : memref<1x80x128xi32, #tpu.memory_space<hbm>> -> memref<80x128xi32, #tpu.memory_space<hbm>>
      %dma_start3A_25 = arith.constant 0 : i32
      %dma_start3A_26 = arith.constant 0 : i32
      %dma_start3A_27 = tpu.memref_slice %arg2[%add3A, %dma_start3A_25, %dma_start3A_26] : memref<32x80x128xi32, #tpu.memory_space<hbm>> -> memref<1x80x128xi32, #tpu.memory_space<hbm>>
      %dma_start3A_28 = tpu.memref_squeeze %dma_start3A_27 : memref<1x80x128xi32, #tpu.memory_space<hbm>> -> memref<80x128xi32, #tpu.memory_space<hbm>>
      tpu.enqueue_dma source(%dma_start3A_28 : memref<80x128xi32, #tpu.memory_space<hbm>>) target(%arg4 : memref<80x128xi32, #tpu.memory_space<vmem>>) target_semaphore(%run_scoped3A : memref<!tpu.dma_semaphore, #tpu.memory_space<semaphore_mem>>)
      %dma_wait3A = arith.constant 0 : i32
      %dma_wait3A_29 = arith.constant 0 : i32
      %dma_wait3A_30 = tpu.memref_slice %arg2[%add3A, %dma_wait3A, %dma_wait3A_29] : memref<32x80x128xi32, #tpu.memory_space<hbm>> -> memref<1x80x128xi32, #tpu.memory_space<hbm>>
      %dma_wait3A_31 = tpu.memref_squeeze %dma_wait3A_30 : memref<1x80x128xi32, #tpu.memory_space<hbm>> -> memref<80x128xi32, #tpu.memory_space<hbm>>
      %dma_wait3A_32 = arith.constant 0 : i32
      %dma_wait3A_33 = arith.constant 0 : i32
      %dma_wait3A_34 = tpu.memref_slice %arg2[%add3A, %dma_wait3A_32, %dma_wait3A_33] : memref<32x80x128xi32, #tpu.memory_space<hbm>> -> memref<1x80x128xi32, #tpu.memory_space<hbm>>
      %dma_wait3A_35 = tpu.memref_squeeze %dma_wait3A_34 : memref<1x80x128xi32, #tpu.memory_space<hbm>> -> memref<80x128xi32, #tpu.memory_space<hbm>>
      tpu.wait_dma2 semaphore(%run_scoped3A : memref<!tpu.dma_semaphore, #tpu.memory_space<semaphore_mem>>) src(%dma_wait3A_35 : memref<80x128xi32, #tpu.memory_space<hbm>>) dst(%arg4 : memref<80x128xi32, #tpu.memory_space<vmem>>)
      tpu.yield
    }) : () -> ()
    %barrier3A = arith.constant 0 : index
    tpu.barrier barrier_id(%barrier3A)
    %scan3A_12 = arith.constant 0 : i32
    %scan3A_13 = arith.constant 10 : i32
    %scan3A_14 = arith.addi %scan3A_12, %scan3A_13 : i32
    %scan3A_15 = arith.constant 1 : i32
    scf.for %scan3A_22 = %scan3A_12 to %scan3A_14 step %scan3A_15  : i32 {
      %mul3A_23 = arith.constant 8 : i32
      %mul3A_24 = arith.muli %scan3A_22, %mul3A_23 : i32
      %add3A_25 = arith.constant 0 : i32
      %add3A_26 = arith.addi %mul3A_24, %add3A_25 : i32
      %dma_start3A = arith.constant 0 : i32
      %dma_start3A_27 = tpu.memref_slice %arg4[%add3A_26, %dma_start3A] : memref<80x128xi32, #tpu.memory_space<vmem>> -> memref<1x128xi32, #tpu.memory_space<vmem>>
      %dma_start3A_28 = tpu.memref_squeeze %dma_start3A_27 : memref<1x128xi32, #tpu.memory_space<vmem>> -> memref<128xi32, #tpu.memory_space<vmem>>
      %dma_start3A_29 = arith.constant 0 : i32
      %dma_start3A_30 = tpu.memref_slice %arg7[%dma_start3A_29] : memref<10240xf32, #tpu.memory_space<vmem_shared>> -> memref<10240xf32, #tpu.memory_space<vmem_shared>>
      tpu.enqueue_indirect_dma source(%arg5 : memref<128xf32, #tpu.memory_space<vmem>>) target(%dma_start3A_30 : memref<10240xf32, #tpu.memory_space<vmem_shared>>) offsets(%dma_start3A_28 : memref<128xi32, #tpu.memory_space<vmem>>) semaphore(%arg8 : memref<!tpu.dma_semaphore, #tpu.memory_space<semaphore_mem>>) {add = true}
      %mul3A_31 = arith.constant 8 : i32
      %mul3A_32 = arith.muli %scan3A_22, %mul3A_31 : i32
      %add3A_33 = arith.constant 1 : i32
      %add3A_34 = arith.addi %mul3A_32, %add3A_33 : i32
      %dma_start3A_35 = arith.constant 0 : i32
      %dma_start3A_36 = tpu.memref_slice %arg4[%add3A_34, %dma_start3A_35] : memref<80x128xi32, #tpu.memory_space<vmem>> -> memref<1x128xi32, #tpu.memory_space<vmem>>
      %dma_start3A_37 = tpu.memref_squeeze %dma_start3A_36 : memref<1x128xi32, #tpu.memory_space<vmem>> -> memref<128xi32, #tpu.memory_space<vmem>>
      %dma_start3A_38 = arith.constant 0 : i32
      %dma_start3A_39 = tpu.memref_slice %arg7[%dma_start3A_38] : memref<10240xf32, #tpu.memory_space<vmem_shared>> -> memref<10240xf32, #tpu.memory_space<vmem_shared>>
      tpu.enqueue_indirect_dma source(%arg5 : memref<128xf32, #tpu.memory_space<vmem>>) target(%dma_start3A_39 : memref<10240xf32, #tpu.memory_space<vmem_shared>>) offsets(%dma_start3A_37 : memref<128xi32, #tpu.memory_space<vmem>>) semaphore(%arg8 : memref<!tpu.dma_semaphore, #tpu.memory_space<semaphore_mem>>) {add = true}
      %mul3A_40 = arith.constant 8 : i32
      %mul3A_41 = arith.muli %scan3A_22, %mul3A_40 : i32
      %add3A_42 = arith.constant 2 : i32
      %add3A_43 = arith.addi %mul3A_41, %add3A_42 : i32
      %dma_start3A_44 = arith.constant 0 : i32
      %dma_start3A_45 = tpu.memref_slice %arg4[%add3A_43, %dma_start3A_44] : memref<80x128xi32, #tpu.memory_space<vmem>> -> memref<1x128xi32, #tpu.memory_space<vmem>>
      %dma_start3A_46 = tpu.memref_squeeze %dma_start3A_45 : memref<1x128xi32, #tpu.memory_space<vmem>> -> memref<128xi32, #tpu.memory_space<vmem>>
      %dma_start3A_47 = arith.constant 0 : i32
      %dma_start3A_48 = tpu.memref_slice %arg7[%dma_start3A_47] : memref<10240xf32, #tpu.memory_space<vmem_shared>> -> memref<10240xf32, #tpu.memory_space<vmem_shared>>
      tpu.enqueue_indirect_dma source(%arg5 : memref<128xf32, #tpu.memory_space<vmem>>) target(%dma_start3A_48 : memref<10240xf32, #tpu.memory_space<vmem_shared>>) offsets(%dma_start3A_46 : memref<128xi32, #tpu.memory_space<vmem>>) semaphore(%arg8 : memref<!tpu.dma_semaphore, #tpu.memory_space<semaphore_mem>>) {add = true}
      %mul3A_49 = arith.constant 8 : i32
      %mul3A_50 = arith.muli %scan3A_22, %mul3A_49 : i32
      %add3A_51 = arith.constant 3 : i32
      %add3A_52 = arith.addi %mul3A_50, %add3A_51 : i32
      %dma_start3A_53 = arith.constant 0 : i32
      %dma_start3A_54 = tpu.memref_slice %arg4[%add3A_52, %dma_start3A_53] : memref<80x128xi32, #tpu.memory_space<vmem>> -> memref<1x128xi32, #tpu.memory_space<vmem>>
      %dma_start3A_55 = tpu.memref_squeeze %dma_start3A_54 : memref<1x128xi32, #tpu.memory_space<vmem>> -> memref<128xi32, #tpu.memory_space<vmem>>
      %dma_start3A_56 = arith.constant 0 : i32
      %dma_start3A_57 = tpu.memref_slice %arg7[%dma_start3A_56] : memref<10240xf32, #tpu.memory_space<vmem_shared>> -> memref<10240xf32, #tpu.memory_space<vmem_shared>>
      tpu.enqueue_indirect_dma source(%arg5 : memref<128xf32, #tpu.memory_space<vmem>>) target(%dma_start3A_57 : memref<10240xf32, #tpu.memory_space<vmem_shared>>) offsets(%dma_start3A_55 : memref<128xi32, #tpu.memory_space<vmem>>) semaphore(%arg8 : memref<!tpu.dma_semaphore, #tpu.memory_space<semaphore_mem>>) {add = true}
      %mul3A_58 = arith.constant 8 : i32
      %mul3A_59 = arith.muli %scan3A_22, %mul3A_58 : i32
      %add3A_60 = arith.constant 4 : i32
      %add3A_61 = arith.addi %mul3A_59, %add3A_60 : i32
      %dma_start3A_62 = arith.constant 0 : i32
      %dma_start3A_63 = tpu.memref_slice %arg4[%add3A_61, %dma_start3A_62] : memref<80x128xi32, #tpu.memory_space<vmem>> -> memref<1x128xi32, #tpu.memory_space<vmem>>
      %dma_start3A_64 = tpu.memref_squeeze %dma_start3A_63 : memref<1x128xi32, #tpu.memory_space<vmem>> -> memref<128xi32, #tpu.memory_space<vmem>>
      %dma_start3A_65 = arith.constant 0 : i32
      %dma_start3A_66 = tpu.memref_slice %arg7[%dma_start3A_65] : memref<10240xf32, #tpu.memory_space<vmem_shared>> -> memref<10240xf32, #tpu.memory_space<vmem_shared>>
      tpu.enqueue_indirect_dma source(%arg5 : memref<128xf32, #tpu.memory_space<vmem>>) target(%dma_start3A_66 : memref<10240xf32, #tpu.memory_space<vmem_shared>>) offsets(%dma_start3A_64 : memref<128xi32, #tpu.memory_space<vmem>>) semaphore(%arg8 : memref<!tpu.dma_semaphore, #tpu.memory_space<semaphore_mem>>) {add = true}
      %mul3A_67 = arith.constant 8 : i32
      %mul3A_68 = arith.muli %scan3A_22, %mul3A_67 : i32
      %add3A_69 = arith.constant 5 : i32
      %add3A_70 = arith.addi %mul3A_68, %add3A_69 : i32
      %dma_start3A_71 = arith.constant 0 : i32
      %dma_start3A_72 = tpu.memref_slice %arg4[%add3A_70, %dma_start3A_71] : memref<80x128xi32, #tpu.memory_space<vmem>> -> memref<1x128xi32, #tpu.memory_space<vmem>>
      %dma_start3A_73 = tpu.memref_squeeze %dma_start3A_72 : memref<1x128xi32, #tpu.memory_space<vmem>> -> memref<128xi32, #tpu.memory_space<vmem>>
      %dma_start3A_74 = arith.constant 0 : i32
      %dma_start3A_75 = tpu.memref_slice %arg7[%dma_start3A_74] : memref<10240xf32, #tpu.memory_space<vmem_shared>> -> memref<10240xf32, #tpu.memory_space<vmem_shared>>
      tpu.enqueue_indirect_dma source(%arg5 : memref<128xf32, #tpu.memory_space<vmem>>) target(%dma_start3A_75 : memref<10240xf32, #tpu.memory_space<vmem_shared>>) offsets(%dma_start3A_73 : memref<128xi32, #tpu.memory_space<vmem>>) semaphore(%arg8 : memref<!tpu.dma_semaphore, #tpu.memory_space<semaphore_mem>>) {add = true}
      %mul3A_76 = arith.constant 8 : i32
      %mul3A_77 = arith.muli %scan3A_22, %mul3A_76 : i32
      %add3A_78 = arith.constant 6 : i32
      %add3A_79 = arith.addi %mul3A_77, %add3A_78 : i32
      %dma_start3A_80 = arith.constant 0 : i32
      %dma_start3A_81 = tpu.memref_slice %arg4[%add3A_79, %dma_start3A_80] : memref<80x128xi32, #tpu.memory_space<vmem>> -> memref<1x128xi32, #tpu.memory_space<vmem>>
      %dma_start3A_82 = tpu.memref_squeeze %dma_start3A_81 : memref<1x128xi32, #tpu.memory_space<vmem>> -> memref<128xi32, #tpu.memory_space<vmem>>
      %dma_start3A_83 = arith.constant 0 : i32
      %dma_start3A_84 = tpu.memref_slice %arg7[%dma_start3A_83] : memref<10240xf32, #tpu.memory_space<vmem_shared>> -> memref<10240xf32, #tpu.memory_space<vmem_shared>>
      tpu.enqueue_indirect_dma source(%arg5 : memref<128xf32, #tpu.memory_space<vmem>>) target(%dma_start3A_84 : memref<10240xf32, #tpu.memory_space<vmem_shared>>) offsets(%dma_start3A_82 : memref<128xi32, #tpu.memory_space<vmem>>) semaphore(%arg8 : memref<!tpu.dma_semaphore, #tpu.memory_space<semaphore_mem>>) {add = true}
      %mul3A_85 = arith.constant 8 : i32
      %mul3A_86 = arith.muli %scan3A_22, %mul3A_85 : i32
      %add3A_87 = arith.constant 7 : i32
      %add3A_88 = arith.addi %mul3A_86, %add3A_87 : i32
      %dma_start3A_89 = arith.constant 0 : i32
      %dma_start3A_90 = tpu.memref_slice %arg4[%add3A_88, %dma_start3A_89] : memref<80x128xi32, #tpu.memory_space<vmem>> -> memref<1x128xi32, #tpu.memory_space<vmem>>
      %dma_start3A_91 = tpu.memref_squeeze %dma_start3A_90 : memref<1x128xi32, #tpu.memory_space<vmem>> -> memref<128xi32, #tpu.memory_space<vmem>>
      %dma_start3A_92 = arith.constant 0 : i32
      %dma_start3A_93 = tpu.memref_slice %arg7[%dma_start3A_92] : memref<10240xf32, #tpu.memory_space<vmem_shared>> -> memref<10240xf32, #tpu.memory_space<vmem_shared>>
      tpu.enqueue_indirect_dma source(%arg5 : memref<128xf32, #tpu.memory_space<vmem>>) target(%dma_start3A_93 : memref<10240xf32, #tpu.memory_space<vmem_shared>>) offsets(%dma_start3A_91 : memref<128xi32, #tpu.memory_space<vmem>>) semaphore(%arg8 : memref<!tpu.dma_semaphore, #tpu.memory_space<semaphore_mem>>) {add = true}
      %dma_wait3A = arith.constant 0 : i32
      %dma_wait3A_94 = tpu.memref_slice %arg4[%add3A_26, %dma_wait3A] : memref<80x128xi32, #tpu.memory_space<vmem>> -> memref<1x128xi32, #tpu.memory_space<vmem>>
      %dma_wait3A_95 = tpu.memref_squeeze %dma_wait3A_94 : memref<1x128xi32, #tpu.memory_space<vmem>> -> memref<128xi32, #tpu.memory_space<vmem>>
      %dma_wait3A_96 = arith.constant 0 : i32
      %dma_wait3A_97 = tpu.memref_slice %arg7[%dma_wait3A_96] : memref<10240xf32, #tpu.memory_space<vmem_shared>> -> memref<10240xf32, #tpu.memory_space<vmem_shared>>
      tpu.wait_indirect_dma semaphore(%arg8 : memref<!tpu.dma_semaphore, #tpu.memory_space<semaphore_mem>>) src(%arg5 : memref<128xf32, #tpu.memory_space<vmem>>) dst(%dma_wait3A_97 : memref<10240xf32, #tpu.memory_space<vmem_shared>>)
      %dma_wait3A_98 = arith.constant 0 : i32
      %dma_wait3A_99 = tpu.memref_slice %arg4[%add3A_34, %dma_wait3A_98] : memref<80x128xi32, #tpu.memory_space<vmem>> -> memref<1x128xi32, #tpu.memory_space<vmem>>
      %dma_wait3A_100 = tpu.memref_squeeze %dma_wait3A_99 : memref<1x128xi32, #tpu.memory_space<vmem>> -> memref<128xi32, #tpu.memory_space<vmem>>
      %dma_wait3A_101 = arith.constant 0 : i32
      %dma_wait3A_102 = tpu.memref_slice %arg7[%dma_wait3A_101] : memref<10240xf32, #tpu.memory_space<vmem_shared>> -> memref<10240xf32, #tpu.memory_space<vmem_shared>>
      tpu.wait_indirect_dma semaphore(%arg8 : memref<!tpu.dma_semaphore, #tpu.memory_space<semaphore_mem>>) src(%arg5 : memref<128xf32, #tpu.memory_space<vmem>>) dst(%dma_wait3A_102 : memref<10240xf32, #tpu.memory_space<vmem_shared>>)
      %dma_wait3A_103 = arith.constant 0 : i32
      %dma_wait3A_104 = tpu.memref_slice %arg4[%add3A_43, %dma_wait3A_103] : memref<80x128xi32, #tpu.memory_space<vmem>> -> memref<1x128xi32, #tpu.memory_space<vmem>>
      %dma_wait3A_105 = tpu.memref_squeeze %dma_wait3A_104 : memref<1x128xi32, #tpu.memory_space<vmem>> -> memref<128xi32, #tpu.memory_space<vmem>>
      %dma_wait3A_106 = arith.constant 0 : i32
      %dma_wait3A_107 = tpu.memref_slice %arg7[%dma_wait3A_106] : memref<10240xf32, #tpu.memory_space<vmem_shared>> -> memref<10240xf32, #tpu.memory_space<vmem_shared>>
      tpu.wait_indirect_dma semaphore(%arg8 : memref<!tpu.dma_semaphore, #tpu.memory_space<semaphore_mem>>) src(%arg5 : memref<128xf32, #tpu.memory_space<vmem>>) dst(%dma_wait3A_107 : memref<10240xf32, #tpu.memory_space<vmem_shared>>)
      %dma_wait3A_108 = arith.constant 0 : i32
      %dma_wait3A_109 = tpu.memref_slice %arg4[%add3A_52, %dma_wait3A_108] : memref<80x128xi32, #tpu.memory_space<vmem>> -> memref<1x128xi32, #tpu.memory_space<vmem>>
      %dma_wait3A_110 = tpu.memref_squeeze %dma_wait3A_109 : memref<1x128xi32, #tpu.memory_space<vmem>> -> memref<128xi32, #tpu.memory_space<vmem>>
      %dma_wait3A_111 = arith.constant 0 : i32
      %dma_wait3A_112 = tpu.memref_slice %arg7[%dma_wait3A_111] : memref<10240xf32, #tpu.memory_space<vmem_shared>> -> memref<10240xf32, #tpu.memory_space<vmem_shared>>
      tpu.wait_indirect_dma semaphore(%arg8 : memref<!tpu.dma_semaphore, #tpu.memory_space<semaphore_mem>>) src(%arg5 : memref<128xf32, #tpu.memory_space<vmem>>) dst(%dma_wait3A_112 : memref<10240xf32, #tpu.memory_space<vmem_shared>>)
      %dma_wait3A_113 = arith.constant 0 : i32
      %dma_wait3A_114 = tpu.memref_slice %arg4[%add3A_61, %dma_wait3A_113] : memref<80x128xi32, #tpu.memory_space<vmem>> -> memref<1x128xi32, #tpu.memory_space<vmem>>
      %dma_wait3A_115 = tpu.memref_squeeze %dma_wait3A_114 : memref<1x128xi32, #tpu.memory_space<vmem>> -> memref<128xi32, #tpu.memory_space<vmem>>
      %dma_wait3A_116 = arith.constant 0 : i32
      %dma_wait3A_117 = tpu.memref_slice %arg7[%dma_wait3A_116] : memref<10240xf32, #tpu.memory_space<vmem_shared>> -> memref<10240xf32, #tpu.memory_space<vmem_shared>>
      tpu.wait_indirect_dma semaphore(%arg8 : memref<!tpu.dma_semaphore, #tpu.memory_space<semaphore_mem>>) src(%arg5 : memref<128xf32, #tpu.memory_space<vmem>>) dst(%dma_wait3A_117 : memref<10240xf32, #tpu.memory_space<vmem_shared>>)
      %dma_wait3A_118 = arith.constant 0 : i32
      %dma_wait3A_119 = tpu.memref_slice %arg4[%add3A_70, %dma_wait3A_118] : memref<80x128xi32, #tpu.memory_space<vmem>> -> memref<1x128xi32, #tpu.memory_space<vmem>>
      %dma_wait3A_120 = tpu.memref_squeeze %dma_wait3A_119 : memref<1x128xi32, #tpu.memory_space<vmem>> -> memref<128xi32, #tpu.memory_space<vmem>>
      %dma_wait3A_121 = arith.constant 0 : i32
      %dma_wait3A_122 = tpu.memref_slice %arg7[%dma_wait3A_121] : memref<10240xf32, #tpu.memory_space<vmem_shared>> -> memref<10240xf32, #tpu.memory_space<vmem_shared>>
      tpu.wait_indirect_dma semaphore(%arg8 : memref<!tpu.dma_semaphore, #tpu.memory_space<semaphore_mem>>) src(%arg5 : memref<128xf32, #tpu.memory_space<vmem>>) dst(%dma_wait3A_122 : memref<10240xf32, #tpu.memory_space<vmem_shared>>)
      %dma_wait3A_123 = arith.constant 0 : i32
      %dma_wait3A_124 = tpu.memref_slice %arg4[%add3A_79, %dma_wait3A_123] : memref<80x128xi32, #tpu.memory_space<vmem>> -> memref<1x128xi32, #tpu.memory_space<vmem>>
      %dma_wait3A_125 = tpu.memref_squeeze %dma_wait3A_124 : memref<1x128xi32, #tpu.memory_space<vmem>> -> memref<128xi32, #tpu.memory_space<vmem>>
      %dma_wait3A_126 = arith.constant 0 : i32
      %dma_wait3A_127 = tpu.memref_slice %arg7[%dma_wait3A_126] : memref<10240xf32, #tpu.memory_space<vmem_shared>> -> memref<10240xf32, #tpu.memory_space<vmem_shared>>
      tpu.wait_indirect_dma semaphore(%arg8 : memref<!tpu.dma_semaphore, #tpu.memory_space<semaphore_mem>>) src(%arg5 : memref<128xf32, #tpu.memory_space<vmem>>) dst(%dma_wait3A_127 : memref<10240xf32, #tpu.memory_space<vmem_shared>>)
      %dma_wait3A_128 = arith.constant 0 : i32
      %dma_wait3A_129 = tpu.memref_slice %arg4[%add3A_88, %dma_wait3A_128] : memref<80x128xi32, #tpu.memory_space<vmem>> -> memref<1x128xi32, #tpu.memory_space<vmem>>
      %dma_wait3A_130 = tpu.memref_squeeze %dma_wait3A_129 : memref<1x128xi32, #tpu.memory_space<vmem>> -> memref<128xi32, #tpu.memory_space<vmem>>
      %dma_wait3A_131 = arith.constant 0 : i32
      %dma_wait3A_132 = tpu.memref_slice %arg7[%dma_wait3A_131] : memref<10240xf32, #tpu.memory_space<vmem_shared>> -> memref<10240xf32, #tpu.memory_space<vmem_shared>>
      tpu.wait_indirect_dma semaphore(%arg8 : memref<!tpu.dma_semaphore, #tpu.memory_space<semaphore_mem>>) src(%arg5 : memref<128xf32, #tpu.memory_space<vmem>>) dst(%dma_wait3A_132 : memref<10240xf32, #tpu.memory_space<vmem_shared>>)
    }
    %scan3A_16 = arith.constant 10 : i32
    %barrier3A_17 = arith.constant 0 : index
    tpu.barrier barrier_id(%barrier3A_17)
    %mul3A_18 = arith.constant 640 : i32
    %mul3A_19 = arith.muli %arg1, %mul3A_18 : i32
    %mul3A_20 = arith.constant 640 : i32
    %mul3A_21 = arith.muli %arg1, %mul3A_20 : i32
    "tpu.region"() ({
      %run_scoped3A = tpu.sem_alloc : memref<!tpu.dma_semaphore, #tpu.memory_space<semaphore_mem>>
      %dma_start3A = tpu.memref_slice %arg3[%arg0, %mul3A_21] : memref<2x10240xf32, #tpu.memory_space<hbm>> -> memref<1x640xf32, #tpu.memory_space<hbm>>
      %dma_start3A_22 = tpu.memref_squeeze %dma_start3A : memref<1x640xf32, #tpu.memory_space<hbm>> -> memref<640xf32, #tpu.memory_space<hbm>>
      %dma_start3A_23 = tpu.memref_slice %arg7[%mul3A_19] : memref<10240xf32, #tpu.memory_space<vmem_shared>> -> memref<640xf32, #tpu.memory_space<vmem_shared>>
      tpu.enqueue_dma source(%dma_start3A_23 : memref<640xf32, #tpu.memory_space<vmem_shared>>) target(%dma_start3A_22 : memref<640xf32, #tpu.memory_space<hbm>>) target_semaphore(%run_scoped3A : memref<!tpu.dma_semaphore, #tpu.memory_space<semaphore_mem>>)
      %dma_wait3A = tpu.memref_slice %arg3[%arg0, %mul3A_21] : memref<2x10240xf32, #tpu.memory_space<hbm>> -> memref<1x640xf32, #tpu.memory_space<hbm>>
      %dma_wait3A_24 = tpu.memref_squeeze %dma_wait3A : memref<1x640xf32, #tpu.memory_space<hbm>> -> memref<640xf32, #tpu.memory_space<hbm>>
      %dma_wait3A_25 = tpu.memref_slice %arg7[%mul3A_19] : memref<10240xf32, #tpu.memory_space<vmem_shared>> -> memref<640xf32, #tpu.memory_space<vmem_shared>>
      tpu.wait_dma2 semaphore(%run_scoped3A : memref<!tpu.dma_semaphore, #tpu.memory_space<semaphore_mem>>) src(%dma_wait3A_25 : memref<640xf32, #tpu.memory_space<vmem_shared>>) dst(%dma_wait3A_24 : memref<640xf32, #tpu.memory_space<hbm>>)
      tpu.yield
    }) : () -> ()
    return
  }
}

module attributes {stable_mosaic.version = 14 : i64} {
  func.func @_mm1_body(%arg0: i32, %arg1: memref<1000x128xf32, #tpu.memory_space<vmem>>, %arg2: memref<128x128xf32, #tpu.memory_space<vmem>>, %arg3: memref<1000x1xf32, #tpu.memory_space<vmem>>, %arg4: memref<1000x1xf32, #tpu.memory_space<vmem>>, %arg5: memref<1000x128xf32, #tpu.memory_space<vmem>>, %arg6: memref<1000x1xf32, #tpu.memory_space<vmem>>) attributes {dimension_semantics = [#tpu.dimension_semantics<arbitrary>], iteration_bounds = array<i64: 10>, scalar_prefetch = 0 : i64, scratch_operands = 0 : i64, tpu.core_type = #tpu.core_type<tc>, window_params = [{transform_indices = @transform_0, window_bounds = array<i64: 1000, 128>}, {pipeline_mode = #tpu.pipeline_mode<synchronous>, transform_indices = @transform_1, window_bounds = array<i64: 128, 128>}, {transform_indices = @transform_2, window_bounds = array<i64: 1000, 1>}, {transform_indices = @transform_3, window_bounds = array<i64: 1000, 1>}, {transform_indices = @transform_4, window_bounds = array<i64: 1000, 128>}, {transform_indices = @transform_5, window_bounds = array<i64: 1000, 1>}]} {
    %get3A = arith.constant 0 : index
    %get3A_0 = arith.constant 0 : index
    %get3A_1 = vector.load %arg3[%get3A, %get3A_0] : memref<1000x1xf32, #tpu.memory_space<vmem>>, vector<1000x1xf32>
    %get3A_2 = arith.constant 0 : index
    %get3A_3 = arith.constant 0 : index
    %get3A_4 = vector.load %arg4[%get3A_2, %get3A_3] : memref<1000x1xf32, #tpu.memory_space<vmem>>, vector<1000x1xf32>
    %add3A = arith.addf %get3A_1, %get3A_4 : vector<1000x1xf32>
    %add3A_5 = arith.constant 1.000000e+00 : f32
    %add3A_6 = vector.broadcast %add3A_5 : f32 to vector<1000x1xf32>
    %add3A_7 = arith.addf %add3A, %add3A_6 : vector<1000x1xf32>
    %rsqrt3A = math.rsqrt %add3A_7 : vector<1000x1xf32>
    %get3A_8 = arith.constant 0 : index
    %get3A_9 = arith.constant 0 : index
    %get3A_10 = vector.load %arg1[%get3A_8, %get3A_9] : memref<1000x128xf32, #tpu.memory_space<vmem>>, vector<1000x128xf32>
    %get3A_11 = arith.constant 0 : index
    %get3A_12 = arith.constant 0 : index
    %get3A_13 = vector.load %arg2[%get3A_11, %get3A_12] : memref<128x128xf32, #tpu.memory_space<vmem>>, vector<128x128xf32>
    %dot_general3A = arith.constant dense<0.000000e+00> : vector<1000x128xf32>
    %dot_general3A_14 = tpu.matmul %get3A_10, %get3A_13, %dot_general3A {dimension_numbers = #tpu.dot_dimension_numbers<[1], [0], [0], [1], [0, 0, 1, 1], [], []>, transpose_lhs_hint = false} : vector<1000x128xf32>, vector<128x128xf32>, vector<1000x128xf32> -> vector<1000x128xf32>
    %mul3A = vector.broadcast %rsqrt3A : vector<1000x1xf32> to vector<1000x128xf32>
    %mul3A_15 = arith.mulf %dot_general3A_14, %mul3A : vector<1000x128xf32>
    %swap3A = arith.constant 0 : index
    %swap3A_16 = arith.constant 0 : index
    %swap3A_17 = vector.load %arg5[%swap3A, %swap3A_16] : memref<1000x128xf32, #tpu.memory_space<vmem>>, vector<1000x128xf32>
    tpu.vector_store %arg5[%swap3A, %swap3A_16], %mul3A_15 {strides = array<i32>} : memref<1000x128xf32, #tpu.memory_space<vmem>>, vector<1000x128xf32>,
    %swap3A_18 = arith.constant 0 : index
    %swap3A_19 = arith.constant 0 : index
    %swap3A_20 = vector.load %arg6[%swap3A_18, %swap3A_19] : memref<1000x1xf32, #tpu.memory_space<vmem>>, vector<1000x1xf32>
    tpu.vector_store %arg6[%swap3A_18, %swap3A_19], %rsqrt3A {strides = array<i32>} : memref<1000x1xf32, #tpu.memory_space<vmem>>, vector<1000x1xf32>,
    return
  }
  func.func @transform_0(%arg0: i32) -> (i32, i32) {
    %c0_i32 = arith.constant 0 : i32
    %c0_i32_0 = arith.constant 0 : i32
    return %arg0, %c0_i32 : i32, i32
  }
  func.func @transform_1(%arg0: i32) -> (i32, i32) {
    %c0_i32 = arith.constant 0 : i32
    %c0_i32_0 = arith.constant 0 : i32
    %c0_i32_1 = arith.constant 0 : i32
    return %c0_i32, %c0_i32_0 : i32, i32
  }
  func.func @transform_2(%arg0: i32) -> (i32, i32) {
    %c0_i32 = arith.constant 0 : i32
    %c0_i32_0 = arith.constant 0 : i32
    return %arg0, %c0_i32 : i32, i32
  }
  func.func @transform_3(%arg0: i32) -> (i32, i32) {
    %c0_i32 = arith.constant 0 : i32
    %c0_i32_0 = arith.constant 0 : i32
    return %arg0, %c0_i32 : i32, i32
  }
  func.func @transform_4(%arg0: i32) -> (i32, i32) {
    %c0_i32 = arith.constant 0 : i32
    %c0_i32_0 = arith.constant 0 : i32
    return %arg0, %c0_i32 : i32, i32
  }
  func.func @transform_5(%arg0: i32) -> (i32, i32) {
    %c0_i32 = arith.constant 0 : i32
    %c0_i32_0 = arith.constant 0 : i32
    return %arg0, %c0_i32 : i32, i32
  }
}

module attributes {stable_mosaic.version = 14 : i64} {
  func.func @_mm2_body(%arg0: i32, %arg1: memref<2x1000x128xf32, #tpu.memory_space<vmem>>, %arg2: memref<1000x128xf32, #tpu.memory_space<vmem>>, %arg3: memref<1000x1xf32, #tpu.memory_space<vmem>>, %arg4: memref<1x128xf32, #tpu.memory_space<vmem>>, %arg5: memref<128x128xf32, #tpu.memory_space<vmem>>, %arg6: memref<1000x128xf32, #tpu.memory_space<vmem>>) attributes {dimension_semantics = [#tpu.dimension_semantics<arbitrary>], iteration_bounds = array<i64: 10>, scalar_prefetch = 0 : i64, scratch_operands = 0 : i64, tpu.core_type = #tpu.core_type<tc>, window_params = [{transform_indices = @transform_0, window_bounds = array<i64: 2, 1000, 128>}, {transform_indices = @transform_1, window_bounds = array<i64: 1000, 128>}, {transform_indices = @transform_2, window_bounds = array<i64: 1000, 1>}, {pipeline_mode = #tpu.pipeline_mode<synchronous>, transform_indices = @transform_3, window_bounds = array<i64: 1, 128>}, {pipeline_mode = #tpu.pipeline_mode<synchronous>, transform_indices = @transform_4, window_bounds = array<i64: 128, 128>}, {transform_indices = @transform_5, window_bounds = array<i64: 1000, 128>}]} {
    %get3A = arith.constant 0 : index
    %get3A_0 = arith.constant 0 : index
    %get3A_1 = vector.load %arg3[%get3A, %get3A_0] : memref<1000x1xf32, #tpu.memory_space<vmem>>, vector<1000x1xf32>
    %get3A_2 = arith.constant 0 : index
    %get3A_3 = arith.constant 0 : index
    %get3A_4 = arith.constant 0 : index
    %get3A_5 = vector.load %arg1[%get3A_2, %get3A_3, %get3A_4] : memref<2x1000x128xf32, #tpu.memory_space<vmem>>, vector<1x1000x128xf32>
    %get3A_6 = vector.shape_cast %get3A_5 : vector<1x1000x128xf32> to vector<1000x128xf32>
    %get3A_7 = arith.constant 1 : index
    %get3A_8 = arith.constant 0 : index
    %get3A_9 = arith.constant 0 : index
    %get3A_10 = vector.load %arg1[%get3A_7, %get3A_8, %get3A_9] : memref<2x1000x128xf32, #tpu.memory_space<vmem>>, vector<1x1000x128xf32>
    %get3A_11 = vector.shape_cast %get3A_10 : vector<1x1000x128xf32> to vector<1000x128xf32>
    %add3A = arith.addf %get3A_6, %get3A_11 : vector<1000x128xf32>
    %get3A_12 = arith.constant 0 : index
    %get3A_13 = arith.constant 0 : index
    %get3A_14 = vector.load %arg2[%get3A_12, %get3A_13] : memref<1000x128xf32, #tpu.memory_space<vmem>>, vector<1000x128xf32>
    %add3A_15 = arith.addf %add3A, %get3A_14 : vector<1000x128xf32>
    %mul3A = vector.broadcast %get3A_1 : vector<1000x1xf32> to vector<1000x128xf32>
    %mul3A_16 = arith.mulf %mul3A, %add3A_15 : vector<1000x128xf32>
    %get3A_17 = arith.constant 0 : index
    %get3A_18 = arith.constant 0 : index
    %get3A_19 = vector.load %arg4[%get3A_17, %get3A_18] : memref<1x128xf32, #tpu.memory_space<vmem>>, vector<1x128xf32>
    %add3A_20 = vector.broadcast %get3A_19 : vector<1x128xf32> to vector<1000x128xf32>
    %add3A_21 = arith.addf %mul3A_16, %add3A_20 : vector<1000x128xf32>
    %max3A = arith.constant 0.000000e+00 : f32
    %max3A_22 = vector.broadcast %max3A : f32 to vector<1000x128xf32>
    %max3A_23 = arith.maximumf %add3A_21, %max3A_22 : vector<1000x128xf32>
    %get3A_24 = arith.constant 0 : index
    %get3A_25 = arith.constant 0 : index
    %get3A_26 = vector.load %arg5[%get3A_24, %get3A_25] : memref<128x128xf32, #tpu.memory_space<vmem>>, vector<128x128xf32>
    %dot_general3A = arith.constant dense<0.000000e+00> : vector<1000x128xf32>
    %dot_general3A_27 = tpu.matmul %max3A_23, %get3A_26, %dot_general3A {dimension_numbers = #tpu.dot_dimension_numbers<[1], [0], [0], [1], [0, 0, 1, 1], [], []>, transpose_lhs_hint = false} : vector<1000x128xf32>, vector<128x128xf32>, vector<1000x128xf32> -> vector<1000x128xf32>
    %mul3A_28 = vector.broadcast %get3A_1 : vector<1000x1xf32> to vector<1000x128xf32>
    %mul3A_29 = arith.mulf %dot_general3A_27, %mul3A_28 : vector<1000x128xf32>
    %swap3A = arith.constant 0 : index
    %swap3A_30 = arith.constant 0 : index
    %swap3A_31 = vector.load %arg6[%swap3A, %swap3A_30] : memref<1000x128xf32, #tpu.memory_space<vmem>>, vector<1000x128xf32>
    tpu.vector_store %arg6[%swap3A, %swap3A_30], %mul3A_29 {strides = array<i32>} : memref<1000x128xf32, #tpu.memory_space<vmem>>, vector<1000x128xf32>,
    return
  }
  func.func @transform_0(%arg0: i32) -> (i32, i32, i32) {
    %c0_i32 = arith.constant 0 : i32
    %c0_i32_0 = arith.constant 0 : i32
    %c0_i32_1 = arith.constant 0 : i32
    return %c0_i32, %arg0, %c0_i32_0 : i32, i32, i32
  }
  func.func @transform_1(%arg0: i32) -> (i32, i32) {
    %c0_i32 = arith.constant 0 : i32
    %c0_i32_0 = arith.constant 0 : i32
    return %arg0, %c0_i32 : i32, i32
  }
  func.func @transform_2(%arg0: i32) -> (i32, i32) {
    %c0_i32 = arith.constant 0 : i32
    %c0_i32_0 = arith.constant 0 : i32
    return %arg0, %c0_i32 : i32, i32
  }
  func.func @transform_3(%arg0: i32) -> (i32, i32) {
    %c0_i32 = arith.constant 0 : i32
    %c0_i32_0 = arith.constant 0 : i32
    %c0_i32_1 = arith.constant 0 : i32
    return %c0_i32, %c0_i32_0 : i32, i32
  }
  func.func @transform_4(%arg0: i32) -> (i32, i32) {
    %c0_i32 = arith.constant 0 : i32
    %c0_i32_0 = arith.constant 0 : i32
    %c0_i32_1 = arith.constant 0 : i32
    return %c0_i32, %c0_i32_0 : i32, i32
  }
  func.func @transform_5(%arg0: i32) -> (i32, i32) {
    %c0_i32 = arith.constant 0 : i32
    %c0_i32_0 = arith.constant 0 : i32
    return %arg0, %c0_i32 : i32, i32
  }
}

module attributes {stable_mosaic.version = 14 : i64} {
  func.func @_heads_body(%arg0: i32, %arg1: memref<2x1000x128xf32, #tpu.memory_space<vmem>>, %arg2: memref<1000x128xf32, #tpu.memory_space<vmem>>, %arg3: memref<1000x1xf32, #tpu.memory_space<vmem>>, %arg4: memref<1x128xf32, #tpu.memory_space<vmem>>, %arg5: memref<1000x1xi32, #tpu.memory_space<vmem>>, %arg6: memref<128x128xf32, #tpu.memory_space<vmem>>, %arg7: memref<1x128xf32, #tpu.memory_space<vmem>>, %arg8: memref<128x128xf32, #tpu.memory_space<vmem>>, %arg9: memref<1x128xf32, #tpu.memory_space<vmem>>, %arg10: memref<128x1xf32, #tpu.memory_space<vmem>>, %arg11: memref<1x1xf32, #tpu.memory_space<vmem>>, %arg12: memref<128x1xf32, #tpu.memory_space<vmem>>, %arg13: memref<1x1xf32, #tpu.memory_space<vmem>>, %arg14: memref<128x1xf32, #tpu.memory_space<vmem>>, %arg15: memref<1x1xf32, #tpu.memory_space<vmem>>, %arg16: memref<1000x1xf32, #tpu.memory_space<vmem>>, %arg17: memref<1000x1xf32, #tpu.memory_space<vmem>>) attributes {dimension_semantics = [#tpu.dimension_semantics<arbitrary>], iteration_bounds = array<i64: 10>, scalar_prefetch = 0 : i64, scratch_operands = 0 : i64, tpu.core_type = #tpu.core_type<tc>, window_params = [{transform_indices = @transform_0, window_bounds = array<i64: 2, 1000, 128>}, {transform_indices = @transform_1, window_bounds = array<i64: 1000, 128>}, {transform_indices = @transform_2, window_bounds = array<i64: 1000, 1>}, {pipeline_mode = #tpu.pipeline_mode<synchronous>, transform_indices = @transform_3, window_bounds = array<i64: 1, 128>}, {transform_indices = @transform_4, window_bounds = array<i64: 1000, 1>}, {pipeline_mode = #tpu.pipeline_mode<synchronous>, transform_indices = @transform_5, window_bounds = array<i64: 128, 128>}, {pipeline_mode = #tpu.pipeline_mode<synchronous>, transform_indices = @transform_6, window_bounds = array<i64: 1, 128>}, {pipeline_mode = #tpu.pipeline_mode<synchronous>, transform_indices = @transform_7, window_bounds = array<i64: 128, 128>}, {pipeline_mode = #tpu.pipeline_mode<synchronous>, transform_indices = @transform_8, window_bounds = array<i64: 1, 128>}, {pipeline_mode = #tpu.pipeline_mode<synchronous>, transform_indices = @transform_9, window_bounds = array<i64: 128, 1>}, {pipeline_mode = #tpu.pipeline_mode<synchronous>, transform_indices = @transform_10, window_bounds = array<i64: 1, 1>}, {pipeline_mode = #tpu.pipeline_mode<synchronous>, transform_indices = @transform_11, window_bounds = array<i64: 128, 1>}, {pipeline_mode = #tpu.pipeline_mode<synchronous>, transform_indices = @transform_12, window_bounds = array<i64: 1, 1>}, {pipeline_mode = #tpu.pipeline_mode<synchronous>, transform_indices = @transform_13, window_bounds = array<i64: 128, 1>}, {pipeline_mode = #tpu.pipeline_mode<synchronous>, transform_indices = @transform_14, window_bounds = array<i64: 1, 1>}, {transform_indices = @transform_15, window_bounds = array<i64: 1000, 1>}, {transform_indices = @transform_16, window_bounds = array<i64: 1000, 1>}]} {
    %get3A = arith.constant 0 : index
    %get3A_0 = arith.constant 0 : index
    %get3A_1 = vector.load %arg3[%get3A, %get3A_0] : memref<1000x1xf32, #tpu.memory_space<vmem>>, vector<1000x1xf32>
    %get3A_2 = arith.constant 0 : index
    %get3A_3 = arith.constant 0 : index
    %get3A_4 = arith.constant 0 : index
    %get3A_5 = vector.load %arg1[%get3A_2, %get3A_3, %get3A_4] : memref<2x1000x128xf32, #tpu.memory_space<vmem>>, vector<1x1000x128xf32>
    %get3A_6 = vector.shape_cast %get3A_5 : vector<1x1000x128xf32> to vector<1000x128xf32>
    %get3A_7 = arith.constant 1 : index
    %get3A_8 = arith.constant 0 : index
    %get3A_9 = arith.constant 0 : index
    %get3A_10 = vector.load %arg1[%get3A_7, %get3A_8, %get3A_9] : memref<2x1000x128xf32, #tpu.memory_space<vmem>>, vector<1x1000x128xf32>
    %get3A_11 = vector.shape_cast %get3A_10 : vector<1x1000x128xf32> to vector<1000x128xf32>
    %add3A = arith.addf %get3A_6, %get3A_11 : vector<1000x128xf32>
    %get3A_12 = arith.constant 0 : index
    %get3A_13 = arith.constant 0 : index
    %get3A_14 = vector.load %arg2[%get3A_12, %get3A_13] : memref<1000x128xf32, #tpu.memory_space<vmem>>, vector<1000x128xf32>
    %add3A_15 = arith.addf %add3A, %get3A_14 : vector<1000x128xf32>
    %mul3A = vector.broadcast %get3A_1 : vector<1000x1xf32> to vector<1000x128xf32>
    %mul3A_16 = arith.mulf %mul3A, %add3A_15 : vector<1000x128xf32>
    %get3A_17 = arith.constant 0 : index
    %get3A_18 = arith.constant 0 : index
    %get3A_19 = vector.load %arg4[%get3A_17, %get3A_18] : memref<1x128xf32, #tpu.memory_space<vmem>>, vector<1x128xf32>
    %add3A_20 = vector.broadcast %get3A_19 : vector<1x128xf32> to vector<1000x128xf32>
    %add3A_21 = arith.addf %mul3A_16, %add3A_20 : vector<1000x128xf32>
    %max3A = arith.constant 0.000000e+00 : f32
    %max3A_22 = vector.broadcast %max3A : f32 to vector<1000x128xf32>
    %max3A_23 = arith.maximumf %add3A_21, %max3A_22 : vector<1000x128xf32>
    %get3A_24 = arith.constant 0 : index
    %get3A_25 = arith.constant 0 : index
    %get3A_26 = vector.load %arg6[%get3A_24, %get3A_25] : memref<128x128xf32, #tpu.memory_space<vmem>>, vector<128x128xf32>
    %dot_general3A = arith.constant dense<0.000000e+00> : vector<1000x128xf32>
    %dot_general3A_27 = tpu.matmul %max3A_23, %get3A_26, %dot_general3A {dimension_numbers = #tpu.dot_dimension_numbers<[1], [0], [0], [1], [0, 0, 1, 1], [], []>, transpose_lhs_hint = false} : vector<1000x128xf32>, vector<128x128xf32>, vector<1000x128xf32> -> vector<1000x128xf32>
    %get3A_28 = arith.constant 0 : index
    %get3A_29 = arith.constant 0 : index
    %get3A_30 = vector.load %arg7[%get3A_28, %get3A_29] : memref<1x128xf32, #tpu.memory_space<vmem>>, vector<1x128xf32>
    %add3A_31 = vector.broadcast %get3A_30 : vector<1x128xf32> to vector<1000x128xf32>
    %add3A_32 = arith.addf %dot_general3A_27, %add3A_31 : vector<1000x128xf32>
    %max3A_33 = arith.constant 0.000000e+00 : f32
    %max3A_34 = vector.broadcast %max3A_33 : f32 to vector<1000x128xf32>
    %max3A_35 = arith.maximumf %add3A_32, %max3A_34 : vector<1000x128xf32>
    %get3A_36 = arith.constant 0 : index
    %get3A_37 = arith.constant 0 : index
    %get3A_38 = vector.load %arg8[%get3A_36, %get3A_37] : memref<128x128xf32, #tpu.memory_space<vmem>>, vector<128x128xf32>
    %dot_general3A_39 = arith.constant dense<0.000000e+00> : vector<1000x128xf32>
    %dot_general3A_40 = tpu.matmul %max3A_23, %get3A_38, %dot_general3A_39 {dimension_numbers = #tpu.dot_dimension_numbers<[1], [0], [0], [1], [0, 0, 1, 1], [], []>, transpose_lhs_hint = false} : vector<1000x128xf32>, vector<128x128xf32>, vector<1000x128xf32> -> vector<1000x128xf32>
    %get3A_41 = arith.constant 0 : index
    %get3A_42 = arith.constant 0 : index
    %get3A_43 = vector.load %arg9[%get3A_41, %get3A_42] : memref<1x128xf32, #tpu.memory_space<vmem>>, vector<1x128xf32>
    %add3A_44 = vector.broadcast %get3A_43 : vector<1x128xf32> to vector<1000x128xf32>
    %add3A_45 = arith.addf %dot_general3A_40, %add3A_44 : vector<1000x128xf32>
    %max3A_46 = arith.constant 0.000000e+00 : f32
    %max3A_47 = vector.broadcast %max3A_46 : f32 to vector<1000x128xf32>
    %max3A_48 = arith.maximumf %add3A_45, %max3A_47 : vector<1000x128xf32>
    %get3A_49 = arith.constant 0 : index
    %get3A_50 = arith.constant 0 : index
    %get3A_51 = vector.load %arg10[%get3A_49, %get3A_50] : memref<128x1xf32, #tpu.memory_space<vmem>>, vector<128x1xf32>
    %dot_general3A_52 = arith.constant dense<0.000000e+00> : vector<1000x1xf32>
    %dot_general3A_53 = tpu.matmul %max3A_35, %get3A_51, %dot_general3A_52 {dimension_numbers = #tpu.dot_dimension_numbers<[1], [0], [0], [1], [0, 0, 1, 1], [], []>, transpose_lhs_hint = false} : vector<1000x128xf32>, vector<128x1xf32>, vector<1000x1xf32> -> vector<1000x1xf32>
    %get3A_54 = arith.constant 0 : index
    %get3A_55 = arith.constant 0 : index
    %get3A_56 = vector.load %arg11[%get3A_54, %get3A_55] : memref<1x1xf32, #tpu.memory_space<vmem>>, vector<1x1xf32>
    %get3A_57 = vector.extract %get3A_56[0, 0] : f32 from vector<1x1xf32>
    %add3A_58 = vector.broadcast %get3A_57 : f32 to vector<1000x1xf32>
    %add3A_59 = arith.addf %dot_general3A_53, %add3A_58 : vector<1000x1xf32>
    %get3A_60 = arith.constant 0 : index
    %get3A_61 = arith.constant 0 : index
    %get3A_62 = vector.load %arg12[%get3A_60, %get3A_61] : memref<128x1xf32, #tpu.memory_space<vmem>>, vector<128x1xf32>
    %dot_general3A_63 = arith.constant dense<0.000000e+00> : vector<1000x1xf32>
    %dot_general3A_64 = tpu.matmul %max3A_48, %get3A_62, %dot_general3A_63 {dimension_numbers = #tpu.dot_dimension_numbers<[1], [0], [0], [1], [0, 0, 1, 1], [], []>, transpose_lhs_hint = false} : vector<1000x128xf32>, vector<128x1xf32>, vector<1000x1xf32> -> vector<1000x1xf32>
    %get3A_65 = arith.constant 0 : index
    %get3A_66 = arith.constant 0 : index
    %get3A_67 = vector.load %arg13[%get3A_65, %get3A_66] : memref<1x1xf32, #tpu.memory_space<vmem>>, vector<1x1xf32>
    %get3A_68 = vector.extract %get3A_67[0, 0] : f32 from vector<1x1xf32>
    %add3A_69 = vector.broadcast %get3A_68 : f32 to vector<1000x1xf32>
    %add3A_70 = arith.addf %dot_general3A_64, %add3A_69 : vector<1000x1xf32>
    %get3A_71 = arith.constant 0 : index
    %get3A_72 = arith.constant 0 : index
    %get3A_73 = vector.load %arg5[%get3A_71, %get3A_72] : memref<1000x1xi32, #tpu.memory_space<vmem>>, vector<1000x1xi32>
    %gt3A = arith.constant 0 : i32
    %gt3A_74 = vector.broadcast %gt3A : i32 to vector<1000x1xi32>
    %gt3A_75 = arith.cmpi sgt, %get3A_73, %gt3A_74 : vector<1000x1xi32>
    %select_n3A = arith.select %gt3A_75, %add3A_70, %add3A_59 : vector<1000x1xi1>, vector<1000x1xf32>
    %swap3A = arith.constant 0 : index
    %swap3A_76 = arith.constant 0 : index
    %swap3A_77 = vector.load %arg17[%swap3A, %swap3A_76] : memref<1000x1xf32, #tpu.memory_space<vmem>>, vector<1000x1xf32>
    tpu.vector_store %arg17[%swap3A, %swap3A_76], %select_n3A {strides = array<i32>} : memref<1000x1xf32, #tpu.memory_space<vmem>>, vector<1000x1xf32>,
    %get3A_78 = arith.constant 0 : index
    %get3A_79 = arith.constant 0 : index
    %get3A_80 = vector.load %arg14[%get3A_78, %get3A_79] : memref<128x1xf32, #tpu.memory_space<vmem>>, vector<128x1xf32>
    %dot_general3A_81 = arith.constant dense<0.000000e+00> : vector<1000x1xf32>
    %dot_general3A_82 = tpu.matmul %max3A_23, %get3A_80, %dot_general3A_81 {dimension_numbers = #tpu.dot_dimension_numbers<[1], [0], [0], [1], [0, 0, 1, 1], [], []>, transpose_lhs_hint = false} : vector<1000x128xf32>, vector<128x1xf32>, vector<1000x1xf32> -> vector<1000x1xf32>
    %get3A_83 = arith.constant 0 : index
    %get3A_84 = arith.constant 0 : index
    %get3A_85 = vector.load %arg15[%get3A_83, %get3A_84] : memref<1x1xf32, #tpu.memory_space<vmem>>, vector<1x1xf32>
    %get3A_86 = vector.extract %get3A_85[0, 0] : f32 from vector<1x1xf32>
    %add3A_87 = vector.broadcast %get3A_86 : f32 to vector<1000x1xf32>
    %add3A_88 = arith.addf %dot_general3A_82, %add3A_87 : vector<1000x1xf32>
    %logistic3A = arith.negf %add3A_88 : vector<1000x1xf32>
    %logistic3A_89 = math.exp %logistic3A : vector<1000x1xf32>
    %logistic3A_90 = arith.constant 1.000000e+00 : f32
    %logistic3A_91 = vector.broadcast %logistic3A_90 : f32 to vector<1000x1xf32>
    %logistic3A_92 = arith.addf %logistic3A_91, %logistic3A_89 : vector<1000x1xf32>
    %logistic3A_93 = arith.divf %logistic3A_91, %logistic3A_92 : vector<1000x1xf32>
    %swap3A_94 = arith.constant 0 : index
    %swap3A_95 = arith.constant 0 : index
    %swap3A_96 = vector.load %arg16[%swap3A_94, %swap3A_95] : memref<1000x1xf32, #tpu.memory_space<vmem>>, vector<1000x1xf32>
    tpu.vector_store %arg16[%swap3A_94, %swap3A_95], %logistic3A_93 {strides = array<i32>} : memref<1000x1xf32, #tpu.memory_space<vmem>>, vector<1000x1xf32>,
    return
  }
  func.func @transform_0(%arg0: i32) -> (i32, i32, i32) {
    %c0_i32 = arith.constant 0 : i32
    %c0_i32_0 = arith.constant 0 : i32
    %c0_i32_1 = arith.constant 0 : i32
    return %c0_i32, %arg0, %c0_i32_0 : i32, i32, i32
  }
  func.func @transform_1(%arg0: i32) -> (i32, i32) {
    %c0_i32 = arith.constant 0 : i32
    %c0_i32_0 = arith.constant 0 : i32
    return %arg0, %c0_i32 : i32, i32
  }
  func.func @transform_2(%arg0: i32) -> (i32, i32) {
    %c0_i32 = arith.constant 0 : i32
    %c0_i32_0 = arith.constant 0 : i32
    return %arg0, %c0_i32 : i32, i32
  }
  func.func @transform_3(%arg0: i32) -> (i32, i32) {
    %c0_i32 = arith.constant 0 : i32
    %c0_i32_0 = arith.constant 0 : i32
    %c0_i32_1 = arith.constant 0 : i32
    return %c0_i32, %c0_i32_0 : i32, i32
  }
  func.func @transform_4(%arg0: i32) -> (i32, i32) {
    %c0_i32 = arith.constant 0 : i32
    %c0_i32_0 = arith.constant 0 : i32
    return %arg0, %c0_i32 : i32, i32
  }
  func.func @transform_5(%arg0: i32) -> (i32, i32) {
    %c0_i32 = arith.constant 0 : i32
    %c0_i32_0 = arith.constant 0 : i32
    %c0_i32_1 = arith.constant 0 : i32
    return %c0_i32, %c0_i32_0 : i32, i32
  }
  func.func @transform_6(%arg0: i32) -> (i32, i32) {
    %c0_i32 = arith.constant 0 : i32
    %c0_i32_0 = arith.constant 0 : i32
    %c0_i32_1 = arith.constant 0 : i32
    return %c0_i32, %c0_i32_0 : i32, i32
  }
  func.func @transform_7(%arg0: i32) -> (i32, i32) {
    %c0_i32 = arith.constant 0 : i32
    %c0_i32_0 = arith.constant 0 : i32
    %c0_i32_1 = arith.constant 0 : i32
    return %c0_i32, %c0_i32_0 : i32, i32
  }
  func.func @transform_8(%arg0: i32) -> (i32, i32) {
    %c0_i32 = arith.constant 0 : i32
    %c0_i32_0 = arith.constant 0 : i32
    %c0_i32_1 = arith.constant 0 : i32
    return %c0_i32, %c0_i32_0 : i32, i32
  }
  func.func @transform_9(%arg0: i32) -> (i32, i32) {
    %c0_i32 = arith.constant 0 : i32
    %c0_i32_0 = arith.constant 0 : i32
    %c0_i32_1 = arith.constant 0 : i32
    return %c0_i32, %c0_i32_0 : i32, i32
  }
  func.func @transform_10(%arg0: i32) -> (i32, i32) {
    %c0_i32 = arith.constant 0 : i32
    %c0_i32_0 = arith.constant 0 : i32
    %c0_i32_1 = arith.constant 0 : i32
    return %c0_i32, %c0_i32_0 : i32, i32
  }
  func.func @transform_11(%arg0: i32) -> (i32, i32) {
    %c0_i32 = arith.constant 0 : i32
    %c0_i32_0 = arith.constant 0 : i32
    %c0_i32_1 = arith.constant 0 : i32
    return %c0_i32, %c0_i32_0 : i32, i32
  }
  func.func @transform_12(%arg0: i32) -> (i32, i32) {
    %c0_i32 = arith.constant 0 : i32
    %c0_i32_0 = arith.constant 0 : i32
    %c0_i32_1 = arith.constant 0 : i32
    return %c0_i32, %c0_i32_0 : i32, i32
  }
  func.func @transform_13(%arg0: i32) -> (i32, i32) {
    %c0_i32 = arith.constant 0 : i32
    %c0_i32_0 = arith.constant 0 : i32
    %c0_i32_1 = arith.constant 0 : i32
    return %c0_i32, %c0_i32_0 : i32, i32
  }
  func.func @transform_14(%arg0: i32) -> (i32, i32) {
    %c0_i32 = arith.constant 0 : i32
    %c0_i32_0 = arith.constant 0 : i32
    %c0_i32_1 = arith.constant 0 : i32
    return %c0_i32, %c0_i32_0 : i32, i32
  }
  func.func @transform_15(%arg0: i32) -> (i32, i32) {
    %c0_i32 = arith.constant 0 : i32
    %c0_i32_0 = arith.constant 0 : i32
    return %arg0, %c0_i32 : i32, i32
  }
  func.func @transform_16(%arg0: i32) -> (i32, i32) {
    %c0_i32 = arith.constant 0 : i32
    %c0_i32_0 = arith.constant 0 : i32
    return %arg0, %c0_i32 : i32, i32
  }
}

</mosaic_0001>

<sc_bundles>
// kernel: kernel.11.cloned.1.call-start
scs
__scs_entry_jumppad:
0x0: {  	(pc) =	sbr.rel $0x88, $3  }
0x1: {  	(tag) =	ssettag $0x0;
	lr =	simm.s32 $0x1  }
0x2: {  	[smem:$0x3F90] =	sst lr;
	_ =	strace $0xD0000000  }
0x3: {  	_ = 	snop  }
0x4: {  	_ = 	snop  }
0x5: {  	_ = 	snop  }
0x6: {  	_ = 	snop  }
0x7: {  	_ = 	snop  }
__scs_overlays_trampoline_lowered:
0x8: {  	[smem:$0x3F9F] =	sst s0  }
0x9: {  	[smem:$0x3FA0] =	sst s1  }
0xa: {  	[smem:$0x3FA1] =	sst s2  }
0xb: {  	[smem:$0x3FA2] =	sst s3  }
0xc: {  	[smem:$0x3FA3] =	sst s4  }
0xd: {  	[smem:$0x3FA4] =	sst s5  }
0xe: {  	[smem:$0x3FA5] =	sst s6  }
0xf: {  	[smem:$0x3FA6] =	sst s7  }
0x10: {  	[smem:$0x3FA7] =	sst s8  }
0x11: {  	[smem:$0x3FA8] =	sst s9;
	s0 =	simm.s32 @!p0 $0x0  }
0x12: {  	s1 =	sld [smem:$0x3F8E];
	s0 =	simm.s32 @p0 $0x1  }
0x13: {  	[smem:$0x3FA9] =	sst s0;
	s0 =	simm.s32 @!p1 $0x0  }
0x14: {  	s2 =	sld [smem:$0x3F8D];
	s0 =	simm.s32 @p1 $0x1  }
0x15: {  	[smem:$0x3FAA] =	sst s0;
	s0 =	simm.s32 @!p2 $0x0  }
0x16: {  	s3 =	sld [smem:$0x3FDB];
	s0 =	simm.s32 @p2 $0x1  }
0x17: {  	s4 =	simm.s32 $0x1BF5;
	[smem:$0x3FAC] =	sst s0  }
0x18: {  	s0 =	sld [smem:$0x3F8F];
	_ =	swait.ge [sflag:s4], $0x0  }
0x19: {  	s7 =	sld [smem:$0x3F90]  }
0x1a: {  	s8 =	sadd.s32 $0xFFFFE003, lr  }
0x1b: {  	s9 =	sadd.s32 $0xFFFFFEF7, lr;
	s5 =	simm.s32 $0xFFFFFFFF;
	p2 =	slt.u32 s8, $0xFFFFF086  }
0x1c: {  	p1 =	slt.u32 s9, $0xF7A;
	s5 =	simm.s32 @!p2 $0x0  }
0x1d: {  	s5 =	simm.s32 @p1 $0x1;
	p0 =	seq.s32 s7, s2  }
0x1e: {  	s7 =	smul.u32 @!p0 $0xF7A, s2;
	p2 =	seq.s32 @!p0 s5, $0x0  }
0x1f: {  	s9 =	smul.u32 $0xF7A, s1;
	s8 =	simm.s32 @!p0 $0x1BF5;
	p2 =	por !p2, p0  }
0x20: {  	[sflag:s8] =	ssyncset.s32 @!p0 $0xFFFFF086;
	s6 =	sadd.s32 @!p0 s3, s7;
	s7 =	simm.s32 @!p0 $0x108  }
0x21: {  	s3 =	sadd.s32 s3, s9;
	s6 =	sadd.s32 @!p0 $0x88, s6;
	s7 =	simm.s32 @p2 $0x1082  }
0x22: {  	[simem:s7], [sflag:s8] =	dma.local @!p0 [hbm:s6], $0xF7A  }
0x23: {  	s9 =	sor.u32 $0xD0000000, s2;
	s6 =	simm.s32 $0x108;
	_ =	swait.ge @!p0 [sflag:s8], $0x0  }
0x24: {  	s3 =	sadd.s32 $0x88, s3;
	s6 =	simm.s32 @!p1 $0x1082;
	[sflag:s4] =	ssyncset.s32 $0xFFFFF086  }
0x25: {  	[simem:s6], [sflag:s4] =	dma.local [hbm:s3], $0xF7A  }
0x26: {  	[smem:$0x3F90] =	sst s1;
	(tag) =	ssettag s2;
	_ =	strace s9  }
0x27: {  	s1 =	sld [smem:$0x3FA0]  }
0x28: {  	s2 =	sld [smem:$0x3FA1]  }
0x29: {  	s4 =	sld [smem:$0x3FA3]  }
0x2a: {  	p0 =	seq.s32 s5, $0x0;
	s5 =	sld [smem:$0x3FA4]  }
0x2b: {  	s6 =	sld [smem:$0x3FA5]  }
0x2c: {  	s7 =	sld [smem:$0x3FA6]  }
0x2d: {  	s3 =	simm.s32 $0x108;
	s8 =	sld [smem:$0x3FA7]  }
0x2e: {  	s3 =	simm.s32 @!p0 $0x1082;
	s9 =	sld [smem:$0x3FA8]  }
0x2f: {  	lr =	sadd.s32 s0, s3;
	s0 =	sld [smem:$0x3F9F]  }
0x30: {  	s3 =	sld [smem:$0x3FA2]  }
0x31: {  	[smem:$0x3FAB] =	sst s10  }
0x32: {  	s10 =	sld [smem:$0x3FA9];
	_ =	sdelay $0x3  }
0x33: {  	p0 =	seq.s32 s10, $0x1;
	s10 =	sld [smem:$0x3FAB];
	_ =	sdelay $0x3  }
0x34: {  	[smem:$0x3FAB] =	sst s10  }
0x35: {  	s10 =	sld [smem:$0x3FAA];
	_ =	sdelay $0x3  }
0x36: {  	p1 =	seq.s32 s10, $0x1;
	s10 =	sld [smem:$0x3FAB];
	_ =	sdelay $0x3  }
0x37: {  	[smem:$0x3FAB] =	sst s10  }
0x38: {  	s10 =	sld [smem:$0x3FAC]  }
0x39: {  	_ = 	snop;
	(pc) =	sbr.ind lr, $3  }
0x3a: {  	_ = 	snop  }
0x3b: {  	_ = 	snop  }
0x3c: {  	p2 =	seq.s32 s10, $0x1;
	s10 =	sld [smem:$0x3FAB]  }
0x3d: {  	_ =	shalt  }
0x3e: {  	_ =	shalt  }
0x3f: {  	_ =	shalt  }
0x40: {  	_ =	shalt  }
0x41: {  	_ =	shalt  }
0x42: {  	_ =	shalt  }
0x43: {  	_ =	shalt  }
0x44: {  	_ =	shalt  }
0x45: {  	_ =	shalt  }
0x46: {  	_ =	shalt  }
0x47: {  	_ =	shalt  }
0x48: {  	_ =	shalt  }
0x49: {  	_ =	shalt  }
0x4a: {  	_ =	shalt  }
0x4b: {  	_ =	shalt  }
0x4c: {  	_ =	shalt  }
0x4d: {  	_ =	shalt  }
0x4e: {  	_ =	shalt  }
0x4f: {  	_ =	shalt  }
0x50: {  	_ =	shalt  }
0x51: {  	_ =	shalt  }
0x52: {  	_ =	shalt  }
0x53: {  	_ =	shalt  }
0x54: {  	_ =	shalt  }
0x55: {  	_ =	shalt  }
0x56: {  	_ =	shalt  }
0x57: {  	_ =	shalt  }
0x58: {  	_ =	shalt  }
0x59: {  	_ =	shalt  }
0x5a: {  	_ =	shalt  }
0x5b: {  	_ =	shalt  }
0x5c: {  	_ =	shalt  }
0x5d: {  	_ =	shalt  }
0x5e: {  	_ =	shalt  }
0x5f: {  	_ =	shalt  }
0x60: {  	_ =	shalt  }
0x61: {  	_ =	shalt  }
0x62: {  	_ =	shalt  }
0x63: {  	_ =	shalt  }
0x64: {  	_ =	shalt  }
0x65: {  	_ =	shalt  }
0x66: {  	_ =	shalt  }
0x67: {  	_ =	shalt  }
0x68: {  	_ =	shalt  }
0x69: {  	_ =	shalt  }
0x6a: {  	_ =	shalt  }
0x6b: {  	_ =	shalt  }
0x6c: {  	_ =	shalt  }
0x6d: {  	_ =	shalt  }
0x6e: {  	_ =	shalt  }
0x6f: {  	_ =	shalt  }
0x70: {  	_ =	shalt  }
0x71: {  	_ =	shalt  }
0x72: {  	_ =	shalt  }
0x73: {  	_ =	shalt  }
0x74: {  	_ =	shalt  }
0x75: {  	_ =	shalt  }
0x76: {  	_ =	shalt  }
0x77: {  	_ =	shalt  }
0x78: {  	_ =	shalt  }
0x79: {  	_ =	shalt  }
0x7a: {  	_ =	shalt  }
0x7b: {  	_ =	shalt  }
0x7c: {  	_ =	shalt  }
0x7d: {  	_ =	shalt  }
0x7e: {  	_ =	shalt  }
0x7f: {  	_ =	shalt  }
0x80: {  	_ =	shalt  }
0x81: {  	_ =	shalt  }
0x82: {  	_ =	shalt  }
0x83: {  	_ =	shalt  }
0x84: {  	_ =	shalt  }
0x85: {  	_ =	shalt  }
0x86: {  	_ =	shalt  }
0x87: {  	_ =	shalt  }
.Lfunc_end0:
.L_simem_size_0:
called_computation.1_lowered:
.L_overlay_start_0:
0x88: {  	s2 =	sld [smem:$0x3FD9]  }
0x89: {  	s3 =	sld [smem:$0x3FFE];
	_ =	sdelay $0x1  }
0x8a: {  	s1 =	srdreg.scid  }
0x8b: {  	s0 =	sand.u32 $0x1, s1  }
0x8c: {  	s16 =	sshll.u32 s0, $0xA;
	s2 =	sadd.s32 s3, s2  }
0x8d: {  	s2 =	sadd.s32 s2, s16  }
0x8e: {  	[smem:$0x3FB7] =	sst s2  }
0x8f: {  	_ = 	snop  }
0x90: {  	(tm) =	ssettm $0x1  }
0x91: {  	s17 =	sld [smem:$0x3FFB];
	_ =	sdelay $0x3  }
0x92: {  	_ =	strace s17  }
0x93: {  	s2 =	sld [smem:$0x3FFC];
	_ =	sdelay $0x3  }
0x94: {  	_ =	strace s2  }
0x95: {  	s2 =	sld [smem:$0x3FFD];
	_ =	sdelay $0x3  }
0x96: {  	_ =	strace s2  }
0x97: {  	_ =	strace $0x8FFFFFFF  }
0x98: {  	s18 =	sld [smem:$0x3FDB];
	_ =	sdelay $0x1  }
0x99: {  	s19 =	simm.s32 $_scs_section_size  }
0x9a: {  	s4 =	simm.s32 $_size__tile_overlayer_lowered;
	s5 =	simm.s32 $_tile_overlayer_lowered  }
0x9b: {  	s22 =	simm.s32 $0x1BFF;
	s21 =	sshll.u32 s5, $0x1;
	s2 =	sadd.s32 s19, s18  }
0x9c: {  	s6 =	simm.s32 $0x0;
	s20 =	sshll.u32 s4, $0x1;
	s4 =	sadd.s32 s21, s2  }
0x9d: {  	[timem:s6], [sflag:s22] =	dma.local [hbm:s4], s20  }
0x9e: {  	_ =	swait.ge [sflag:s22], s20  }
0x9f: {  	s3 =	ssub.s32 $0x0, s20;
	[sflag:s22] =	ssyncset.done $0x0  }
0xa0: {  	[sflag:s22] =	ssyncadd.s32 s3;
	_ =	sdelay $0x1  }
0xa1: {  	s23 =	simm.s32 $0x1B8B  }
0xa2: {  	_ =	swait.ge [sflag:s23], $0x1  }
0xa3: {  	[sflag:s23] =	ssyncset.done $0x0  }
0xa4: {  	s25 =	simm.s32 $0x1B8E;
	s24 =	sld [smem:$0x3FFE];
	[sflag:s23] =	ssyncadd.s32 $0xFFFFFFFF  }
0xa5: {  	s26 =	simm.s32 $execute0_lowered;
	[smem:$0x3FD2] =	sst s25  }
0xa6: {  	s4 =	sshll.u32 s26, $0x1;
	_ =	strace $0x80000049;
	[dreg:$0x1] =	wrdreg $0xFFFFFFFF  }
0xa7: {  	s28 =	simm.s32 $_size_execute0_lowered;
	s2 =	sadd.s32 s2, s4;
	[dreg:$0x0] =	wrdreg $0x0  }
0xa8: {  	s4 =	sshll.u32 s28, $0x1;
	[dreg:$0x2] =	wrdreg s2  }
0xa9: {  	[dreg:$0x3] =	wrdreg s4  }
0xaa: {  	[dreg:$0x4] =	wrdreg $0xC0  }
0xab: {  	_ =	task [dreg:s6], $0x5FFFF  }
0xac: {  	[dreg:$0x1] =	wrdreg $0xFFFFFFFF  }
0xad: {  	[dreg:$0x0] =	wrdreg $0x60  }
0xae: {  	[dreg:$0x2] =	wrdreg s24  }
0xaf: {  	[dreg:$0x3] =	wrdreg $0x90000  }
0xb0: {  	[dreg:$0x4] =	wrdreg $0x9  }
0xb1: {  	_ =	task.clear_ibuf [dreg:s6], $0x5FFFF;
	_ =	strace $0x90000049  }
0xb2: {  	s29 =	simm.s32 $0x9;
	_ =	strace $0x8000004B  }
0xb3: {  	_ =	swait.ge [sflag:s29], $0x1  }
0xb4: {  	[sflag:s29] =	ssyncadd.s32 $0xFFFFFFFF  }
0xb5: {  	_ =	strace $0x9000004B  }
0xb6: {  	_ =	sfence  }
0xb7: {  	s30 =	sld [smem:$0x0];
	_ =	sdelay $0x2  }
0xb8: {  	s31 =	sshll.u32 s1, $0xD;
	s1 =	sshrl.u32 s1, $0x2  }
0xb9: {  	s3 =	sand.u32 $0x4000, s31;
	s1 =	sadd.s32 s1, s30  }
0xba: {  	s0 =	sor.u32 s3, s0;
	s1 =	sshll.u32 s1, $0x11  }
0xbb: {  	s0 =	sor.u32 s1, s0  }
0xbc: {  	s0 =	sadd.s32 $0x8F2B, s0  }
0xbd: {  	[sflag:s0] =	ssyncadd.remote.s32 $0x1  }
0xbe: {  	_ =	sfence.sel $0xFFFF  }
0xbf: {  	[dreg:$0x0] =	wrdreg $0xFFFFFFFF;
	(pc) =	sbr.abs _section_cstart, $3  }
0xc0: {  	[dreg:$0x1] =	wrdreg $0xFFFFFFFF  }
0xc1: {  	_ =	task.clear_ibuf [dreg:s6], $0x2FFFF;
	_ =	strace $0x9FFFFFFF  }
0xc2: {  	(tm) =	ssettm $0x7FFFFFFF  }
0xc3: {  	_ =	shalt  }
tec
execute0_lowered:
.L_overlay_start_1:
0x0: {  	(tag) =	ssettag $0x1  }
0x1: {  	s7 =	rddreg [dreg:$0x0]  }
0x2: {  	s1 =	rddreg [dreg:$0x1];
	s2 =	simm.s32 $0x0  }
0x3: {  	s3 =	srdreg.scid;
	s0 =	stileid.u32;
	s10 =	simm.s32 $0x12  }
0x4: {  	s19 =	simm.s32 $0x3;
	s20 =	simm.s32 $0x800;
	s21 =	simm.s32 $0x80  }
0x5: {  	s23 =	simm.s32 $0x1;
	s24 =	simm.s32 $0x2;
	s25 =	simm.s32 $0x0  }
0x6: {  	[smem:$0x7FF] =	sst s2;
	s6 =	sand.u32 $0x1, s3;
	s9 =	smul.u32 $0x14000, s0  }
0x7: {  	s4 =	sadd.s32 $0x22400, s7;
	s5 =	sadd.s32 $0x18400, s7;
	s13 =	smul.u32 $0x50000, s0  }
0x8: {  	_ =	strace $0x8000004A;
	s8 =	smul.u32 $0x140000, s6;
	p0 =	seq.s32 s6, $0x0  }
0x9: {  	s11 =	smul.u32 $0x120, s6;
	s12 =	ssub.s32 $0x2, s6;
	s6 =	sadd.s32 $0xDA00, s7  }
0xa: {  	s10 =	simm.s32 @!p0 $0x2;
	s29 =	sshrl.u32 s12, $0x1;
	s30 =	sshrl.u32 s13, $0x2  }
0xb: {  	s8 =	sadd.s32 s9, s8;
	s28 =	smul.u32 s0, s10;
	s15 =	ssub.s32 s12, s29  }
0xc: {  	s9 =	sadd.s32 s30, s1;
	s8 =	sshrl.u32 s8, $0x3;
	s13 =	smax.u32 s15, $0x1  }
0xd: {  	s15 =	sadd.s32 $0x8000, s9;
	s16 =	sadd.s32 $0xC000, s9;
	s17 =	sadd.s32 $0x10000, s9  }
0xe: {  	s14 =	sadd.s32 s8, s7;
	s7 =	sadd.s32 s11, s28;
	s8 =	sshll.u32 s10, $0x3  }
0xf: {  	s11 =	sshll.u32 s7, $0x7;
	s12 =	sadd.s32 $0x49600, s14;
	s18 =	sadd.s32 $0xFFFFFFFE, s8  }
0x10: {  	s14 =	sadd.s32 $0x4000, s9;
	s31 =	sadd.s32 s5, s11;
	[dreg:$0x3] =	wrdreg s18  }
0x11: {  	v0 =	vimm.f32 $0.0e+00;
	s11 =	sadd.s32 s6, s11;
	s18 =	simm.s32 $0x1000;
	[dreg:$0x4] =	wrdreg s31  }
.LBB2_1:
0x12: {  	s26 =	sand.u32 $0xFE00, s2  }
0x13: {  	s28 =	sand.u32 $0x70, s2;
	s29 =	sshrl.u32 s26, $0x2  }
0x14: {  	s26 =	simm.s32 $0x40;
	s29 =	sor.u32 s28, s29;
	s28 =	simm.s32 $0x0  }
.LBB2_2:
0x15: {  	p0 =	sne.s32 s26, $0xFFC0  }
0x16: {  	[tilespmem:s29+$0x1000] =	vst v0;
	s28 =	sadd.s32 $0x10, s28;
	s29 =	smov.u32 s26;
	s26 =	sadd.s32 $0x40, s26  }
.Ltmp0:
0x17: {  	(pc) =	sbr.rel @p0 .LBB2_2-.Ltmp0, $4  }
0x18: {  	_ = 	snop  }
0x19: {  	s29 =	sand.u32 $0xFE00, s29  }
0x1a: {  	s30 =	sand.u32 $0x70, s28;
	s29 =	sshrl.u32 s29, $0x2  }
0x1b: {  	s29 =	sor.u32 s30, s29  }
0x1c: {  	[tilespmem:s29+$0x1000] =	vst v0  }
0x1d: {  	[spmem:s9] =	stream.linear.scatter [tilespmem:s18], [sflag:$0x3], $0x4000, $0x38;
	[tilespmem:$0x1D000] =	vst v63  }
0x1e: {  	_ =	swait.ge [sflag:s19], $0x4000  }
0x1f: {  	[sflag:s19] =	ssyncset.done $0x0  }
0x20: {  	[sflag:s19] =	ssyncadd.s32 $0xFFFFC000  }
0x21: {  	[spmem:s14] =	stream.linear.scatter [tilespmem:s18], [sflag:$0x3], $0x4000, $0x38;
	[tilespmem:$0x1D000] =	vst v63  }
0x22: {  	_ =	swait.ge [sflag:s19], $0x4000  }
0x23: {  	[sflag:s19] =	ssyncset.done $0x0  }
0x24: {  	[sflag:s19] =	ssyncadd.s32 $0xFFFFC000  }
0x25: {  	[spmem:s15] =	stream.linear.scatter [tilespmem:s18], [sflag:$0x3], $0x4000, $0x38;
	[tilespmem:$0x1D000] =	vst v63  }
0x26: {  	_ =	swait.ge [sflag:s19], $0x4000  }
0x27: {  	[sflag:s19] =	ssyncset.done $0x0  }
0x28: {  	[sflag:s19] =	ssyncadd.s32 $0xFFFFC000  }
0x29: {  	[spmem:s16] =	stream.linear.scatter [tilespmem:s18], [sflag:$0x3], $0x4000, $0x38;
	[tilespmem:$0x1D000] =	vst v63  }
0x2a: {  	_ =	swait.ge [sflag:s19], $0x4000  }
0x2b: {  	[sflag:s19] =	ssyncset.done $0x0  }
0x2c: {  	[sflag:s19] =	ssyncadd.s32 $0xFFFFC000  }
0x2d: {  	[spmem:s17] =	stream.linear.scatter [tilespmem:s18], [sflag:$0x3], $0x4000, $0x38;
	[tilespmem:$0x1D000] =	vst v63  }
0x2e: {  	_ =	swait.ge [sflag:s19], $0x4000  }
0x2f: {  	[sflag:s19] =	ssyncset.done $0x0  }
0x30: {  	s0 =	rddreg [dreg:$0x4];
	[sflag:s19] =	ssyncadd.s32 $0xFFFFC000  }
0x31: {  	[tilespmem:s2], [sflag:$0x3] =	stream.linear.gather [hbm4b:s0+s2], $0x400, $0x38;
	[tilespmem:$0x1D000] =	vst v63  }
0x32: {  	_ =	swait.ge [sflag:s19], $0x400  }
0x33: {  	[sflag:s19] =	ssyncset.done $0x0  }
0x34: {  	[sflag:s19] =	ssyncadd.s32 $0xFFFFFC00  }
0x35: {  	[tilespmem:s20], [sflag:$0x3] =	stream.linear.gather [hbm4b:s11+s2], $0x400, $0x38;
	[tilespmem:$0x1D000] =	vst v63  }
0x36: {  	_ =	swait.ge [sflag:s19], $0x400  }
0x37: {  	[sflag:s19] =	ssyncset.done $0x0  }
0x38: {  	[sflag:s19] =	ssyncadd.s32 $0xFFFFFC00  }
0x39: {  	[bflag:$0x0] =	sbarrier.arrive $0xFFFF  }
0x3a: {  	[tilespmem:s18], [sflag:$0x1] =	stream.indirect.gather [hbm4b:s4+s21], $0x80, s2, s21, $0xb8;
	[tilespmem:$0x1D000] =	vst v63  }
0x3b: {  	s31 =	simm.s32 $0x5000;
	s26 =	simm.s32 $0x1  }
0x3c: {  	[tilespmem:s31], [sflag:$0x1] =	stream.indirect.gather [hbm4b:s4+s21], $0x80, s21, s21, $0xb8;
	[tilespmem:$0x1D000] =	vst v63  }
0x3d: {  	_ =	swait.ge [sflag:s26], $0x4000  }
0x3e: {  	[sflag:s26] =	ssyncset.done $0x0  }
0x3f: {  	[sflag:s26] =	ssyncadd.s32 $0xFFFFC000  }
0x40: {  	[spmem:s1] =	stream.indirect.scatter.add.f32 [tilespmem:s18], [sflag:$0x2], $0x80, s20, s21, $0xb8;
	[tilespmem:$0x1D000] =	vst v63  }
.LBB2_4:
0x41: {  	s28 =	smov.u32 s26;
	s26 =	sadd.s32 $0x1, s26  }
0x42: {  	s31 =	sand.u32 $0x7, s26  }
0x43: {  	p0 =	sne.s32 s31, $0x0  }
0x44: {  	s29 =	sshrl.u32 @!p0 s26, $0x3  }
0x45: {  	s29 =	sadd.s32 @!p0 s7, s29  }
0x46: {  	s29 =	sshll.u32 @!p0 s29, $0x7  }
0x47: {  	s30 =	sshll.u32 @!p0 s26, $0x7;
	s29 =	sand.u32 @!p0 $0x1FFFFF80, s29  }
0x48: {  	s3 =	simm.s32 @!p0 $0x0;
	s30 =	sand.u32 @!p0 $0x400, s30;
	s0 =	sadd.s32 @!p0 s5, s29  }
0x49: {  	[tilespmem:s30], [sflag:$0x3] =	stream.linear.gather @!p0 [hbm4b:s0+s3], $0x400, $0x38;
	[tilespmem:$0x1D000] =	vst v63  }
0x4a: {  	s0 =	simm.s32 @!p0 $0x3  }
0x4b: {  	_ =	swait.ge @!p0 [sflag:s0], $0x400  }
0x4c: {  	[sflag:s0] =	ssyncset.done @!p0 $0x0  }
0x4d: {  	s29 =	sadd.s32 @!p0 s6, s29;
	s30 =	sor.u32 @!p0 $0x800, s30;
	[sflag:s0] =	ssyncadd.s32 @!p0 $0xFFFFFC00  }
0x4e: {  	[tilespmem:s30], [sflag:$0x3] =	stream.linear.gather @!p0 [hbm4b:s29+s3], $0x400, $0x38;
	[tilespmem:$0x1D000] =	vst v63  }
0x4f: {  	_ =	swait.ge @!p0 [sflag:s0], $0x400  }
0x50: {  	[sflag:s0] =	ssyncset.done @!p0 $0x0  }
0x51: {  	s10 =	sshll.u32 s28, $0x7;
	s3 =	sshll.u32 s28, $0x10;
	[sflag:s0] =	ssyncadd.s32 @!p0 $0xFFFFFC00  }
0x52: {  	s30 =	sshll.u32 s26, $0x9;
	s0 =	sand.u32 $0x10000, s3;
	_ =	swait.ge [sflag:s23], $0x4000  }
0x53: {  	s3 =	sand.u32 $0x780, s10;
	s29 =	sshrl.u32 s0, $0x2;
	[sflag:s23] =	ssyncset.done $0x0  }
0x54: {  	s3 =	sor.u32 $0x800, s3;
	s29 =	sor.u32 $0x1000, s29;
	[sflag:s23] =	ssyncadd.s32 $0xFFFFC000  }
0x55: {  	[spmem:s1] =	stream.indirect.scatter.add.f32 [tilespmem:s29], [sflag:$0x2], $0x80, s3, s21, $0xb8;
	[tilespmem:$0x1D000] =	vst v63  }
0x56: {  	s22 =	sand.u32 $0x1000, s30;
	_ =	swait.ge [sflag:s24], $0x4000  }
0x57: {  	s29 =	sshrl.u32 s22, $0x2;
	s22 =	rddreg [dreg:$0x3]  }
0x58: {  	p0 =	sne.s32 s28, s22  }
.Ltmp1:
0x59: {  	_ = 	snop;
	(pc) =	sbr.rel @p0 .LBB2_4-.Ltmp1, $4  }
0x5a: {  	s0 =	sxor.u32 $0x10000, s0  }
0x5b: {  	s10 =	sshll.u32 s31, $0x7;
	s0 =	sshrl.u32 s0, $0x2;
	[sflag:s24] =	ssyncset.done $0x0  }
0x5c: {  	s0 =	sor.u32 $0x1000, s0;
	s3 =	sor.u32 s10, s29;
	[sflag:s24] =	ssyncadd.s32 $0xFFFFC000  }
0x5d: {  	[tilespmem:s0], [sflag:$0x1] =	stream.indirect.gather [hbm4b:s4+s21], $0x80, s3, s21, $0xb8;
	[tilespmem:$0x1D000] =	vst v63  }
0x5e: {  	s0 =	sadd.s32 $0x2, s28  }
0x5f: {  	s3 =	sand.u32 $0x7, s0;
	p0 =	sge.u32 s0, s8  }
0x60: {  	p1 =	sne.s32 @!p0 s3, $0x0  }
0x61: {  	p1 =	por p1, p0  }
0x62: {  	s28 =	sshrl.u32 @!p1 s0, $0x3  }
0x63: {  	s28 =	sadd.s32 @!p1 s7, s28  }
0x64: {  	s28 =	sshll.u32 @!p1 s28, $0x7  }
0x65: {  	s31 =	sshll.u32 @!p1 s0, $0x7;
	s28 =	sand.u32 @!p1 $0x1FFFFF80, s28  }
0x66: {  	s10 =	simm.s32 @!p1 $0x0;
	s31 =	sand.u32 @!p1 $0x400, s31;
	s22 =	sadd.s32 @!p1 s5, s28  }
0x67: {  	[tilespmem:s31], [sflag:$0x3] =	stream.linear.gather @!p1 [hbm4b:s22+s10], $0x400, $0x38;
	[tilespmem:$0x1D000] =	vst v63  }
0x68: {  	s22 =	simm.s32 @!p1 $0x3  }
0x69: {  	_ =	swait.ge @!p1 [sflag:s22], $0x400  }
0x6a: {  	[sflag:s22] =	ssyncset.done @!p1 $0x0  }
0x6b: {  	s28 =	sadd.s32 @!p1 s6, s28;
	s31 =	sor.u32 @!p1 $0x800, s31;
	[sflag:s22] =	ssyncadd.s32 @!p1 $0xFFFFFC00  }
0x6c: {  	[tilespmem:s31], [sflag:$0x3] =	stream.linear.gather @!p1 [hbm4b:s28+s10], $0x400, $0x38;
	[tilespmem:$0x1D000] =	vst v63  }
0x6d: {  	_ =	swait.ge @!p1 [sflag:s22], $0x400  }
0x6e: {  	s3 =	sshll.u32 @!p0 s3, $0x7;
	s0 =	sshll.u32 @!p0 s0, $0x7;
	[sflag:s22] =	ssyncset.done @!p1 $0x0  }
0x6f: {  	[sflag:s22] =	ssyncadd.s32 @!p1 $0xFFFFFC00;
	s22 =	sshll.u32 s26, $0x10;
	s26 =	sand.u32 $0xE00, s30  }
0x70: {  	s10 =	sand.u32 $0x10000, s22;
	_ =	swait.ge [sflag:s23], $0x4000;
	s22 =	sshrl.u32 s26, $0x2  }
0x71: {  	s28 =	sshrl.u32 s10, $0x2;
	[sflag:s23] =	ssyncset.done $0x0;
	s22 =	sadd.s32 s22, s29  }
0x72: {  	s26 =	sor.u32 $0x1000, s28;
	[sflag:s23] =	ssyncadd.s32 $0xFFFFC000;
	s22 =	sadd.s32 $0x800, s22  }
0x73: {  	[spmem:s1] =	stream.indirect.scatter.add.f32 [tilespmem:s26], [sflag:$0x2], $0x80, s22, s21, $0xb8;
	[tilespmem:$0x1D000] =	vst v63  }
0x74: {  	s0 =	sand.u32 @!p0 $0x400, s0;
	s10 =	sxor.u32 @!p0 $0x10000, s10;
	_ =	swait.ge [sflag:s24], $0x4000  }
0x75: {  	s0 =	sor.u32 @!p0 s3, s0;
	s10 =	sshrl.u32 @!p0 s10, $0x2;
	[sflag:s24] =	ssyncset.done $0x0  }
0x76: {  	s3 =	simm.s32 @!p0 $0x80;
	s10 =	sadd.s32 @!p0 $0x1000, s10;
	[sflag:s24] =	ssyncadd.s32 $0xFFFFC000  }
0x77: {  	[tilespmem:s10], [sflag:$0x1] =	stream.indirect.gather @!p0 [hbm4b:s4+s3], $0x80, s0, s3, $0xb8;
	[tilespmem:$0x1D000] =	vst v63  }
0x78: {  	s25 =	sadd.s32 $0x1, s25;
	_ =	swait.ge [sflag:s24], $0x4000  }
0x79: {  	s31 =	sshrl.u32 s9, $0x3;
	s30 =	stileid.u32;
	[sflag:s24] =	ssyncset.done $0x0  }
0x7a: {  	s0 =	sshll.u32 s30, $0x6;
	p0 =	sne.s32 s25, s13;
	[sflag:s24] =	ssyncadd.s32 $0xFFFFC000  }
.Ltmp2:
0x7b: {  	s0 =	sor.u32 $0x1C03, s0;
	[bflag:$0x0] =	sbarrier.arrive $0xFFFF;
	(pc) =	sbr.rel @p0 .LBB2_1-.Ltmp2, $4  }
0x7c: {  	[hbm:s12], [sflag:s0] =	dma.local [spmem:s31], $0x2800  }
0x7d: {  	_ =	swait.ge [sflag:s19], $0x2800  }
0x7e: {  	[sflag:s19] =	ssyncset.done $0x0  }
0x7f: {  	[sflag:s19] =	ssyncadd.s32 $0xFFFFD800  }
0x80: {  	_ =	sfence.sel $0x180000  }
0x81: {  	[bflag:$0x0] =	sbarrier.arrive $0xFFFF  }
0x82: {  	_ =	strace $0x9000004A  }
0x83: {  	s0 =	stileid.u32;
	[bflag:$0x2] =	sbarrier.arrive $0xFFFF  }
0x84: {  	p0 =	sne.s32 s0, $0x0;
	s0 =	rddreg [dreg:$0x2]  }
0x85: {  	s0 =	sadd.s32 @!p0 $0x100000, s0  }
0x86: {  	[sflag:s0] =	ssyncadd.tile.s32 @!p0 $0x1;
	_ =	shalt  }
.Lfunc_end2:
_tile_overlayer_lowered:
.L_overlay_start_2:
0x87: {  	(tag) =	ssettag $0x2  }
0x88: {  	s0 =	rddreg [dreg:$0x0];
	s2 =	stileid.u32  }
0x89: {  	s1 =	rddreg [dreg:$0x1];
	p0 =	sne.s32 s2, $0x0  }
0x8a: {  	s3 =	rddreg [dreg:$0x2];
	[bflag:$0x3] =	sbarrier.arrive $0xFFFF;
	s2 =	simm.s32 @!p0 $0x1C03  }
0x8b: {  	[timem:s3], [sflag:s2] =	dma.local @!p0 [hbm:s0], s1  }
0x8c: {  	s0 =	simm.s32 @!p0 $0x3  }
0x8d: {  	_ =	swait.ge @!p0 [sflag:s0], s1  }
0x8e: {  	s1 =	ssub.s32 @!p0 $0x0, s1;
	[sflag:s0] =	ssyncset.done @!p0 $0x0  }
0x8f: {  	[sflag:s0] =	ssyncadd.s32 @!p0 s1  }
0x90: {  	[bflag:$0x3] =	sbarrier.arrive $0xFFFF  }
0x91: {  	_ =	shalt  }

// kernel: kernel.14.cloned.1.call-start
scs
__scs_entry_jumppad:
0x0: {  	(pc) =	sbr.rel $0x88, $3  }
0x1: {  	(tag) =	ssettag $0x0;
	lr =	simm.s32 $0x1  }
0x2: {  	[smem:$0x3F90] =	sst lr;
	_ =	strace $0xD0000000  }
0x3: {  	_ = 	snop  }
0x4: {  	_ = 	snop  }
0x5: {  	_ = 	snop  }
0x6: {  	_ = 	snop  }
0x7: {  	_ = 	snop  }
__scs_overlays_trampoline_lowered:
0x8: {  	[smem:$0x3F9F] =	sst s0  }
0x9: {  	[smem:$0x3FA0] =	sst s1  }
0xa: {  	[smem:$0x3FA1] =	sst s2  }
0xb: {  	[smem:$0x3FA2] =	sst s3  }
0xc: {  	[smem:$0x3FA3] =	sst s4  }
0xd: {  	[smem:$0x3FA4] =	sst s5  }
0xe: {  	[smem:$0x3FA5] =	sst s6  }
0xf: {  	[smem:$0x3FA6] =	sst s7  }
0x10: {  	[smem:$0x3FA7] =	sst s8  }
0x11: {  	[smem:$0x3FA8] =	sst s9;
	s0 =	simm.s32 @!p0 $0x0  }
0x12: {  	s1 =	sld [smem:$0x3F8E];
	s0 =	simm.s32 @p0 $0x1  }
0x13: {  	[smem:$0x3FA9] =	sst s0;
	s0 =	simm.s32 @!p1 $0x0  }
0x14: {  	s2 =	sld [smem:$0x3F8D];
	s0 =	simm.s32 @p1 $0x1  }
0x15: {  	[smem:$0x3FAA] =	sst s0;
	s0 =	simm.s32 @!p2 $0x0  }
0x16: {  	s3 =	sld [smem:$0x3FDB];
	s0 =	simm.s32 @p2 $0x1  }
0x17: {  	s4 =	simm.s32 $0x1BF5;
	[smem:$0x3FAC] =	sst s0  }
0x18: {  	s0 =	sld [smem:$0x3F8F];
	_ =	swait.ge [sflag:s4], $0x0  }
0x19: {  	s7 =	sld [smem:$0x3F90]  }
0x1a: {  	s8 =	sadd.s32 $0xFFFFE003, lr  }
0x1b: {  	s9 =	sadd.s32 $0xFFFFFEF7, lr;
	s5 =	simm.s32 $0xFFFFFFFF;
	p2 =	slt.u32 s8, $0xFFFFF086  }
0x1c: {  	p1 =	slt.u32 s9, $0xF7A;
	s5 =	simm.s32 @!p2 $0x0  }
0x1d: {  	s5 =	simm.s32 @p1 $0x1;
	p0 =	seq.s32 s7, s2  }
0x1e: {  	s7 =	smul.u32 @!p0 $0xF7A, s2;
	p2 =	seq.s32 @!p0 s5, $0x0  }
0x1f: {  	s9 =	smul.u32 $0xF7A, s1;
	s8 =	simm.s32 @!p0 $0x1BF5;
	p2 =	por !p2, p0  }
0x20: {  	[sflag:s8] =	ssyncset.s32 @!p0 $0xFFFFF086;
	s6 =	sadd.s32 @!p0 s3, s7;
	s7 =	simm.s32 @!p0 $0x108  }
0x21: {  	s3 =	sadd.s32 s3, s9;
	s6 =	sadd.s32 @!p0 $0x88, s6;
	s7 =	simm.s32 @p2 $0x1082  }
0x22: {  	[simem:s7], [sflag:s8] =	dma.local @!p0 [hbm:s6], $0xF7A  }
0x23: {  	s9 =	sor.u32 $0xD0000000, s2;
	s6 =	simm.s32 $0x108;
	_ =	swait.ge @!p0 [sflag:s8], $0x0  }
0x24: {  	s3 =	sadd.s32 $0x88, s3;
	s6 =	simm.s32 @!p1 $0x1082;
	[sflag:s4] =	ssyncset.s32 $0xFFFFF086  }
0x25: {  	[simem:s6], [sflag:s4] =	dma.local [hbm:s3], $0xF7A  }
0x26: {  	[smem:$0x3F90] =	sst s1;
	(tag) =	ssettag s2;
	_ =	strace s9  }
0x27: {  	s1 =	sld [smem:$0x3FA0]  }
0x28: {  	s2 =	sld [smem:$0x3FA1]  }
0x29: {  	s4 =	sld [smem:$0x3FA3]  }
0x2a: {  	p0 =	seq.s32 s5, $0x0;
	s5 =	sld [smem:$0x3FA4]  }
0x2b: {  	s6 =	sld [smem:$0x3FA5]  }
0x2c: {  	s7 =	sld [smem:$0x3FA6]  }
0x2d: {  	s3 =	simm.s32 $0x108;
	s8 =	sld [smem:$0x3FA7]  }
0x2e: {  	s3 =	simm.s32 @!p0 $0x1082;
	s9 =	sld [smem:$0x3FA8]  }
0x2f: {  	lr =	sadd.s32 s0, s3;
	s0 =	sld [smem:$0x3F9F]  }
0x30: {  	s3 =	sld [smem:$0x3FA2]  }
0x31: {  	[smem:$0x3FAB] =	sst s10  }
0x32: {  	s10 =	sld [smem:$0x3FA9];
	_ =	sdelay $0x3  }
0x33: {  	p0 =	seq.s32 s10, $0x1;
	s10 =	sld [smem:$0x3FAB];
	_ =	sdelay $0x3  }
0x34: {  	[smem:$0x3FAB] =	sst s10  }
0x35: {  	s10 =	sld [smem:$0x3FAA];
	_ =	sdelay $0x3  }
0x36: {  	p1 =	seq.s32 s10, $0x1;
	s10 =	sld [smem:$0x3FAB];
	_ =	sdelay $0x3  }
0x37: {  	[smem:$0x3FAB] =	sst s10  }
0x38: {  	s10 =	sld [smem:$0x3FAC]  }
0x39: {  	_ = 	snop;
	(pc) =	sbr.ind lr, $3  }
0x3a: {  	_ = 	snop  }
0x3b: {  	_ = 	snop  }
0x3c: {  	p2 =	seq.s32 s10, $0x1;
	s10 =	sld [smem:$0x3FAB]  }
0x3d: {  	_ =	shalt  }
0x3e: {  	_ =	shalt  }
0x3f: {  	_ =	shalt  }
0x40: {  	_ =	shalt  }
0x41: {  	_ =	shalt  }
0x42: {  	_ =	shalt  }
0x43: {  	_ =	shalt  }
0x44: {  	_ =	shalt  }
0x45: {  	_ =	shalt  }
0x46: {  	_ =	shalt  }
0x47: {  	_ =	shalt  }
0x48: {  	_ =	shalt  }
0x49: {  	_ =	shalt  }
0x4a: {  	_ =	shalt  }
0x4b: {  	_ =	shalt  }
0x4c: {  	_ =	shalt  }
0x4d: {  	_ =	shalt  }
0x4e: {  	_ =	shalt  }
0x4f: {  	_ =	shalt  }
0x50: {  	_ =	shalt  }
0x51: {  	_ =	shalt  }
0x52: {  	_ =	shalt  }
0x53: {  	_ =	shalt  }
0x54: {  	_ =	shalt  }
0x55: {  	_ =	shalt  }
0x56: {  	_ =	shalt  }
0x57: {  	_ =	shalt  }
0x58: {  	_ =	shalt  }
0x59: {  	_ =	shalt  }
0x5a: {  	_ =	shalt  }
0x5b: {  	_ =	shalt  }
0x5c: {  	_ =	shalt  }
0x5d: {  	_ =	shalt  }
0x5e: {  	_ =	shalt  }
0x5f: {  	_ =	shalt  }
0x60: {  	_ =	shalt  }
0x61: {  	_ =	shalt  }
0x62: {  	_ =	shalt  }
0x63: {  	_ =	shalt  }
0x64: {  	_ =	shalt  }
0x65: {  	_ =	shalt  }
0x66: {  	_ =	shalt  }
0x67: {  	_ =	shalt  }
0x68: {  	_ =	shalt  }
0x69: {  	_ =	shalt  }
0x6a: {  	_ =	shalt  }
0x6b: {  	_ =	shalt  }
0x6c: {  	_ =	shalt  }
0x6d: {  	_ =	shalt  }
0x6e: {  	_ =	shalt  }
0x6f: {  	_ =	shalt  }
0x70: {  	_ =	shalt  }
0x71: {  	_ =	shalt  }
0x72: {  	_ =	shalt  }
0x73: {  	_ =	shalt  }
0x74: {  	_ =	shalt  }
0x75: {  	_ =	shalt  }
0x76: {  	_ =	shalt  }
0x77: {  	_ =	shalt  }
0x78: {  	_ =	shalt  }
0x79: {  	_ =	shalt  }
0x7a: {  	_ =	shalt  }
0x7b: {  	_ =	shalt  }
0x7c: {  	_ =	shalt  }
0x7d: {  	_ =	shalt  }
0x7e: {  	_ =	shalt  }
0x7f: {  	_ =	shalt  }
0x80: {  	_ =	shalt  }
0x81: {  	_ =	shalt  }
0x82: {  	_ =	shalt  }
0x83: {  	_ =	shalt  }
0x84: {  	_ =	shalt  }
0x85: {  	_ =	shalt  }
0x86: {  	_ =	shalt  }
0x87: {  	_ =	shalt  }
.Lfunc_end0:
.L_simem_size_0:
called_computation.2_lowered:
.L_overlay_start_0:
0x88: {  	s2 =	sld [smem:$0x3FD9]  }
0x89: {  	s3 =	sld [smem:$0x3FFE];
	_ =	sdelay $0x1  }
0x8a: {  	s1 =	srdreg.scid  }
0x8b: {  	s0 =	sand.u32 $0x1, s1  }
0x8c: {  	s16 =	sshll.u32 s0, $0xA;
	s2 =	sadd.s32 s3, s2  }
0x8d: {  	s2 =	sadd.s32 s2, s16  }
0x8e: {  	[smem:$0x3FB7] =	sst s2  }
0x8f: {  	_ = 	snop  }
0x90: {  	(tm) =	ssettm $0x1  }
0x91: {  	s17 =	sld [smem:$0x3FFB];
	_ =	sdelay $0x3  }
0x92: {  	_ =	strace s17  }
0x93: {  	s2 =	sld [smem:$0x3FFC];
	_ =	sdelay $0x3  }
0x94: {  	_ =	strace s2  }
0x95: {  	s2 =	sld [smem:$0x3FFD];
	_ =	sdelay $0x3  }
0x96: {  	_ =	strace s2  }
0x97: {  	_ =	strace $0x8FFFFFFF  }
0x98: {  	s18 =	sld [smem:$0x3FDB];
	_ =	sdelay $0x1  }
0x99: {  	s19 =	simm.s32 $_scs_section_size  }
0x9a: {  	s4 =	simm.s32 $_size__tile_overlayer_lowered;
	s5 =	simm.s32 $_tile_overlayer_lowered  }
0x9b: {  	s22 =	simm.s32 $0x1BFF;
	s21 =	sshll.u32 s5, $0x1;
	s2 =	sadd.s32 s19, s18  }
0x9c: {  	s6 =	simm.s32 $0x0;
	s20 =	sshll.u32 s4, $0x1;
	s4 =	sadd.s32 s21, s2  }
0x9d: {  	[timem:s6], [sflag:s22] =	dma.local [hbm:s4], s20  }
0x9e: {  	_ =	swait.ge [sflag:s22], s20  }
0x9f: {  	s3 =	ssub.s32 $0x0, s20;
	[sflag:s22] =	ssyncset.done $0x0  }
0xa0: {  	[sflag:s22] =	ssyncadd.s32 s3;
	_ =	sdelay $0x1  }
0xa1: {  	s23 =	simm.s32 $0x1B8B  }
0xa2: {  	_ =	swait.ge [sflag:s23], $0x1  }
0xa3: {  	[sflag:s23] =	ssyncset.done $0x0  }
0xa4: {  	s25 =	simm.s32 $0x1B8E;
	s24 =	sld [smem:$0x3FFE];
	[sflag:s23] =	ssyncadd.s32 $0xFFFFFFFF  }
0xa5: {  	s26 =	simm.s32 $execute0_lowered;
	[smem:$0x3FD2] =	sst s25  }
0xa6: {  	s4 =	sshll.u32 s26, $0x1;
	_ =	strace $0x8000004C;
	[dreg:$0x1] =	wrdreg $0xFFFFFFFF  }
0xa7: {  	s28 =	simm.s32 $_size_execute0_lowered;
	s2 =	sadd.s32 s2, s4;
	[dreg:$0x0] =	wrdreg $0x0  }
0xa8: {  	s4 =	sshll.u32 s28, $0x1;
	[dreg:$0x2] =	wrdreg s2  }
0xa9: {  	[dreg:$0x3] =	wrdreg s4  }
0xaa: {  	[dreg:$0x4] =	wrdreg $0xC0  }
0xab: {  	_ =	task [dreg:s6], $0x5FFFF  }
0xac: {  	[dreg:$0x1] =	wrdreg $0xFFFFFFFF  }
0xad: {  	[dreg:$0x0] =	wrdreg $0x60  }
0xae: {  	[dreg:$0x2] =	wrdreg s24  }
0xaf: {  	[dreg:$0x3] =	wrdreg $0x90000  }
0xb0: {  	[dreg:$0x4] =	wrdreg $0x9  }
0xb1: {  	_ =	task.clear_ibuf [dreg:s6], $0x5FFFF;
	_ =	strace $0x9000004C  }
0xb2: {  	s29 =	simm.s32 $0x9;
	_ =	strace $0x8000004E  }
0xb3: {  	_ =	swait.ge [sflag:s29], $0x1  }
0xb4: {  	[sflag:s29] =	ssyncadd.s32 $0xFFFFFFFF  }
0xb5: {  	_ =	strace $0x9000004E  }
0xb6: {  	_ =	sfence  }
0xb7: {  	s30 =	sld [smem:$0x0];
	_ =	sdelay $0x2  }
0xb8: {  	s31 =	sshll.u32 s1, $0xD;
	s1 =	sshrl.u32 s1, $0x2  }
0xb9: {  	s3 =	sand.u32 $0x4000, s31;
	s1 =	sadd.s32 s1, s30  }
0xba: {  	s0 =	sor.u32 s3, s0;
	s1 =	sshll.u32 s1, $0x11  }
0xbb: {  	s0 =	sor.u32 s1, s0  }
0xbc: {  	s0 =	sadd.s32 $0x8F2B, s0  }
0xbd: {  	[sflag:s0] =	ssyncadd.remote.s32 $0x1  }
0xbe: {  	_ =	sfence.sel $0xFFFF  }
0xbf: {  	[dreg:$0x0] =	wrdreg $0xFFFFFFFF;
	(pc) =	sbr.abs _section_cstart, $3  }
0xc0: {  	[dreg:$0x1] =	wrdreg $0xFFFFFFFF  }
0xc1: {  	_ =	task.clear_ibuf [dreg:s6], $0x2FFFF;
	_ =	strace $0x9FFFFFFF  }
0xc2: {  	(tm) =	ssettm $0x7FFFFFFF  }
0xc3: {  	_ =	shalt  }
tec
execute0_lowered:
.L_overlay_start_1:
0x0: {  	(tag) =	ssettag $0x1  }
0x1: {  	s7 =	rddreg [dreg:$0x0]  }
0x2: {  	s1 =	rddreg [dreg:$0x1];
	s2 =	simm.s32 $0x0  }
0x3: {  	s3 =	srdreg.scid;
	s0 =	stileid.u32;
	s10 =	simm.s32 $0x12  }
0x4: {  	s19 =	simm.s32 $0x3;
	s20 =	simm.s32 $0x800;
	s21 =	simm.s32 $0x80  }
0x5: {  	s23 =	simm.s32 $0x1;
	s24 =	simm.s32 $0x2;
	s25 =	simm.s32 $0x0  }
0x6: {  	[smem:$0x7FF] =	sst s2;
	s6 =	sand.u32 $0x1, s3;
	s9 =	smul.u32 $0x14000, s0  }
0x7: {  	s4 =	sadd.s32 $0x22400, s7;
	s5 =	sadd.s32 $0x18400, s7;
	s13 =	smul.u32 $0x50000, s0  }
0x8: {  	_ =	strace $0x8000004D;
	s8 =	smul.u32 $0x140000, s6;
	p0 =	seq.s32 s6, $0x0  }
0x9: {  	s11 =	smul.u32 $0x120, s6;
	s12 =	ssub.s32 $0x2, s6;
	s6 =	sadd.s32 $0xDA00, s7  }
0xa: {  	s10 =	simm.s32 @!p0 $0x2;
	s29 =	sshrl.u32 s12, $0x1;
	s30 =	sshrl.u32 s13, $0x2  }
0xb: {  	s8 =	sadd.s32 s9, s8;
	s28 =	smul.u32 s0, s10;
	s15 =	ssub.s32 s12, s29  }
0xc: {  	s9 =	sadd.s32 s30, s1;
	s8 =	sshrl.u32 s8, $0x3;
	s13 =	smax.u32 s15, $0x1  }
0xd: {  	s15 =	sadd.s32 $0x8000, s9;
	s16 =	sadd.s32 $0xC000, s9;
	s17 =	sadd.s32 $0x10000, s9  }
0xe: {  	s14 =	sadd.s32 s8, s7;
	s7 =	sadd.s32 s11, s28;
	s8 =	sshll.u32 s10, $0x3  }
0xf: {  	s11 =	sshll.u32 s7, $0x7;
	s12 =	sadd.s32 $0x49600, s14;
	s18 =	sadd.s32 $0xFFFFFFFE, s8  }
0x10: {  	s14 =	sadd.s32 $0x4000, s9;
	s31 =	sadd.s32 s5, s11;
	[dreg:$0x3] =	wrdreg s18  }
0x11: {  	v0 =	vimm.f32 $0.0e+00;
	s11 =	sadd.s32 s6, s11;
	s18 =	simm.s32 $0x1000;
	[dreg:$0x4] =	wrdreg s31  }
.LBB2_1:
0x12: {  	s26 =	sand.u32 $0xFE00, s2  }
0x13: {  	s28 =	sand.u32 $0x70, s2;
	s29 =	sshrl.u32 s26, $0x2  }
0x14: {  	s26 =	simm.s32 $0x40;
	s29 =	sor.u32 s28, s29;
	s28 =	simm.s32 $0x0  }
.LBB2_2:
0x15: {  	p0 =	sne.s32 s26, $0xFFC0  }
0x16: {  	[tilespmem:s29+$0x1000] =	vst v0;
	s28 =	sadd.s32 $0x10, s28;
	s29 =	smov.u32 s26;
	s26 =	sadd.s32 $0x40, s26  }
.Ltmp0:
0x17: {  	(pc) =	sbr.rel @p0 .LBB2_2-.Ltmp0, $4  }
0x18: {  	_ = 	snop  }
0x19: {  	s29 =	sand.u32 $0xFE00, s29  }
0x1a: {  	s30 =	sand.u32 $0x70, s28;
	s29 =	sshrl.u32 s29, $0x2  }
0x1b: {  	s29 =	sor.u32 s30, s29  }
0x1c: {  	[tilespmem:s29+$0x1000] =	vst v0  }
0x1d: {  	[spmem:s9] =	stream.linear.scatter [tilespmem:s18], [sflag:$0x3], $0x4000, $0x38;
	[tilespmem:$0x1D000] =	vst v63  }
0x1e: {  	_ =	swait.ge [sflag:s19], $0x4000  }
0x1f: {  	[sflag:s19] =	ssyncset.done $0x0  }
0x20: {  	[sflag:s19] =	ssyncadd.s32 $0xFFFFC000  }
0x21: {  	[spmem:s14] =	stream.linear.scatter [tilespmem:s18], [sflag:$0x3], $0x4000, $0x38;
	[tilespmem:$0x1D000] =	vst v63  }
0x22: {  	_ =	swait.ge [sflag:s19], $0x4000  }
0x23: {  	[sflag:s19] =	ssyncset.done $0x0  }
0x24: {  	[sflag:s19] =	ssyncadd.s32 $0xFFFFC000  }
0x25: {  	[spmem:s15] =	stream.linear.scatter [tilespmem:s18], [sflag:$0x3], $0x4000, $0x38;
	[tilespmem:$0x1D000] =	vst v63  }
0x26: {  	_ =	swait.ge [sflag:s19], $0x4000  }
0x27: {  	[sflag:s19] =	ssyncset.done $0x0  }
0x28: {  	[sflag:s19] =	ssyncadd.s32 $0xFFFFC000  }
0x29: {  	[spmem:s16] =	stream.linear.scatter [tilespmem:s18], [sflag:$0x3], $0x4000, $0x38;
	[tilespmem:$0x1D000] =	vst v63  }
0x2a: {  	_ =	swait.ge [sflag:s19], $0x4000  }
0x2b: {  	[sflag:s19] =	ssyncset.done $0x0  }
0x2c: {  	[sflag:s19] =	ssyncadd.s32 $0xFFFFC000  }
0x2d: {  	[spmem:s17] =	stream.linear.scatter [tilespmem:s18], [sflag:$0x3], $0x4000, $0x38;
	[tilespmem:$0x1D000] =	vst v63  }
0x2e: {  	_ =	swait.ge [sflag:s19], $0x4000  }
0x2f: {  	[sflag:s19] =	ssyncset.done $0x0  }
0x30: {  	s0 =	rddreg [dreg:$0x4];
	[sflag:s19] =	ssyncadd.s32 $0xFFFFC000  }
0x31: {  	[tilespmem:s2], [sflag:$0x3] =	stream.linear.gather [hbm4b:s0+s2], $0x400, $0x38;
	[tilespmem:$0x1D000] =	vst v63  }
0x32: {  	_ =	swait.ge [sflag:s19], $0x400  }
0x33: {  	[sflag:s19] =	ssyncset.done $0x0  }
0x34: {  	[sflag:s19] =	ssyncadd.s32 $0xFFFFFC00  }
0x35: {  	[tilespmem:s20], [sflag:$0x3] =	stream.linear.gather [hbm4b:s11+s2], $0x400, $0x38;
	[tilespmem:$0x1D000] =	vst v63  }
0x36: {  	_ =	swait.ge [sflag:s19], $0x400  }
0x37: {  	[sflag:s19] =	ssyncset.done $0x0  }
0x38: {  	[sflag:s19] =	ssyncadd.s32 $0xFFFFFC00  }
0x39: {  	[bflag:$0x0] =	sbarrier.arrive $0xFFFF  }
0x3a: {  	[tilespmem:s18], [sflag:$0x1] =	stream.indirect.gather [hbm4b:s4+s21], $0x80, s2, s21, $0xb8;
	[tilespmem:$0x1D000] =	vst v63  }
0x3b: {  	s31 =	simm.s32 $0x5000;
	s26 =	simm.s32 $0x1  }
0x3c: {  	[tilespmem:s31], [sflag:$0x1] =	stream.indirect.gather [hbm4b:s4+s21], $0x80, s21, s21, $0xb8;
	[tilespmem:$0x1D000] =	vst v63  }
0x3d: {  	_ =	swait.ge [sflag:s26], $0x4000  }
0x3e: {  	[sflag:s26] =	ssyncset.done $0x0  }
0x3f: {  	[sflag:s26] =	ssyncadd.s32 $0xFFFFC000  }
0x40: {  	[spmem:s1] =	stream.indirect.scatter.add.f32 [tilespmem:s18], [sflag:$0x2], $0x80, s20, s21, $0xb8;
	[tilespmem:$0x1D000] =	vst v63  }
.LBB2_4:
0x41: {  	s28 =	smov.u32 s26;
	s26 =	sadd.s32 $0x1, s26  }
0x42: {  	s31 =	sand.u32 $0x7, s26  }
0x43: {  	p0 =	sne.s32 s31, $0x0  }
0x44: {  	s29 =	sshrl.u32 @!p0 s26, $0x3  }
0x45: {  	s29 =	sadd.s32 @!p0 s7, s29  }
0x46: {  	s29 =	sshll.u32 @!p0 s29, $0x7  }
0x47: {  	s30 =	sshll.u32 @!p0 s26, $0x7;
	s29 =	sand.u32 @!p0 $0x1FFFFF80, s29  }
0x48: {  	s3 =	simm.s32 @!p0 $0x0;
	s30 =	sand.u32 @!p0 $0x400, s30;
	s0 =	sadd.s32 @!p0 s5, s29  }
0x49: {  	[tilespmem:s30], [sflag:$0x3] =	stream.linear.gather @!p0 [hbm4b:s0+s3], $0x400, $0x38;
	[tilespmem:$0x1D000] =	vst v63  }
0x4a: {  	s0 =	simm.s32 @!p0 $0x3  }
0x4b: {  	_ =	swait.ge @!p0 [sflag:s0], $0x400  }
0x4c: {  	[sflag:s0] =	ssyncset.done @!p0 $0x0  }
0x4d: {  	s29 =	sadd.s32 @!p0 s6, s29;
	s30 =	sor.u32 @!p0 $0x800, s30;
	[sflag:s0] =	ssyncadd.s32 @!p0 $0xFFFFFC00  }
0x4e: {  	[tilespmem:s30], [sflag:$0x3] =	stream.linear.gather @!p0 [hbm4b:s29+s3], $0x400, $0x38;
	[tilespmem:$0x1D000] =	vst v63  }
0x4f: {  	_ =	swait.ge @!p0 [sflag:s0], $0x400  }
0x50: {  	[sflag:s0] =	ssyncset.done @!p0 $0x0  }
0x51: {  	s10 =	sshll.u32 s28, $0x7;
	s3 =	sshll.u32 s28, $0x10;
	[sflag:s0] =	ssyncadd.s32 @!p0 $0xFFFFFC00  }
0x52: {  	s30 =	sshll.u32 s26, $0x9;
	s0 =	sand.u32 $0x10000, s3;
	_ =	swait.ge [sflag:s23], $0x4000  }
0x53: {  	s3 =	sand.u32 $0x780, s10;
	s29 =	sshrl.u32 s0, $0x2;
	[sflag:s23] =	ssyncset.done $0x0  }
0x54: {  	s3 =	sor.u32 $0x800, s3;
	s29 =	sor.u32 $0x1000, s29;
	[sflag:s23] =	ssyncadd.s32 $0xFFFFC000  }
0x55: {  	[spmem:s1] =	stream.indirect.scatter.add.f32 [tilespmem:s29], [sflag:$0x2], $0x80, s3, s21, $0xb8;
	[tilespmem:$0x1D000] =	vst v63  }
0x56: {  	s22 =	sand.u32 $0x1000, s30;
	_ =	swait.ge [sflag:s24], $0x4000  }
0x57: {  	s29 =	sshrl.u32 s22, $0x2;
	s22 =	rddreg [dreg:$0x3]  }
0x58: {  	p0 =	sne.s32 s28, s22  }
.Ltmp1:
0x59: {  	_ = 	snop;
	(pc) =	sbr.rel @p0 .LBB2_4-.Ltmp1, $4  }
0x5a: {  	s0 =	sxor.u32 $0x10000, s0  }
0x5b: {  	s10 =	sshll.u32 s31, $0x7;
	s0 =	sshrl.u32 s0, $0x2;
	[sflag:s24] =	ssyncset.done $0x0  }
0x5c: {  	s0 =	sor.u32 $0x1000, s0;
	s3 =	sor.u32 s10, s29;
	[sflag:s24] =	ssyncadd.s32 $0xFFFFC000  }
0x5d: {  	[tilespmem:s0], [sflag:$0x1] =	stream.indirect.gather [hbm4b:s4+s21], $0x80, s3, s21, $0xb8;
	[tilespmem:$0x1D000] =	vst v63  }
0x5e: {  	s0 =	sadd.s32 $0x2, s28  }
0x5f: {  	s3 =	sand.u32 $0x7, s0;
	p0 =	sge.u32 s0, s8  }
0x60: {  	p1 =	sne.s32 @!p0 s3, $0x0  }
0x61: {  	p1 =	por p1, p0  }
0x62: {  	s28 =	sshrl.u32 @!p1 s0, $0x3  }
0x63: {  	s28 =	sadd.s32 @!p1 s7, s28  }
0x64: {  	s28 =	sshll.u32 @!p1 s28, $0x7  }
0x65: {  	s31 =	sshll.u32 @!p1 s0, $0x7;
	s28 =	sand.u32 @!p1 $0x1FFFFF80, s28  }
0x66: {  	s10 =	simm.s32 @!p1 $0x0;
	s31 =	sand.u32 @!p1 $0x400, s31;
	s22 =	sadd.s32 @!p1 s5, s28  }
0x67: {  	[tilespmem:s31], [sflag:$0x3] =	stream.linear.gather @!p1 [hbm4b:s22+s10], $0x400, $0x38;
	[tilespmem:$0x1D000] =	vst v63  }
0x68: {  	s22 =	simm.s32 @!p1 $0x3  }
0x69: {  	_ =	swait.ge @!p1 [sflag:s22], $0x400  }
0x6a: {  	[sflag:s22] =	ssyncset.done @!p1 $0x0  }
0x6b: {  	s28 =	sadd.s32 @!p1 s6, s28;
	s31 =	sor.u32 @!p1 $0x800, s31;
	[sflag:s22] =	ssyncadd.s32 @!p1 $0xFFFFFC00  }
0x6c: {  	[tilespmem:s31], [sflag:$0x3] =	stream.linear.gather @!p1 [hbm4b:s28+s10], $0x400, $0x38;
	[tilespmem:$0x1D000] =	vst v63  }
0x6d: {  	_ =	swait.ge @!p1 [sflag:s22], $0x400  }
0x6e: {  	s3 =	sshll.u32 @!p0 s3, $0x7;
	s0 =	sshll.u32 @!p0 s0, $0x7;
	[sflag:s22] =	ssyncset.done @!p1 $0x0  }
0x6f: {  	[sflag:s22] =	ssyncadd.s32 @!p1 $0xFFFFFC00;
	s22 =	sshll.u32 s26, $0x10;
	s26 =	sand.u32 $0xE00, s30  }
0x70: {  	s10 =	sand.u32 $0x10000, s22;
	_ =	swait.ge [sflag:s23], $0x4000;
	s22 =	sshrl.u32 s26, $0x2  }
0x71: {  	s28 =	sshrl.u32 s10, $0x2;
	[sflag:s23] =	ssyncset.done $0x0;
	s22 =	sadd.s32 s22, s29  }
0x72: {  	s26 =	sor.u32 $0x1000, s28;
	[sflag:s23] =	ssyncadd.s32 $0xFFFFC000;
	s22 =	sadd.s32 $0x800, s22  }
0x73: {  	[spmem:s1] =	stream.indirect.scatter.add.f32 [tilespmem:s26], [sflag:$0x2], $0x80, s22, s21, $0xb8;
	[tilespmem:$0x1D000] =	vst v63  }
0x74: {  	s0 =	sand.u32 @!p0 $0x400, s0;
	s10 =	sxor.u32 @!p0 $0x10000, s10;
	_ =	swait.ge [sflag:s24], $0x4000  }
0x75: {  	s0 =	sor.u32 @!p0 s3, s0;
	s10 =	sshrl.u32 @!p0 s10, $0x2;
	[sflag:s24] =	ssyncset.done $0x0  }
0x76: {  	s3 =	simm.s32 @!p0 $0x80;
	s10 =	sadd.s32 @!p0 $0x1000, s10;
	[sflag:s24] =	ssyncadd.s32 $0xFFFFC000  }
0x77: {  	[tilespmem:s10], [sflag:$0x1] =	stream.indirect.gather @!p0 [hbm4b:s4+s3], $0x80, s0, s3, $0xb8;
	[tilespmem:$0x1D000] =	vst v63  }
0x78: {  	s25 =	sadd.s32 $0x1, s25;
	_ =	swait.ge [sflag:s24], $0x4000  }
0x79: {  	s31 =	sshrl.u32 s9, $0x3;
	s30 =	stileid.u32;
	[sflag:s24] =	ssyncset.done $0x0  }
0x7a: {  	s0 =	sshll.u32 s30, $0x6;
	p0 =	sne.s32 s25, s13;
	[sflag:s24] =	ssyncadd.s32 $0xFFFFC000  }
.Ltmp2:
0x7b: {  	s0 =	sor.u32 $0x1C03, s0;
	[bflag:$0x0] =	sbarrier.arrive $0xFFFF;
	(pc) =	sbr.rel @p0 .LBB2_1-.Ltmp2, $4  }
0x7c: {  	[hbm:s12], [sflag:s0] =	dma.local [spmem:s31], $0x2800  }
0x7d: {  	_ =	swait.ge [sflag:s19], $0x2800  }
0x7e: {  	[sflag:s19] =	ssyncset.done $0x0  }
0x7f: {  	[sflag:s19] =	ssyncadd.s32 $0xFFFFD800  }
0x80: {  	_ =	sfence.sel $0x180000  }
0x81: {  	[bflag:$0x0] =	sbarrier.arrive $0xFFFF  }
0x82: {  	_ =	strace $0x9000004D  }
0x83: {  	s0 =	stileid.u32;
	[bflag:$0x2] =	sbarrier.arrive $0xFFFF  }
0x84: {  	p0 =	sne.s32 s0, $0x0;
	s0 =	rddreg [dreg:$0x2]  }
0x85: {  	s0 =	sadd.s32 @!p0 $0x100000, s0  }
0x86: {  	[sflag:s0] =	ssyncadd.tile.s32 @!p0 $0x1;
	_ =	shalt  }
.Lfunc_end2:
_tile_overlayer_lowered:
.L_overlay_start_2:
0x87: {  	(tag) =	ssettag $0x2  }
0x88: {  	s0 =	rddreg [dreg:$0x0];
	s2 =	stileid.u32  }
0x89: {  	s1 =	rddreg [dreg:$0x1];
	p0 =	sne.s32 s2, $0x0  }
0x8a: {  	s3 =	rddreg [dreg:$0x2];
	[bflag:$0x3] =	sbarrier.arrive $0xFFFF;
	s2 =	simm.s32 @!p0 $0x1C03  }
0x8b: {  	[timem:s3], [sflag:s2] =	dma.local @!p0 [hbm:s0], s1  }
0x8c: {  	s0 =	simm.s32 @!p0 $0x3  }
0x8d: {  	_ =	swait.ge @!p0 [sflag:s0], s1  }
0x8e: {  	s1 =	ssub.s32 @!p0 $0x0, s1;
	[sflag:s0] =	ssyncset.done @!p0 $0x0  }
0x8f: {  	[sflag:s0] =	ssyncadd.s32 @!p0 s1  }
0x90: {  	[bflag:$0x3] =	sbarrier.arrive $0xFFFF  }
0x91: {  	_ =	shalt  }

// kernel: kernel.8.cloned.1.call-start
scs
__scs_entry_jumppad:
0x0: {  	(pc) =	sbr.rel $0x88, $3  }
0x1: {  	(tag) =	ssettag $0x0;
	lr =	simm.s32 $0x1  }
0x2: {  	[smem:$0x3F90] =	sst lr;
	_ =	strace $0xD0000000  }
0x3: {  	_ = 	snop  }
0x4: {  	_ = 	snop  }
0x5: {  	_ = 	snop  }
0x6: {  	_ = 	snop  }
0x7: {  	_ = 	snop  }
__scs_overlays_trampoline_lowered:
0x8: {  	[smem:$0x3F9F] =	sst s0  }
0x9: {  	[smem:$0x3FA0] =	sst s1  }
0xa: {  	[smem:$0x3FA1] =	sst s2  }
0xb: {  	[smem:$0x3FA2] =	sst s3  }
0xc: {  	[smem:$0x3FA3] =	sst s4  }
0xd: {  	[smem:$0x3FA4] =	sst s5  }
0xe: {  	[smem:$0x3FA5] =	sst s6  }
0xf: {  	[smem:$0x3FA6] =	sst s7  }
0x10: {  	[smem:$0x3FA7] =	sst s8  }
0x11: {  	[smem:$0x3FA8] =	sst s9;
	s0 =	simm.s32 @!p0 $0x0  }
0x12: {  	s1 =	sld [smem:$0x3F8E];
	s0 =	simm.s32 @p0 $0x1  }
0x13: {  	[smem:$0x3FA9] =	sst s0;
	s0 =	simm.s32 @!p1 $0x0  }
0x14: {  	s2 =	sld [smem:$0x3F8D];
	s0 =	simm.s32 @p1 $0x1  }
0x15: {  	[smem:$0x3FAA] =	sst s0;
	s0 =	simm.s32 @!p2 $0x0  }
0x16: {  	s3 =	sld [smem:$0x3FDB];
	s0 =	simm.s32 @p2 $0x1  }
0x17: {  	s4 =	simm.s32 $0x1BF5;
	[smem:$0x3FAC] =	sst s0  }
0x18: {  	s0 =	sld [smem:$0x3F8F];
	_ =	swait.ge [sflag:s4], $0x0  }
0x19: {  	s7 =	sld [smem:$0x3F90]  }
0x1a: {  	s8 =	sadd.s32 $0xFFFFE003, lr  }
0x1b: {  	s9 =	sadd.s32 $0xFFFFFEF7, lr;
	s5 =	simm.s32 $0xFFFFFFFF;
	p2 =	slt.u32 s8, $0xFFFFF086  }
0x1c: {  	p1 =	slt.u32 s9, $0xF7A;
	s5 =	simm.s32 @!p2 $0x0  }
0x1d: {  	s5 =	simm.s32 @p1 $0x1;
	p0 =	seq.s32 s7, s2  }
0x1e: {  	s7 =	smul.u32 @!p0 $0xF7A, s2;
	p2 =	seq.s32 @!p0 s5, $0x0  }
0x1f: {  	s9 =	smul.u32 $0xF7A, s1;
	s8 =	simm.s32 @!p0 $0x1BF5;
	p2 =	por !p2, p0  }
0x20: {  	[sflag:s8] =	ssyncset.s32 @!p0 $0xFFFFF086;
	s6 =	sadd.s32 @!p0 s3, s7;
	s7 =	simm.s32 @!p0 $0x108  }
0x21: {  	s3 =	sadd.s32 s3, s9;
	s6 =	sadd.s32 @!p0 $0x88, s6;
	s7 =	simm.s32 @p2 $0x1082  }
0x22: {  	[simem:s7], [sflag:s8] =	dma.local @!p0 [hbm:s6], $0xF7A  }
0x23: {  	s9 =	sor.u32 $0xD0000000, s2;
	s6 =	simm.s32 $0x108;
	_ =	swait.ge @!p0 [sflag:s8], $0x0  }
0x24: {  	s3 =	sadd.s32 $0x88, s3;
	s6 =	simm.s32 @!p1 $0x1082;
	[sflag:s4] =	ssyncset.s32 $0xFFFFF086  }
0x25: {  	[simem:s6], [sflag:s4] =	dma.local [hbm:s3], $0xF7A  }
0x26: {  	[smem:$0x3F90] =	sst s1;
	(tag) =	ssettag s2;
	_ =	strace s9  }
0x27: {  	s1 =	sld [smem:$0x3FA0]  }
0x28: {  	s2 =	sld [smem:$0x3FA1]  }
0x29: {  	s4 =	sld [smem:$0x3FA3]  }
0x2a: {  	p0 =	seq.s32 s5, $0x0;
	s5 =	sld [smem:$0x3FA4]  }
0x2b: {  	s6 =	sld [smem:$0x3FA5]  }
0x2c: {  	s7 =	sld [smem:$0x3FA6]  }
0x2d: {  	s3 =	simm.s32 $0x108;
	s8 =	sld [smem:$0x3FA7]  }
0x2e: {  	s3 =	simm.s32 @!p0 $0x1082;
	s9 =	sld [smem:$0x3FA8]  }
0x2f: {  	lr =	sadd.s32 s0, s3;
	s0 =	sld [smem:$0x3F9F]  }
0x30: {  	s3 =	sld [smem:$0x3FA2]  }
0x31: {  	[smem:$0x3FAB] =	sst s10  }
0x32: {  	s10 =	sld [smem:$0x3FA9];
	_ =	sdelay $0x3  }
0x33: {  	p0 =	seq.s32 s10, $0x1;
	s10 =	sld [smem:$0x3FAB];
	_ =	sdelay $0x3  }
0x34: {  	[smem:$0x3FAB] =	sst s10  }
0x35: {  	s10 =	sld [smem:$0x3FAA];
	_ =	sdelay $0x3  }
0x36: {  	p1 =	seq.s32 s10, $0x1;
	s10 =	sld [smem:$0x3FAB];
	_ =	sdelay $0x3  }
0x37: {  	[smem:$0x3FAB] =	sst s10  }
0x38: {  	s10 =	sld [smem:$0x3FAC]  }
0x39: {  	_ = 	snop;
	(pc) =	sbr.ind lr, $3  }
0x3a: {  	_ = 	snop  }
0x3b: {  	_ = 	snop  }
0x3c: {  	p2 =	seq.s32 s10, $0x1;
	s10 =	sld [smem:$0x3FAB]  }
0x3d: {  	_ =	shalt  }
0x3e: {  	_ =	shalt  }
0x3f: {  	_ =	shalt  }
0x40: {  	_ =	shalt  }
0x41: {  	_ =	shalt  }
0x42: {  	_ =	shalt  }
0x43: {  	_ =	shalt  }
0x44: {  	_ =	shalt  }
0x45: {  	_ =	shalt  }
0x46: {  	_ =	shalt  }
0x47: {  	_ =	shalt  }
0x48: {  	_ =	shalt  }
0x49: {  	_ =	shalt  }
0x4a: {  	_ =	shalt  }
0x4b: {  	_ =	shalt  }
0x4c: {  	_ =	shalt  }
0x4d: {  	_ =	shalt  }
0x4e: {  	_ =	shalt  }
0x4f: {  	_ =	shalt  }
0x50: {  	_ =	shalt  }
0x51: {  	_ =	shalt  }
0x52: {  	_ =	shalt  }
0x53: {  	_ =	shalt  }
0x54: {  	_ =	shalt  }
0x55: {  	_ =	shalt  }
0x56: {  	_ =	shalt  }
0x57: {  	_ =	shalt  }
0x58: {  	_ =	shalt  }
0x59: {  	_ =	shalt  }
0x5a: {  	_ =	shalt  }
0x5b: {  	_ =	shalt  }
0x5c: {  	_ =	shalt  }
0x5d: {  	_ =	shalt  }
0x5e: {  	_ =	shalt  }
0x5f: {  	_ =	shalt  }
0x60: {  	_ =	shalt  }
0x61: {  	_ =	shalt  }
0x62: {  	_ =	shalt  }
0x63: {  	_ =	shalt  }
0x64: {  	_ =	shalt  }
0x65: {  	_ =	shalt  }
0x66: {  	_ =	shalt  }
0x67: {  	_ =	shalt  }
0x68: {  	_ =	shalt  }
0x69: {  	_ =	shalt  }
0x6a: {  	_ =	shalt  }
0x6b: {  	_ =	shalt  }
0x6c: {  	_ =	shalt  }
0x6d: {  	_ =	shalt  }
0x6e: {  	_ =	shalt  }
0x6f: {  	_ =	shalt  }
0x70: {  	_ =	shalt  }
0x71: {  	_ =	shalt  }
0x72: {  	_ =	shalt  }
0x73: {  	_ =	shalt  }
0x74: {  	_ =	shalt  }
0x75: {  	_ =	shalt  }
0x76: {  	_ =	shalt  }
0x77: {  	_ =	shalt  }
0x78: {  	_ =	shalt  }
0x79: {  	_ =	shalt  }
0x7a: {  	_ =	shalt  }
0x7b: {  	_ =	shalt  }
0x7c: {  	_ =	shalt  }
0x7d: {  	_ =	shalt  }
0x7e: {  	_ =	shalt  }
0x7f: {  	_ =	shalt  }
0x80: {  	_ =	shalt  }
0x81: {  	_ =	shalt  }
0x82: {  	_ =	shalt  }
0x83: {  	_ =	shalt  }
0x84: {  	_ =	shalt  }
0x85: {  	_ =	shalt  }
0x86: {  	_ =	shalt  }
0x87: {  	_ =	shalt  }
.Lfunc_end0:
.L_simem_size_0:
called_computation_lowered:
.L_overlay_start_0:
0x88: {  	s2 =	sld [smem:$0x3FD9]  }
0x89: {  	s3 =	sld [smem:$0x3FFE];
	_ =	sdelay $0x1  }
0x8a: {  	s1 =	srdreg.scid  }
0x8b: {  	s0 =	sand.u32 $0x1, s1  }
0x8c: {  	s16 =	sshll.u32 s0, $0xA;
	s2 =	sadd.s32 s3, s2  }
0x8d: {  	s2 =	sadd.s32 s2, s16  }
0x8e: {  	[smem:$0x3FB7] =	sst s2  }
0x8f: {  	_ = 	snop  }
0x90: {  	(tm) =	ssettm $0x1  }
0x91: {  	s17 =	sld [smem:$0x3FFB];
	_ =	sdelay $0x3  }
0x92: {  	_ =	strace s17  }
0x93: {  	s2 =	sld [smem:$0x3FFC];
	_ =	sdelay $0x3  }
0x94: {  	_ =	strace s2  }
0x95: {  	s2 =	sld [smem:$0x3FFD];
	_ =	sdelay $0x3  }
0x96: {  	_ =	strace s2  }
0x97: {  	_ =	strace $0x8FFFFFFF  }
0x98: {  	s18 =	sld [smem:$0x3FDB];
	_ =	sdelay $0x1  }
0x99: {  	s19 =	simm.s32 $_scs_section_size  }
0x9a: {  	s4 =	simm.s32 $_size__tile_overlayer_lowered;
	s5 =	simm.s32 $_tile_overlayer_lowered  }
0x9b: {  	s22 =	simm.s32 $0x1BFF;
	s21 =	sshll.u32 s5, $0x1;
	s2 =	sadd.s32 s19, s18  }
0x9c: {  	s6 =	simm.s32 $0x0;
	s20 =	sshll.u32 s4, $0x1;
	s4 =	sadd.s32 s21, s2  }
0x9d: {  	[timem:s6], [sflag:s22] =	dma.local [hbm:s4], s20  }
0x9e: {  	_ =	swait.ge [sflag:s22], s20  }
0x9f: {  	s3 =	ssub.s32 $0x0, s20;
	[sflag:s22] =	ssyncset.done $0x0  }
0xa0: {  	[sflag:s22] =	ssyncadd.s32 s3;
	_ =	sdelay $0x1  }
0xa1: {  	s23 =	simm.s32 $0x1B8B  }
0xa2: {  	_ =	swait.ge [sflag:s23], $0x1  }
0xa3: {  	[sflag:s23] =	ssyncset.done $0x0  }
0xa4: {  	s25 =	simm.s32 $0x1B8E;
	s24 =	sld [smem:$0x3FFE];
	[sflag:s23] =	ssyncadd.s32 $0xFFFFFFFF  }
0xa5: {  	s26 =	simm.s32 $execute0_lowered;
	[smem:$0x3FD2] =	sst s25  }
0xa6: {  	s4 =	sshll.u32 s26, $0x1;
	_ =	strace $0x80000046;
	[dreg:$0x1] =	wrdreg $0xFFFFFFFF  }
0xa7: {  	s28 =	simm.s32 $_size_execute0_lowered;
	s2 =	sadd.s32 s2, s4;
	[dreg:$0x0] =	wrdreg $0x0  }
0xa8: {  	s4 =	sshll.u32 s28, $0x1;
	[dreg:$0x2] =	wrdreg s2  }
0xa9: {  	[dreg:$0x3] =	wrdreg s4  }
0xaa: {  	[dreg:$0x4] =	wrdreg $0xC0  }
0xab: {  	_ =	task [dreg:s6], $0x5FFFF  }
0xac: {  	[dreg:$0x1] =	wrdreg $0xFFFFFFFF  }
0xad: {  	[dreg:$0x0] =	wrdreg $0x60  }
0xae: {  	[dreg:$0x2] =	wrdreg s24  }
0xaf: {  	[dreg:$0x3] =	wrdreg $0x2B000  }
0xb0: {  	[dreg:$0x4] =	wrdreg $0x9  }
0xb1: {  	_ =	task.clear_ibuf [dreg:s6], $0x5FFFF;
	_ =	strace $0x90000046  }
0xb2: {  	s29 =	simm.s32 $0x9;
	_ =	strace $0x80000048  }
0xb3: {  	_ =	swait.ge [sflag:s29], $0x1  }
0xb4: {  	[sflag:s29] =	ssyncadd.s32 $0xFFFFFFFF  }
0xb5: {  	_ =	strace $0x90000048  }
0xb6: {  	_ =	sfence  }
0xb7: {  	s30 =	sld [smem:$0x0];
	_ =	sdelay $0x2  }
0xb8: {  	s31 =	sshll.u32 s1, $0xD;
	s1 =	sshrl.u32 s1, $0x2  }
0xb9: {  	s3 =	sand.u32 $0x4000, s31;
	s1 =	sadd.s32 s1, s30  }
0xba: {  	s0 =	sor.u32 s3, s0;
	s1 =	sshll.u32 s1, $0x11  }
0xbb: {  	s0 =	sor.u32 s1, s0  }
0xbc: {  	s0 =	sadd.s32 $0x8F2B, s0  }
0xbd: {  	[sflag:s0] =	ssyncadd.remote.s32 $0x1  }
0xbe: {  	_ =	sfence.sel $0xFFFF  }
0xbf: {  	[dreg:$0x0] =	wrdreg $0xFFFFFFFF;
	(pc) =	sbr.abs _section_cstart, $3  }
0xc0: {  	[dreg:$0x1] =	wrdreg $0xFFFFFFFF  }
0xc1: {  	_ =	task.clear_ibuf [dreg:s6], $0x2FFFF;
	_ =	strace $0x9FFFFFFF  }
0xc2: {  	(tm) =	ssettm $0x7FFFFFFF  }
0xc3: {  	_ =	shalt  }
tec
execute0_lowered:
.L_overlay_start_1:
0x0: {  	(tag) =	ssettag $0x1  }
0x1: {  	s4 =	rddreg [dreg:$0x0]  }
0x2: {  	s1 =	rddreg [dreg:$0x1]  }
0x3: {  	s2 =	srdreg.scid;
	s0 =	rddreg [dreg:$0x2];
	s3 =	simm.s32 $0x0  }
0x4: {  	s10 =	simm.s32 $0x80;
	s11 =	simm.s32 $0x2800;
	s12 =	simm.s32 $0x1  }
0x5: {  	s15 =	simm.s32 $0x20;
	s16 =	simm.s32 $0x10;
	s17 =	simm.s32 $0x0  }
0x6: {  	s5 =	sand.u32 $0x1, s2;
	s2 =	stileid.u32;
	[smem:$0x7FF] =	sst s3  }
0x7: {  	s6 =	sshll.u32 s5, $0x4;
	s7 =	smul.u32 $0x500, s2;
	_ =	strace $0x80000047  }
0x8: {  	s8 =	sshll.u32 s5, $0x7;
	s5 =	ssub.s32 $0x2, s5;
	s30 =	smul.u32 $0xA00, s2  }
0x9: {  	s13 =	sshll.u32 s2, $0x6;
	s6 =	sor.u32 s2, s6;
	s9 =	sshrl.u32 s5, $0x1  }
0xa: {  	s13 =	sor.u32 $0x1C02, s13;
	s6 =	smul.u32 $0x500, s6;
	s7 =	sor.u32 s8, s7  }
0xb: {  	s9 =	ssub.s32 s5, s9;
	s31 =	sshrl.u32 s30, $0x2;
	s7 =	sshrl.u32 s7, $0x3  }
0xc: {  	s8 =	simm.s32 $0x2880;
	s6 =	sadd.s32 s6, s4;
	s7 =	sadd.s32 s7, s4  }
0xd: {  	s4 =	sadd.s32 s31, s1;
	s5 =	sadd.s32 $0x3A00, s6;
	s6 =	sadd.s32 $0x17A00, s7  }
0xe: {  	v0 =	vimm.f32 $1.000000000e+00;
	v1 =	vimm.f32 $0.0e+00;
	s7 =	smax.u32 s9, $0x1;
	s9 =	simm.s32 $0x2;
	s14 =	sshrl.u32 s4, $0x3  }
.LBB2_1:
0xf: {  	[tilespmem:$0x2800] =	vst v0  }
0x10: {  	[tilespmem:$0x2810] =	vst v0  }
0x11: {  	[tilespmem:$0x2820] =	vst v0  }
0x12: {  	[tilespmem:$0x2830] =	vst v0  }
0x13: {  	[tilespmem:$0x2840] =	vst v0  }
0x14: {  	[tilespmem:$0x2850] =	vst v0  }
0x15: {  	[tilespmem:$0x2860] =	vst v0  }
0x16: {  	[tilespmem:$0x2870] =	vst v0  }
0x17: {  	[tilespmem:$0x2880] =	vst v1  }
0x18: {  	[tilespmem:$0x2890] =	vst v1  }
0x19: {  	[tilespmem:$0x28A0] =	vst v1  }
0x1a: {  	[tilespmem:$0x28B0] =	vst v1  }
0x1b: {  	[tilespmem:$0x28C0] =	vst v1  }
0x1c: {  	[tilespmem:$0x28D0] =	vst v1  }
0x1d: {  	[tilespmem:$0x28E0] =	vst v1  }
0x1e: {  	[tilespmem:$0x28F0] =	vst v1  }
0x1f: {  	[tilespmem:$0x2900] =	vst v1  }
0x20: {  	[tilespmem:$0x2910] =	vst v1  }
0x21: {  	[tilespmem:$0x2920] =	vst v1  }
0x22: {  	[tilespmem:$0x2930] =	vst v1  }
0x23: {  	[tilespmem:$0x2940] =	vst v1  }
0x24: {  	[tilespmem:$0x2950] =	vst v1  }
0x25: {  	[tilespmem:$0x2960] =	vst v1  }
0x26: {  	[tilespmem:$0x2970] =	vst v1  }
0x27: {  	[tilespmem:$0x2980] =	vst v1  }
0x28: {  	[tilespmem:$0x2990] =	vst v1  }
0x29: {  	[tilespmem:$0x29A0] =	vst v1  }
0x2a: {  	[tilespmem:$0x29B0] =	vst v1  }
0x2b: {  	[tilespmem:$0x29C0] =	vst v1  }
0x2c: {  	[tilespmem:$0x29D0] =	vst v1  }
0x2d: {  	[tilespmem:$0x29E0] =	vst v1  }
0x2e: {  	[tilespmem:$0x29F0] =	vst v1  }
0x2f: {  	[tilespmem:$0x2A00] =	vst v1  }
0x30: {  	[tilespmem:$0x2A10] =	vst v1  }
0x31: {  	[tilespmem:$0x2A20] =	vst v1  }
0x32: {  	[tilespmem:$0x2A30] =	vst v1  }
0x33: {  	[tilespmem:$0x2A40] =	vst v1  }
0x34: {  	[tilespmem:$0x2A50] =	vst v1  }
0x35: {  	[tilespmem:$0x2A60] =	vst v1  }
0x36: {  	[tilespmem:$0x2A70] =	vst v1  }
0x37: {  	[tilespmem:$0x2A80] =	vst v1  }
0x38: {  	[tilespmem:$0x2A90] =	vst v1  }
0x39: {  	[tilespmem:$0x2AA0] =	vst v1  }
0x3a: {  	[tilespmem:$0x2AB0] =	vst v1  }
0x3b: {  	[tilespmem:$0x2AC0] =	vst v1  }
0x3c: {  	[tilespmem:$0x2AD0] =	vst v1  }
0x3d: {  	[tilespmem:$0x2AE0] =	vst v1  }
0x3e: {  	[tilespmem:$0x2AF0] =	vst v1  }
0x3f: {  	[spmem:s4] =	stream.linear.scatter [tilespmem:s8], [sflag:$0x2], $0x280, $0x38;
	[tilespmem:$0x2D80] =	vst v63  }
0x40: {  	_ =	swait.ge [sflag:s9], $0x280  }
0x41: {  	[sflag:s9] =	ssyncset.done $0x0  }
0x42: {  	[sflag:s9] =	ssyncadd.s32 $0xFFFFFD80  }
0x43: {  	[tilespmem:s3], [sflag:$0x2] =	stream.linear.gather [hbm4b:s5+s3], $0x2800, $0x38;
	[tilespmem:$0x2D80] =	vst v63  }
0x44: {  	_ =	swait.ge [sflag:s9], $0x2800  }
0x45: {  	[sflag:s9] =	ssyncset.done $0x0  }
0x46: {  	[sflag:s9] =	ssyncadd.s32 $0xFFFFD800  }
0x47: {  	s18 =	simm.s32 $0x0;
	[bflag:$0x0] =	sbarrier.arrive $0xFFFF  }
0x48: {  	[spmem:s1] =	stream.indirect.scatter.add.f32 [tilespmem:s11], [sflag:$0x1], $0x1, s18, s10, $0xb8;
	[tilespmem:$0x2D80] =	vst v63  }
0x49: {  	s24 =	simm.s32 $0x80  }
0x4a: {  	[spmem:s1] =	stream.indirect.scatter.add.f32 [tilespmem:s11], [sflag:$0x1], $0x1, s24, s10, $0xb8;
	[tilespmem:$0x2D80] =	vst v63  }
0x4b: {  	s25 =	simm.s32 $0x100  }
0x4c: {  	[spmem:s1] =	stream.indirect.scatter.add.f32 [tilespmem:s11], [sflag:$0x1], $0x1, s25, s10, $0xb8;
	[tilespmem:$0x2D80] =	vst v63  }
0x4d: {  	s26 =	simm.s32 $0x180  }
0x4e: {  	[spmem:s1] =	stream.indirect.scatter.add.f32 [tilespmem:s11], [sflag:$0x1], $0x1, s26, s10, $0xb8;
	[tilespmem:$0x2D80] =	vst v63  }
0x4f: {  	s28 =	simm.s32 $0x200  }
0x50: {  	[spmem:s1] =	stream.indirect.scatter.add.f32 [tilespmem:s11], [sflag:$0x1], $0x1, s28, s10, $0xb8;
	[tilespmem:$0x2D80] =	vst v63  }
0x51: {  	s29 =	simm.s32 $0x280  }
0x52: {  	[spmem:s1] =	stream.indirect.scatter.add.f32 [tilespmem:s11], [sflag:$0x1], $0x1, s29, s10, $0xb8;
	[tilespmem:$0x2D80] =	vst v63  }
0x53: {  	s30 =	simm.s32 $0x300  }
0x54: {  	[spmem:s1] =	stream.indirect.scatter.add.f32 [tilespmem:s11], [sflag:$0x1], $0x1, s30, s10, $0xb8;
	[tilespmem:$0x2D80] =	vst v63  }
0x55: {  	s31 =	simm.s32 $0x380  }
0x56: {  	[spmem:s1] =	stream.indirect.scatter.add.f32 [tilespmem:s11], [sflag:$0x1], $0x1, s31, s10, $0xb8;
	[tilespmem:$0x2D80] =	vst v63  }
0x57: {  	_ =	swait.ge [sflag:s12], $0x80  }
0x58: {  	[sflag:s12] =	ssyncset.done $0x0  }
0x59: {  	[sflag:s12] =	ssyncadd.s32 $0xFFFFFF80  }
0x5a: {  	_ =	swait.ge [sflag:s12], $0x80  }
0x5b: {  	[sflag:s12] =	ssyncset.done $0x0  }
0x5c: {  	[sflag:s12] =	ssyncadd.s32 $0xFFFFFF80  }
0x5d: {  	_ =	swait.ge [sflag:s12], $0x80  }
0x5e: {  	[sflag:s12] =	ssyncset.done $0x0  }
0x5f: {  	[sflag:s12] =	ssyncadd.s32 $0xFFFFFF80  }
0x60: {  	_ =	swait.ge [sflag:s12], $0x80  }
0x61: {  	[sflag:s12] =	ssyncset.done $0x0  }
0x62: {  	[sflag:s12] =	ssyncadd.s32 $0xFFFFFF80  }
0x63: {  	_ =	swait.ge [sflag:s12], $0x80  }
0x64: {  	[sflag:s12] =	ssyncset.done $0x0  }
0x65: {  	[sflag:s12] =	ssyncadd.s32 $0xFFFFFF80  }
0x66: {  	_ =	swait.ge [sflag:s12], $0x80  }
0x67: {  	[sflag:s12] =	ssyncset.done $0x0  }
0x68: {  	[sflag:s12] =	ssyncadd.s32 $0xFFFFFF80  }
0x69: {  	_ =	swait.ge [sflag:s12], $0x80  }
0x6a: {  	[sflag:s12] =	ssyncset.done $0x0  }
0x6b: {  	[sflag:s12] =	ssyncadd.s32 $0xFFFFFF80  }
0x6c: {  	_ =	swait.ge [sflag:s12], $0x80  }
0x6d: {  	s20 =	simm.s32 $0x2000;
	s18 =	simm.s32 $0x1000;
	[sflag:s12] =	ssyncset.done $0x0  }
.LBB2_2:
0x6e: {  	s21 =	sshra.s32 s18, $0x2  }
0x6f: {  	[sflag:s12] =	ssyncadd.s32 $0xFFFFFF80;
	s18 =	smov.u32 s20;
	s19 =	sadd.s32 $0x1000, s20  }
0x70: {  	[spmem:s1] =	stream.indirect.scatter.add.f32 [tilespmem:s11], [sflag:$0x1], $0x1, s21, s10, $0xb8;
	[tilespmem:$0x2D80] =	vst v63  }
0x71: {  	p0 =	sne.s32 s20, $0x9000;
	s20 =	sadd.s32 $0x80, s21  }
0x72: {  	[spmem:s1] =	stream.indirect.scatter.add.f32 [tilespmem:s11], [sflag:$0x1], $0x1, s20, s10, $0xb8;
	[tilespmem:$0x2D80] =	vst v63  }
0x73: {  	s20 =	sadd.s32 $0x100, s21  }
0x74: {  	[spmem:s1] =	stream.indirect.scatter.add.f32 [tilespmem:s11], [sflag:$0x1], $0x1, s20, s10, $0xb8;
	[tilespmem:$0x2D80] =	vst v63  }
0x75: {  	s20 =	sadd.s32 $0x180, s21  }
0x76: {  	[spmem:s1] =	stream.indirect.scatter.add.f32 [tilespmem:s11], [sflag:$0x1], $0x1, s20, s10, $0xb8;
	[tilespmem:$0x2D80] =	vst v63  }
0x77: {  	s20 =	sadd.s32 $0x200, s21  }
0x78: {  	[spmem:s1] =	stream.indirect.scatter.add.f32 [tilespmem:s11], [sflag:$0x1], $0x1, s20, s10, $0xb8;
	[tilespmem:$0x2D80] =	vst v63  }
0x79: {  	s20 =	sadd.s32 $0x280, s21  }
0x7a: {  	[spmem:s1] =	stream.indirect.scatter.add.f32 [tilespmem:s11], [sflag:$0x1], $0x1, s20, s10, $0xb8;
	[tilespmem:$0x2D80] =	vst v63  }
0x7b: {  	s20 =	sadd.s32 $0x300, s21  }
0x7c: {  	[spmem:s1] =	stream.indirect.scatter.add.f32 [tilespmem:s11], [sflag:$0x1], $0x1, s20, s10, $0xb8;
	[tilespmem:$0x2D80] =	vst v63  }
0x7d: {  	s20 =	sadd.s32 $0x380, s21  }
0x7e: {  	[spmem:s1] =	stream.indirect.scatter.add.f32 [tilespmem:s11], [sflag:$0x1], $0x1, s20, s10, $0xb8;
	[tilespmem:$0x2D80] =	vst v63  }
0x7f: {  	_ =	swait.ge [sflag:s12], $0x80  }
0x80: {  	[sflag:s12] =	ssyncset.done $0x0  }
0x81: {  	[sflag:s12] =	ssyncadd.s32 $0xFFFFFF80  }
0x82: {  	_ =	swait.ge [sflag:s12], $0x80  }
0x83: {  	[sflag:s12] =	ssyncset.done $0x0  }
0x84: {  	[sflag:s12] =	ssyncadd.s32 $0xFFFFFF80  }
0x85: {  	_ =	swait.ge [sflag:s12], $0x80  }
0x86: {  	[sflag:s12] =	ssyncset.done $0x0  }
0x87: {  	[sflag:s12] =	ssyncadd.s32 $0xFFFFFF80  }
0x88: {  	_ =	swait.ge [sflag:s12], $0x80  }
0x89: {  	[sflag:s12] =	ssyncset.done $0x0  }
0x8a: {  	[sflag:s12] =	ssyncadd.s32 $0xFFFFFF80  }
0x8b: {  	_ =	swait.ge [sflag:s12], $0x80  }
0x8c: {  	[sflag:s12] =	ssyncset.done $0x0  }
0x8d: {  	[sflag:s12] =	ssyncadd.s32 $0xFFFFFF80  }
0x8e: {  	_ =	swait.ge [sflag:s12], $0x80  }
0x8f: {  	[sflag:s12] =	ssyncset.done $0x0  }
0x90: {  	[sflag:s12] =	ssyncadd.s32 $0xFFFFFF80  }
.Ltmp0:
0x91: {  	_ =	swait.ge [sflag:s12], $0x80;
	(pc) =	sbr.rel @p0 .LBB2_2-.Ltmp0, $4  }
0x92: {  	[sflag:s12] =	ssyncset.done $0x0  }
0x93: {  	[sflag:s12] =	ssyncadd.s32 $0xFFFFFF80  }
0x94: {  	_ =	swait.ge [sflag:s12], $0x80  }
0x95: {  	s20 =	smov.u32 s19;
	[sflag:s12] =	ssyncset.done $0x0  }
0x96: {  	s18 =	sshra.s32 s18, $0x2;
	[sflag:s12] =	ssyncadd.s32 $0xFFFFFF80  }
0x97: {  	[spmem:s1] =	stream.indirect.scatter.add.f32 [tilespmem:s11], [sflag:$0x1], $0x1, s18, s10, $0xb8;
	[tilespmem:$0x2D80] =	vst v63  }
0x98: {  	s19 =	sadd.s32 $0x80, s18  }
0x99: {  	[spmem:s1] =	stream.indirect.scatter.add.f32 [tilespmem:s11], [sflag:$0x1], $0x1, s19, s10, $0xb8;
	[tilespmem:$0x2D80] =	vst v63  }
0x9a: {  	s26 =	sadd.s32 $0x100, s18  }
0x9b: {  	[spmem:s1] =	stream.indirect.scatter.add.f32 [tilespmem:s11], [sflag:$0x1], $0x1, s26, s10, $0xb8;
	[tilespmem:$0x2D80] =	vst v63  }
0x9c: {  	s28 =	sadd.s32 $0x180, s18  }
0x9d: {  	[spmem:s1] =	stream.indirect.scatter.add.f32 [tilespmem:s11], [sflag:$0x1], $0x1, s28, s10, $0xb8;
	[tilespmem:$0x2D80] =	vst v63  }
0x9e: {  	s29 =	sadd.s32 $0x200, s18  }
0x9f: {  	[spmem:s1] =	stream.indirect.scatter.add.f32 [tilespmem:s11], [sflag:$0x1], $0x1, s29, s10, $0xb8;
	[tilespmem:$0x2D80] =	vst v63  }
0xa0: {  	s30 =	sadd.s32 $0x280, s18  }
0xa1: {  	[spmem:s1] =	stream.indirect.scatter.add.f32 [tilespmem:s11], [sflag:$0x1], $0x1, s30, s10, $0xb8;
	[tilespmem:$0x2D80] =	vst v63  }
0xa2: {  	s31 =	sadd.s32 $0x300, s18  }
0xa3: {  	[spmem:s1] =	stream.indirect.scatter.add.f32 [tilespmem:s11], [sflag:$0x1], $0x1, s31, s10, $0xb8;
	[tilespmem:$0x2D80] =	vst v63  }
0xa4: {  	s18 =	sadd.s32 $0x380, s18  }
0xa5: {  	[spmem:s1] =	stream.indirect.scatter.add.f32 [tilespmem:s11], [sflag:$0x1], $0x1, s18, s10, $0xb8;
	[tilespmem:$0x2D80] =	vst v63  }
0xa6: {  	_ =	swait.ge [sflag:s12], $0x80  }
0xa7: {  	[sflag:s12] =	ssyncset.done $0x0  }
0xa8: {  	[sflag:s12] =	ssyncadd.s32 $0xFFFFFF80  }
0xa9: {  	_ =	swait.ge [sflag:s12], $0x80  }
0xaa: {  	[sflag:s12] =	ssyncset.done $0x0  }
0xab: {  	[sflag:s12] =	ssyncadd.s32 $0xFFFFFF80  }
0xac: {  	_ =	swait.ge [sflag:s12], $0x80  }
0xad: {  	[sflag:s12] =	ssyncset.done $0x0  }
0xae: {  	[sflag:s12] =	ssyncadd.s32 $0xFFFFFF80  }
0xaf: {  	_ =	swait.ge [sflag:s12], $0x80  }
0xb0: {  	[sflag:s12] =	ssyncset.done $0x0  }
0xb1: {  	[sflag:s12] =	ssyncadd.s32 $0xFFFFFF80  }
0xb2: {  	_ =	swait.ge [sflag:s12], $0x80  }
0xb3: {  	[sflag:s12] =	ssyncset.done $0x0  }
0xb4: {  	[sflag:s12] =	ssyncadd.s32 $0xFFFFFF80  }
0xb5: {  	_ =	swait.ge [sflag:s12], $0x80  }
0xb6: {  	[sflag:s12] =	ssyncset.done $0x0  }
0xb7: {  	[sflag:s12] =	ssyncadd.s32 $0xFFFFFF80  }
0xb8: {  	_ =	swait.ge [sflag:s12], $0x80  }
0xb9: {  	[sflag:s12] =	ssyncset.done $0x0  }
0xba: {  	[sflag:s12] =	ssyncadd.s32 $0xFFFFFF80  }
0xbb: {  	_ =	swait.ge [sflag:s12], $0x80  }
0xbc: {  	s17 =	sadd.s32 $0x1, s17;
	[sflag:s12] =	ssyncset.done $0x0  }
0xbd: {  	p0 =	sne.s32 s17, s7;
	[sflag:s12] =	ssyncadd.s32 $0xFFFFFF80  }
.Ltmp1:
0xbe: {  	[bflag:$0x0] =	sbarrier.arrive $0xFFFF;
	(pc) =	sbr.rel @p0 .LBB2_1-.Ltmp1, $4  }
0xbf: {  	[hbm:s6@s15], [sflag:s13] =	dma.strided [spmem:s14@s16], $0x50, s12, $0x10   }
0xc0: {  	_ =	swait.ge [sflag:s9], $0x50  }
0xc1: {  	[sflag:s9] =	ssyncset.done $0x0  }
0xc2: {  	[sflag:s9] =	ssyncadd.s32 $0xFFFFFFB0  }
0xc3: {  	_ =	sfence.sel $0x180000  }
0xc4: {  	[bflag:$0x0] =	sbarrier.arrive $0xFFFF  }
0xc5: {  	p0 =	sne.s32 s2, $0x0;
	_ =	strace $0x90000047  }
0xc6: {  	s0 =	sadd.s32 @!p0 $0x100000, s0;
	[bflag:$0x2] =	sbarrier.arrive $0xFFFF  }
0xc7: {  	[sflag:s0] =	ssyncadd.tile.s32 @!p0 $0x1;
	_ =	shalt  }
.Lfunc_end2:
_tile_overlayer_lowered:
.L_overlay_start_2:
0xc8: {  	(tag) =	ssettag $0x2  }
0xc9: {  	s0 =	rddreg [dreg:$0x0];
	s2 =	stileid.u32  }
0xca: {  	s1 =	rddreg [dreg:$0x1];
	p0 =	sne.s32 s2, $0x0  }
0xcb: {  	s3 =	rddreg [dreg:$0x2];
	[bflag:$0x3] =	sbarrier.arrive $0xFFFF;
	s2 =	simm.s32 @!p0 $0x1C02  }
0xcc: {  	[timem:s3], [sflag:s2] =	dma.local @!p0 [hbm:s0], s1  }
0xcd: {  	s0 =	simm.s32 @!p0 $0x2  }
0xce: {  	_ =	swait.ge @!p0 [sflag:s0], s1  }
0xcf: {  	s1 =	ssub.s32 @!p0 $0x0, s1;
	[sflag:s0] =	ssyncset.done @!p0 $0x0  }
0xd0: {  	[sflag:s0] =	ssyncadd.s32 @!p0 s1  }
0xd1: {  	[bflag:$0x3] =	sbarrier.arrive $0xFFFF  }
0xd2: {  	_ =	shalt  }

</sc_bundles>
